<compile_context>
chip_gen: v7x
topology: tpu7x:2x2x1
jax: 0.10.2.dev20260603
libtpu: 0.0.44.dev20260713+nightly
codegen_flags: <defaults>
</compile_context>

<pallas_src>
import functools

import jax
import jax.numpy as jnp
import numpy as np
from jax import lax
from jax.experimental import pallas as pl
from jax.experimental.pallas import tpu as pltpu
from jax.experimental.pallas import tpu_sc as plsc

NUM_STEPS = 16
NUM_HEADS = 4


def _embed_gather(table, flat_idx):
    bt = flat_idx.shape[0]
    d = table.shape[1]
    info = plsc.get_sparse_core_info()
    nw = info.num_cores * info.num_subcores
    b_per_w = bt // nw
    ch = 112
    n_ch = b_per_w // ch
    assert b_per_w % ch == 0 and b_per_w % 8 == 0
    mesh = plsc.VectorSubcoreMesh(core_axis_name="c", subcore_axis_name="s")

    @functools.partial(
        pl.kernel,
        mesh=mesh,
        out_type=jax.ShapeDtypeStruct((bt, d), jnp.float32),
        scratch_types=[
            pltpu.VMEM((ch,), jnp.int32),
            pltpu.VMEM((ch, d), jnp.float32),
            pltpu.SemaphoreType.DMA,
        ],
    )
    def gather_k(table_hbm, idx_hbm, out_hbm, idx_v, rows_v, sem):
        wid = lax.axis_index("s") * info.num_cores + lax.axis_index("c")
        base = wid * b_per_w
        for j in range(n_ch):
            off = base + j * ch
            pltpu.sync_copy(idx_hbm.at[pl.ds(off, ch)], idx_v)
            pltpu.async_copy(table_hbm.at[idx_v], rows_v, sem).wait()
            pltpu.sync_copy(rows_v, out_hbm.at[pl.ds(off, ch)])

    return gather_k(table, flat_idx)


def _ln(x):
    m = jnp.mean(x, axis=-1, keepdims=True)
    v = jnp.mean(x * x, axis=-1, keepdims=True) - m * m
    return (x - m) * lax.rsqrt(v + 1e-6)


def _sig(x):
    return 0.5 + 0.5 * jnp.tanh(0.5 * x)


def _tf_one(emb, st_row, en_row, wq, wk, wv, wo,
            w1, b1v, w2, b2v):
    t, d = emb.shape
    dh = d // NUM_HEADS
    bf = jnp.bfloat16
    h = _ln(emb).astype(bf)
    q = jnp.dot(h, wq, preferred_element_type=jnp.float32)
    k = jnp.dot(h, wk, preferred_element_type=jnp.float32)
    v = jnp.dot(h, wv, preferred_element_type=jnp.float32).astype(bf)
    heads = []
    ones_col = jnp.ones((t, dh), bf)
    for i in range(NUM_HEADS):
        sl = slice(i * dh, (i + 1) * dh)
        qh = q[:, sl].astype(bf)
        kh = k[:, sl].astype(bf)
        s = lax.dot_general(qh, kh, (((1,), (1,)), ((), ())),
                            preferred_element_type=jnp.float32)
        e = jnp.exp(s.astype(bf))
        v_aug = jnp.concatenate([v[:, sl], ones_col], axis=1)
        o_aug = jnp.dot(e, v_aug, preferred_element_type=jnp.float32)
        heads.append(o_aug[:, :dh] * (1.0 / o_aug[:, dh:dh + 1]))
    o = jnp.dot(jnp.concatenate(heads, axis=1).astype(bf), wo,
                preferred_element_type=jnp.float32)
    x = emb + o
    u = _ln(x).astype(bf)
    f = jnp.maximum(
        jnp.dot(u, w1,
                preferred_element_type=jnp.float32).astype(bf)
        + b1v, 0.0)
    y = x + jnp.dot(f, w2,
                    preferred_element_type=jnp.float32) + b2v
    t_col = lax.broadcasted_iota(jnp.int32, (t, 1), 0)
    mask_t = ((t_col >= st_row) & (t_col <= en_row)).astype(jnp.float32)
    y_aug = jnp.concatenate([y, jnp.ones((t, 128), jnp.float32)], axis=1)
    pooled = lax.dot_general(mask_t, y_aug, (((0,), (0,)), ((), ())),
                             preferred_element_type=jnp.float32)
    cnt = pooled[:, d:d + 1]
    return pooled[:, :d] / (cnt + 1e-6)


_TF_BPG = 4


def _tf_body(g_ref, pos_ref, st_ref, en_ref, wq_ref, wk_ref, wv_ref, wo_ref,
             w1_ref, b1_ref, w2_ref, b2_ref, out_ref):
    t, d = pos_ref.shape
    n = st_ref.shape[2]
    bf = jnp.bfloat16
    wq, wk, wv, wo, w1, w2 = (r[...].astype(bf) for r in
                              (wq_ref, wk_ref, wv_ref, wo_ref, w1_ref, w2_ref))
    b1v = b1_ref[...].astype(bf)
    b2v = b2_ref[...]
    for j in range(_TF_BPG):
        emb = g_ref[j * t:(j + 1) * t, :] + pos_ref[...]
        out_ref[j * n:(j + 1) * n, :] = _tf_one(
            emb, st_ref[j], en_ref[j], wq, wk, wv, wo, w1, b1v, w2, b2v)


def _encode_and_pool(gathered2, pos_embed, starts3, ends3,
                     wq, wk, wv, wo, w1, b1r, w2, b2r):
    bt, d = gathered2.shape
    b, _, n = starts3.shape
    t = bt // b
    m = _TF_BPG
    return pl.pallas_call(
        _tf_body,
        grid=(b // m,),
        in_specs=[
            pl.BlockSpec((m * t, d), lambda i: (i, 0)),
            pl.BlockSpec((t, d), lambda i: (0, 0)),
            pl.BlockSpec((m, 1, n), lambda i: (i, 0, 0)),
            pl.BlockSpec((m, 1, n), lambda i: (i, 0, 0)),
            pl.BlockSpec((d, d), lambda i: (0, 0)),
            pl.BlockSpec((d, d), lambda i: (0, 0)),
            pl.BlockSpec((d, d), lambda i: (0, 0)),
            pl.BlockSpec((d, d), lambda i: (0, 0)),
            pl.BlockSpec((d, 4 * d), lambda i: (0, 0)),
            pl.BlockSpec((1, 4 * d), lambda i: (0, 0)),
            pl.BlockSpec((4 * d, d), lambda i: (0, 0)),
            pl.BlockSpec((1, d), lambda i: (0, 0)),
        ],
        out_specs=pl.BlockSpec((m * n, d), lambda i: (i, 0)),
        out_shape=jax.ShapeDtypeStruct((b * n, d), jnp.float32),
    )(gathered2, pos_embed, starts3, ends3, wq, wk, wv, wo, w1, b1r, w2, b2r)


def _rec_body(n, ne_ref, ti_ref, fi_ref, lim_ref, exit_ref,
              wg_ref, ug_ref, bg_ref, wb_ref, bb_ref, wout_ref, bout_ref,
              out_ref):
    bn, d = ne_ref.shape
    nb = bn // n
    bf = jnp.bfloat16
    ne = ne_ref[...]
    a = (jnp.dot(ne, wg_ref[...], preferred_element_type=jnp.float32)
         + bg_ref[...]).astype(bf)
    az, ar, an_ = a[:, :d], a[:, d:2 * d], a[:, 2 * d:]
    dst_row = lax.broadcasted_iota(jnp.int32, (1, n), 1)
    ti_t = jnp.transpose(ti_ref[...])
    fi_t = jnp.transpose(fi_ref[...])
    eqs = []
    for b in range(nb):
        ti_b = ti_t[:, b:b + 1]
        fi_b = fi_t[:, b:b + 1]
        eqs.append(((ti_b == dst_row).astype(jnp.float32),
                    (fi_b == dst_row).astype(jnp.float32)))
    lim = lim_ref[...]
    row = lax.broadcasted_iota(jnp.int32, (bn, 1), 0)
    p0 = ((row % n) == 0).astype(jnp.float32)
    h0 = jnp.zeros((bn, d), jnp.float32)
    ones = jnp.ones((bn, 128), bf)
    ug_bf = ug_ref[...].astype(bf)
    wb_bf = wb_ref[...].astype(bf)

    def step(s, carry):
        h, p = carry
        hb = h.astype(bf)
        bm = jnp.dot(hb, ug_bf, preferred_element_type=jnp.float32).astype(bf)
        z = _sig(az + bm[:, :d])
        r = _sig(ar + bm[:, d:2 * d])
        g = jnp.tanh(an_ + r * bm[:, 2 * d:])
        h2 = (1.0 - z) * g + z * hb
        bl = jnp.dot(h2, wb_bf,
                     preferred_element_type=jnp.float32) + bb_ref[...]
        lt, lf = bl[:, 0:1], bl[:, 1:2]
        pt = p * _sig(lt - lf)
        pf = p - pt
        g_all = jnp.concatenate([h2, ones], axis=1)
        pooled_rows = []
        for b in range(nb):
            lo, hi = b * n, (b + 1) * n
            eq_t, eq_f = eqs[b]
            amat = (pt[lo:hi, :] * eq_t + pf[lo:hi, :] * eq_f).astype(bf)
            pooled_rows.append(
                lax.dot_general(amat, g_all[lo:hi, :], (((0,), (0,)), ((), ())),
                                preferred_element_type=jnp.float32))
        pooled = jnp.concatenate(pooled_rows, axis=0)
        hn = pooled[:, :d]
        pn = pooled[:, d:d + 1]
        hn = jnp.where(pn > 1e-6, hn / (pn + 1e-9), h)
        act = s < lim
        return jnp.where(act, hn, h), jnp.where(act, pn, p)

    hf, _ = lax.fori_loop(0, NUM_STEPS, step, (h0, p0))
    exit_c = exit_ref[...]
    col = lax.broadcasted_iota(jnp.int32, (nb, bn), 1)
    rowb = lax.broadcasted_iota(jnp.int32, (nb, 1), 0)
    onehot = (col == exit_c + rowb * n).astype(jnp.float32)
    ex = jnp.dot(onehot, hf, preferred_element_type=jnp.float32)
    out_ref[...] = jnp.dot(ex, wout_ref[...],
                           preferred_element_type=jnp.float32) + bout_ref[...]


def _recurrent(ne_flat, ti_col, fi_col, lim_col, exit_col,
               wg, ug, bgr, wbp, bbp, woutp, boutp):
    bn, d = ne_flat.shape
    nb = exit_col.shape[0]
    return pl.pallas_call(
        functools.partial(_rec_body, bn // nb),
        out_shape=jax.ShapeDtypeStruct((nb, woutp.shape[1]), jnp.float32),
    )(ne_flat, ti_col, fi_col, lim_col, exit_col,
      wg, ug, bgr, wbp, bbp, woutp, boutp)


def kernel(tokens, node_token_span_starts, node_token_span_ends, edge_sources,
           edge_dests, edge_types, true_branch_nodes, false_branch_nodes,
           exit_index, step_limit, token_embed, pos_embed, Wq, Wk, Wv, Wo,
           W1, b1, W2, b2, Wg, Ug, bg, Wb, bb, Wout, bout):
    b, t = tokens.shape
    n = node_token_span_starts.shape[1]
    d = token_embed.shape[1]
    c = Wout.shape[1]

    bf = jnp.bfloat16
    gathered2 = _embed_gather(token_embed, tokens.reshape(-1))
    node_emb = _encode_and_pool(
        gathered2, pos_embed,
        node_token_span_starts.reshape(b, 1, n),
        node_token_span_ends.reshape(b, 1, n),
        Wq * (1.0 / np.sqrt(d // NUM_HEADS)), Wk, Wv, Wo,
        W1, b1.reshape(1, 4 * d), W2, b2.reshape(1, d))

    pad = 128
    wbp = jnp.pad(Wb, ((0, 0), (0, pad - Wb.shape[1])))
    bbp = jnp.pad(bb, (0, pad - bb.shape[0])).reshape(1, pad)
    woutp = jnp.pad(Wout, ((0, 0), (0, pad - c)))
    boutp = jnp.pad(bout, (0, pad - c)).reshape(1, pad)

    logits_p = _recurrent(
        node_emb,
        true_branch_nodes,
        false_branch_nodes,
        jnp.repeat(step_limit, n).reshape(b * n, 1),
        exit_index.reshape(b, 1),
        Wg, Ug, bg.reshape(1, 3 * d), wbp, bbp, woutp, boutp)
    return logits_p[:, :c]

# --- scband reference (transcript-rebuilt; emitter-appended) ---
"""Pipeline reference for scband-ipagnn-15676630631189 (READ-ONLY COPY).

The authoritative reference and input builder live on the scoring server;
editing this copy changes nothing except your own understanding.
"""

import jax, jax.numpy as jnp
import numpy as np

V = 30000; T = 896; N = 80; E = 160; S = 16; D = 256; H = 4; C = 30; B = 16


def setup_inputs(seed: int = 0) -> dict:
    key = jax.random.key(seed)
    ks = jax.random.split(key, 30)
    tokens = jax.random.randint(ks[0], (B, T), 0, V)
    starts = jnp.sort(jax.random.randint(ks[1], (B, N), 0, T), axis=-1)
    ends = jnp.minimum(starts + jax.random.randint(ks[2], (B, N), 1, 12), T - 1)
    edge_sources = jax.random.randint(ks[3], (B, E), 0, N)
    edge_dests = jax.random.randint(ks[4], (B, E), 0, N)
    edge_types = jax.random.randint(ks[5], (B, E), 0, 6)
    true_branch_nodes = jax.random.randint(ks[6], (B, N), 0, N)
    false_branch_nodes = jax.random.randint(ks[7], (B, N), 0, N)
    exit_index = jax.random.randint(ks[8], (B,), 0, N)
    step_limit = jax.random.randint(ks[9], (B,), 1, S + 1)
    sc = 0.02
    params = dict(
        token_embed=jax.random.normal(ks[10], (V, D)) * sc,
        pos_embed=jax.random.normal(ks[11], (T, D)) * sc,
        Wq=jax.random.normal(ks[12], (D, D)) * sc,
        Wk=jax.random.normal(ks[13], (D, D)) * sc,
        Wv=jax.random.normal(ks[14], (D, D)) * sc,
        Wo=jax.random.normal(ks[15], (D, D)) * sc,
        W1=jax.random.normal(ks[16], (D, 4 * D)) * sc,
        b1=jnp.zeros((4 * D,)),
        W2=jax.random.normal(ks[17], (4 * D, D)) * sc,
        b2=jnp.zeros((D,)),
        Wg=jax.random.normal(ks[18], (D, 3 * D)) * sc,
        Ug=jax.random.normal(ks[19], (D, 3 * D)) * sc,
        bg=jnp.zeros((3 * D,)),
        Wb=jax.random.normal(ks[20], (D, 2)) * sc,
        bb=jnp.zeros((2,)),
        Wout=jax.random.normal(ks[21], (D, C)) * sc,
        bout=jnp.zeros((C,)),
    )
    inp = dict(tokens=tokens, node_token_span_starts=starts, node_token_span_ends=ends,
               edge_sources=edge_sources, edge_dests=edge_dests, edge_types=edge_types,
               true_branch_nodes=true_branch_nodes, false_branch_nodes=false_branch_nodes,
               exit_index=exit_index, step_limit=step_limit)
    inp.update(params)
    return inp


def _ln(x):
    m = x.mean(-1, keepdims=True)
    v = x.var(-1, keepdims=True)
    return (x - m) / jnp.sqrt(v + 1e-6)


def _forward(tokens, starts, ends, true_idx, false_idx, exit_index, step_limit,
             token_embed, pos_embed, Wq, Wk, Wv, Wo, W1, b1, W2, b2,
             Wg, Ug, bg, Wb, bb, Wout, bout):
    dh = D // H
    emb = jnp.take(token_embed, tokens, axis=0) + pos_embed[None, :, :]
    h = _ln(emb)
    q = (h @ Wq).reshape(B, T, H, dh)
    k = (h @ Wk).reshape(B, T, H, dh)
    v = (h @ Wv).reshape(B, T, H, dh)
    scores = jnp.einsum('bqhd,bkhd->bhqk', q, k) / np.sqrt(dh)
    attn = jax.nn.softmax(scores, axis=-1)
    o = jnp.einsum('bhqk,bkhd->bqhd', attn, v).reshape(B, T, D) @ Wo
    x = emb + o
    y = x + (jax.nn.relu(_ln(x) @ W1 + b1) @ W2 + b2)
    tpos = jnp.arange(T)
    mask = ((tpos[None, None, :] >= starts[:, :, None]) & (tpos[None, None, :] <= ends[:, :, None])).astype(jnp.float32)
    node_emb = jnp.einsum('bnt,btd->bnd', mask, y) / (mask.sum(-1, keepdims=True) + 1e-6)

    def gru(xin, hs):
        a = xin @ Wg + bg
        b = hs @ Ug
        z = jax.nn.sigmoid(a[..., :D] + b[..., :D])
        r = jax.nn.sigmoid(a[..., D:2 * D] + b[..., D:2 * D])
        n = jnp.tanh(a[..., 2 * D:] + r * b[..., 2 * D:])
        return (1.0 - z) * n + z * hs

    p0 = jnp.zeros((B, N)).at[:, 0].set(1.0)
    h0 = jnp.zeros((B, N, D))

    def body(carry, step):
        hcur, pcur = carry
        h2 = gru(node_emb, hcur)
        bp = jax.nn.softmax(h2 @ Wb + bb, axis=-1)
        pt = pcur * bp[..., 0]
        pf = pcur * bp[..., 1]

        def scat(pt_i, pf_i, ct, cf, ti, fi):
            pn = jnp.zeros((N,)).at[ti].add(pt_i).at[fi].add(pf_i)
            hn = jnp.zeros((N, D)).at[ti].add(ct).at[fi].add(cf)
            return pn, hn

        pn, hn = jax.vmap(scat)(pt, pf, pt[..., None] * h2, pf[..., None] * h2, true_idx, false_idx)
        hn = jnp.where(pn[..., None] > 1e-6, hn / (pn[..., None] + 1e-9), hcur)
        active = step < step_limit
        pnew = jnp.where(active[:, None], pn, pcur)
        hnew = jnp.where(active[:, None, None], hn, hcur)
        return (hnew, pnew), None

    (hf, pf_), _ = jax.lax.scan(body, (h0, p0), jnp.arange(S))
    exit_emb = hf[jnp.arange(B), exit_index]
    logits = exit_emb @ Wout + bout
    return logits


def reference(tokens, node_token_span_starts, node_token_span_ends, edge_sources, edge_dests,
              edge_types, true_branch_nodes, false_branch_nodes, exit_index, step_limit,
              token_embed, pos_embed, Wq, Wk, Wv, Wo, W1, b1, W2, b2,
              Wg, Ug, bg, Wb, bb, Wout, bout):
    return _forward(tokens, node_token_span_starts, node_token_span_ends,
                    true_branch_nodes, false_branch_nodes, exit_index, step_limit,
                    token_embed, pos_embed, Wq, Wk, Wv, Wo, W1, b1, W2, b2,
                    Wg, Ug, bg, Wb, bb, Wout, bout)

if __name__ == "__main__":
    import jax
    _d = setup_inputs()
    print(jax.jit(kernel)(*tuple(_d.values())))

</pallas_src>

<mosaic_0001>
#map = affine_map<(d0, d1) -> (0, 0)>
#map1 = affine_map<(d0, d1) -> (0)>
module attributes {stable_mosaic.version = 14 : i64} {
  func.func @gather_k(%arg0: i32, %arg1: i32, %arg2: memref<30000x256xf32, #tpu.memory_space<hbm>>, %arg3: memref<14336xi32, #tpu.memory_space<hbm>>, %arg4: memref<14336x256xf32, #tpu.memory_space<hbm>>, %arg5: memref<112xi32, #tpu.memory_space<vmem>>, %arg6: memref<112x256xf32, #tpu.memory_space<vmem>>, %arg7: memref<!tpu.dma_semaphore, #tpu.memory_space<semaphore_mem>>) attributes {dimension_semantics = [#tpu.dimension_semantics<core_parallel>, #tpu.dimension_semantics<subcore_parallel>], iteration_bounds = array<i64: 2, 16>, scalar_prefetch = 0 : i64, scratch_operands = 3 : i64, tpu.core_type = #tpu.core_type<sc_vector_subcore>, window_params = [{transform_indices = #map}, {transform_indices = #map1}, {transform_indices = #map}]} {
    %mul3A = arith.constant 2 : i32
    %mul3A_0 = arith.muli %arg1, %mul3A : i32
    %add3A = arith.addi %mul3A_0, %arg0 : i32
    %mul3A_1 = arith.constant 448 : i32
    %mul3A_2 = arith.muli %add3A, %mul3A_1 : i32
    %add3A_3 = arith.constant 0 : i32
    %add3A_4 = arith.addi %mul3A_2, %add3A_3 : i32
    "tpu.region"() ({
      %run_scoped3A = tpu.sem_alloc : memref<!tpu.dma_semaphore, #tpu.memory_space<semaphore_mem>>
      %dma_start3A_33 = tpu.memref_slice %arg3[%add3A_4] : memref<14336xi32, #tpu.memory_space<hbm>> -> memref<112xi32, #tpu.memory_space<hbm>>
      %dma_start3A_34 = tpu.memref_slice %arg3[%add3A_4] : memref<14336xi32, #tpu.memory_space<hbm>> -> memref<112xi32, #tpu.memory_space<hbm>>
      tpu.enqueue_dma source(%dma_start3A_34 : memref<112xi32, #tpu.memory_space<hbm>>) target(%arg5 : memref<112xi32, #tpu.memory_space<vmem>>) target_semaphore(%run_scoped3A : memref<!tpu.dma_semaphore, #tpu.memory_space<semaphore_mem>>)
      %dma_wait3A_35 = tpu.memref_slice %arg3[%add3A_4] : memref<14336xi32, #tpu.memory_space<hbm>> -> memref<112xi32, #tpu.memory_space<hbm>>
      %dma_wait3A_36 = tpu.memref_slice %arg3[%add3A_4] : memref<14336xi32, #tpu.memory_space<hbm>> -> memref<112xi32, #tpu.memory_space<hbm>>
      tpu.wait_dma2 semaphore(%run_scoped3A : memref<!tpu.dma_semaphore, #tpu.memory_space<semaphore_mem>>) src(%dma_wait3A_36 : memref<112xi32, #tpu.memory_space<hbm>>) dst(%arg5 : memref<112xi32, #tpu.memory_space<vmem>>)
      tpu.yield
    }) : () -> ()
    %dma_start3A = arith.constant 0 : i32
    %dma_start3A_5 = arith.constant 0 : i32
    %dma_start3A_6 = tpu.memref_slice %arg2[%dma_start3A, %dma_start3A_5] : memref<30000x256xf32, #tpu.memory_space<hbm>> -> memref<30000x256xf32, #tpu.memory_space<hbm>>
    tpu.enqueue_indirect_dma source(%dma_start3A_6 : memref<30000x256xf32, #tpu.memory_space<hbm>>) target(%arg6 : memref<112x256xf32, #tpu.memory_space<vmem>>) offsets(%arg5 : memref<112xi32, #tpu.memory_space<vmem>>) semaphore(%arg7 : memref<!tpu.dma_semaphore, #tpu.memory_space<semaphore_mem>>)
    %dma_wait3A = arith.constant 0 : i32
    %dma_wait3A_7 = arith.constant 0 : i32
    %dma_wait3A_8 = tpu.memref_slice %arg2[%dma_wait3A, %dma_wait3A_7] : memref<30000x256xf32, #tpu.memory_space<hbm>> -> memref<30000x256xf32, #tpu.memory_space<hbm>>
    tpu.wait_indirect_dma semaphore(%arg7 : memref<!tpu.dma_semaphore, #tpu.memory_space<semaphore_mem>>) src(%dma_wait3A_8 : memref<30000x256xf32, #tpu.memory_space<hbm>>) dst(%arg6 : memref<112x256xf32, #tpu.memory_space<vmem>>)
    "tpu.region"() ({
      %run_scoped3A = tpu.sem_alloc : memref<!tpu.dma_semaphore, #tpu.memory_space<semaphore_mem>>
      %dma_start3A_33 = arith.constant 0 : i32
      %dma_start3A_34 = tpu.memref_slice %arg4[%add3A_4, %dma_start3A_33] : memref<14336x256xf32, #tpu.memory_space<hbm>> -> memref<112x256xf32, #tpu.memory_space<hbm>>
      %dma_start3A_35 = arith.constant 0 : i32
      %dma_start3A_36 = tpu.memref_slice %arg4[%add3A_4, %dma_start3A_35] : memref<14336x256xf32, #tpu.memory_space<hbm>> -> memref<112x256xf32, #tpu.memory_space<hbm>>
      tpu.enqueue_dma source(%arg6 : memref<112x256xf32, #tpu.memory_space<vmem>>) target(%dma_start3A_36 : memref<112x256xf32, #tpu.memory_space<hbm>>) target_semaphore(%run_scoped3A : memref<!tpu.dma_semaphore, #tpu.memory_space<semaphore_mem>>)
      %dma_wait3A_37 = arith.constant 0 : i32
      %dma_wait3A_38 = tpu.memref_slice %arg4[%add3A_4, %dma_wait3A_37] : memref<14336x256xf32, #tpu.memory_space<hbm>> -> memref<112x256xf32, #tpu.memory_space<hbm>>
      %dma_wait3A_39 = arith.constant 0 : i32
      %dma_wait3A_40 = tpu.memref_slice %arg4[%add3A_4, %dma_wait3A_39] : memref<14336x256xf32, #tpu.memory_space<hbm>> -> memref<112x256xf32, #tpu.memory_space<hbm>>
      tpu.wait_dma2 semaphore(%run_scoped3A : memref<!tpu.dma_semaphore, #tpu.memory_space<semaphore_mem>>) src(%arg6 : memref<112x256xf32, #tpu.memory_space<vmem>>) dst(%dma_wait3A_40 : memref<112x256xf32, #tpu.memory_space<hbm>>)
      tpu.yield
    }) : () -> ()
    %add3A_9 = arith.constant 112 : i32
    %add3A_10 = arith.addi %mul3A_2, %add3A_9 : i32
    "tpu.region"() ({
      %run_scoped3A = tpu.sem_alloc : memref<!tpu.dma_semaphore, #tpu.memory_space<semaphore_mem>>
      %dma_start3A_33 = tpu.memref_slice %arg3[%add3A_10] : memref<14336xi32, #tpu.memory_space<hbm>> -> memref<112xi32, #tpu.memory_space<hbm>>
      %dma_start3A_34 = tpu.memref_slice %arg3[%add3A_10] : memref<14336xi32, #tpu.memory_space<hbm>> -> memref<112xi32, #tpu.memory_space<hbm>>
      tpu.enqueue_dma source(%dma_start3A_34 : memref<112xi32, #tpu.memory_space<hbm>>) target(%arg5 : memref<112xi32, #tpu.memory_space<vmem>>) target_semaphore(%run_scoped3A : memref<!tpu.dma_semaphore, #tpu.memory_space<semaphore_mem>>)
      %dma_wait3A_35 = tpu.memref_slice %arg3[%add3A_10] : memref<14336xi32, #tpu.memory_space<hbm>> -> memref<112xi32, #tpu.memory_space<hbm>>
      %dma_wait3A_36 = tpu.memref_slice %arg3[%add3A_10] : memref<14336xi32, #tpu.memory_space<hbm>> -> memref<112xi32, #tpu.memory_space<hbm>>
      tpu.wait_dma2 semaphore(%run_scoped3A : memref<!tpu.dma_semaphore, #tpu.memory_space<semaphore_mem>>) src(%dma_wait3A_36 : memref<112xi32, #tpu.memory_space<hbm>>) dst(%arg5 : memref<112xi32, #tpu.memory_space<vmem>>)
      tpu.yield
    }) : () -> ()
    %dma_start3A_11 = arith.constant 0 : i32
    %dma_start3A_12 = arith.constant 0 : i32
    %dma_start3A_13 = tpu.memref_slice %arg2[%dma_start3A_11, %dma_start3A_12] : memref<30000x256xf32, #tpu.memory_space<hbm>> -> memref<30000x256xf32, #tpu.memory_space<hbm>>
    tpu.enqueue_indirect_dma source(%dma_start3A_13 : memref<30000x256xf32, #tpu.memory_space<hbm>>) target(%arg6 : memref<112x256xf32, #tpu.memory_space<vmem>>) offsets(%arg5 : memref<112xi32, #tpu.memory_space<vmem>>) semaphore(%arg7 : memref<!tpu.dma_semaphore, #tpu.memory_space<semaphore_mem>>)
    %dma_wait3A_14 = arith.constant 0 : i32
    %dma_wait3A_15 = arith.constant 0 : i32
    %dma_wait3A_16 = tpu.memref_slice %arg2[%dma_wait3A_14, %dma_wait3A_15] : memref<30000x256xf32, #tpu.memory_space<hbm>> -> memref<30000x256xf32, #tpu.memory_space<hbm>>
    tpu.wait_indirect_dma semaphore(%arg7 : memref<!tpu.dma_semaphore, #tpu.memory_space<semaphore_mem>>) src(%dma_wait3A_16 : memref<30000x256xf32, #tpu.memory_space<hbm>>) dst(%arg6 : memref<112x256xf32, #tpu.memory_space<vmem>>)
    "tpu.region"() ({
      %run_scoped3A = tpu.sem_alloc : memref<!tpu.dma_semaphore, #tpu.memory_space<semaphore_mem>>
      %dma_start3A_33 = arith.constant 0 : i32
      %dma_start3A_34 = tpu.memref_slice %arg4[%add3A_10, %dma_start3A_33] : memref<14336x256xf32, #tpu.memory_space<hbm>> -> memref<112x256xf32, #tpu.memory_space<hbm>>
      %dma_start3A_35 = arith.constant 0 : i32
      %dma_start3A_36 = tpu.memref_slice %arg4[%add3A_10, %dma_start3A_35] : memref<14336x256xf32, #tpu.memory_space<hbm>> -> memref<112x256xf32, #tpu.memory_space<hbm>>
      tpu.enqueue_dma source(%arg6 : memref<112x256xf32, #tpu.memory_space<vmem>>) target(%dma_start3A_36 : memref<112x256xf32, #tpu.memory_space<hbm>>) target_semaphore(%run_scoped3A : memref<!tpu.dma_semaphore, #tpu.memory_space<semaphore_mem>>)
      %dma_wait3A_37 = arith.constant 0 : i32
      %dma_wait3A_38 = tpu.memref_slice %arg4[%add3A_10, %dma_wait3A_37] : memref<14336x256xf32, #tpu.memory_space<hbm>> -> memref<112x256xf32, #tpu.memory_space<hbm>>
      %dma_wait3A_39 = arith.constant 0 : i32
      %dma_wait3A_40 = tpu.memref_slice %arg4[%add3A_10, %dma_wait3A_39] : memref<14336x256xf32, #tpu.memory_space<hbm>> -> memref<112x256xf32, #tpu.memory_space<hbm>>
      tpu.wait_dma2 semaphore(%run_scoped3A : memref<!tpu.dma_semaphore, #tpu.memory_space<semaphore_mem>>) src(%arg6 : memref<112x256xf32, #tpu.memory_space<vmem>>) dst(%dma_wait3A_40 : memref<112x256xf32, #tpu.memory_space<hbm>>)
      tpu.yield
    }) : () -> ()
    %add3A_17 = arith.constant 224 : i32
    %add3A_18 = arith.addi %mul3A_2, %add3A_17 : i32
    "tpu.region"() ({
      %run_scoped3A = tpu.sem_alloc : memref<!tpu.dma_semaphore, #tpu.memory_space<semaphore_mem>>
      %dma_start3A_33 = tpu.memref_slice %arg3[%add3A_18] : memref<14336xi32, #tpu.memory_space<hbm>> -> memref<112xi32, #tpu.memory_space<hbm>>
      %dma_start3A_34 = tpu.memref_slice %arg3[%add3A_18] : memref<14336xi32, #tpu.memory_space<hbm>> -> memref<112xi32, #tpu.memory_space<hbm>>
      tpu.enqueue_dma source(%dma_start3A_34 : memref<112xi32, #tpu.memory_space<hbm>>) target(%arg5 : memref<112xi32, #tpu.memory_space<vmem>>) target_semaphore(%run_scoped3A : memref<!tpu.dma_semaphore, #tpu.memory_space<semaphore_mem>>)
      %dma_wait3A_35 = tpu.memref_slice %arg3[%add3A_18] : memref<14336xi32, #tpu.memory_space<hbm>> -> memref<112xi32, #tpu.memory_space<hbm>>
      %dma_wait3A_36 = tpu.memref_slice %arg3[%add3A_18] : memref<14336xi32, #tpu.memory_space<hbm>> -> memref<112xi32, #tpu.memory_space<hbm>>
      tpu.wait_dma2 semaphore(%run_scoped3A : memref<!tpu.dma_semaphore, #tpu.memory_space<semaphore_mem>>) src(%dma_wait3A_36 : memref<112xi32, #tpu.memory_space<hbm>>) dst(%arg5 : memref<112xi32, #tpu.memory_space<vmem>>)
      tpu.yield
    }) : () -> ()
    %dma_start3A_19 = arith.constant 0 : i32
    %dma_start3A_20 = arith.constant 0 : i32
    %dma_start3A_21 = tpu.memref_slice %arg2[%dma_start3A_19, %dma_start3A_20] : memref<30000x256xf32, #tpu.memory_space<hbm>> -> memref<30000x256xf32, #tpu.memory_space<hbm>>
    tpu.enqueue_indirect_dma source(%dma_start3A_21 : memref<30000x256xf32, #tpu.memory_space<hbm>>) target(%arg6 : memref<112x256xf32, #tpu.memory_space<vmem>>) offsets(%arg5 : memref<112xi32, #tpu.memory_space<vmem>>) semaphore(%arg7 : memref<!tpu.dma_semaphore, #tpu.memory_space<semaphore_mem>>)
    %dma_wait3A_22 = arith.constant 0 : i32
    %dma_wait3A_23 = arith.constant 0 : i32
    %dma_wait3A_24 = tpu.memref_slice %arg2[%dma_wait3A_22, %dma_wait3A_23] : memref<30000x256xf32, #tpu.memory_space<hbm>> -> memref<30000x256xf32, #tpu.memory_space<hbm>>
    tpu.wait_indirect_dma semaphore(%arg7 : memref<!tpu.dma_semaphore, #tpu.memory_space<semaphore_mem>>) src(%dma_wait3A_24 : memref<30000x256xf32, #tpu.memory_space<hbm>>) dst(%arg6 : memref<112x256xf32, #tpu.memory_space<vmem>>)
    "tpu.region"() ({
      %run_scoped3A = tpu.sem_alloc : memref<!tpu.dma_semaphore, #tpu.memory_space<semaphore_mem>>
      %dma_start3A_33 = arith.constant 0 : i32
      %dma_start3A_34 = tpu.memref_slice %arg4[%add3A_18, %dma_start3A_33] : memref<14336x256xf32, #tpu.memory_space<hbm>> -> memref<112x256xf32, #tpu.memory_space<hbm>>
      %dma_start3A_35 = arith.constant 0 : i32
      %dma_start3A_36 = tpu.memref_slice %arg4[%add3A_18, %dma_start3A_35] : memref<14336x256xf32, #tpu.memory_space<hbm>> -> memref<112x256xf32, #tpu.memory_space<hbm>>
      tpu.enqueue_dma source(%arg6 : memref<112x256xf32, #tpu.memory_space<vmem>>) target(%dma_start3A_36 : memref<112x256xf32, #tpu.memory_space<hbm>>) target_semaphore(%run_scoped3A : memref<!tpu.dma_semaphore, #tpu.memory_space<semaphore_mem>>)
      %dma_wait3A_37 = arith.constant 0 : i32
      %dma_wait3A_38 = tpu.memref_slice %arg4[%add3A_18, %dma_wait3A_37] : memref<14336x256xf32, #tpu.memory_space<hbm>> -> memref<112x256xf32, #tpu.memory_space<hbm>>
      %dma_wait3A_39 = arith.constant 0 : i32
      %dma_wait3A_40 = tpu.memref_slice %arg4[%add3A_18, %dma_wait3A_39] : memref<14336x256xf32, #tpu.memory_space<hbm>> -> memref<112x256xf32, #tpu.memory_space<hbm>>
      tpu.wait_dma2 semaphore(%run_scoped3A : memref<!tpu.dma_semaphore, #tpu.memory_space<semaphore_mem>>) src(%arg6 : memref<112x256xf32, #tpu.memory_space<vmem>>) dst(%dma_wait3A_40 : memref<112x256xf32, #tpu.memory_space<hbm>>)
      tpu.yield
    }) : () -> ()
    %add3A_25 = arith.constant 336 : i32
    %add3A_26 = arith.addi %mul3A_2, %add3A_25 : i32
    "tpu.region"() ({
      %run_scoped3A = tpu.sem_alloc : memref<!tpu.dma_semaphore, #tpu.memory_space<semaphore_mem>>
      %dma_start3A_33 = tpu.memref_slice %arg3[%add3A_26] : memref<14336xi32, #tpu.memory_space<hbm>> -> memref<112xi32, #tpu.memory_space<hbm>>
      %dma_start3A_34 = tpu.memref_slice %arg3[%add3A_26] : memref<14336xi32, #tpu.memory_space<hbm>> -> memref<112xi32, #tpu.memory_space<hbm>>
      tpu.enqueue_dma source(%dma_start3A_34 : memref<112xi32, #tpu.memory_space<hbm>>) target(%arg5 : memref<112xi32, #tpu.memory_space<vmem>>) target_semaphore(%run_scoped3A : memref<!tpu.dma_semaphore, #tpu.memory_space<semaphore_mem>>)
      %dma_wait3A_35 = tpu.memref_slice %arg3[%add3A_26] : memref<14336xi32, #tpu.memory_space<hbm>> -> memref<112xi32, #tpu.memory_space<hbm>>
      %dma_wait3A_36 = tpu.memref_slice %arg3[%add3A_26] : memref<14336xi32, #tpu.memory_space<hbm>> -> memref<112xi32, #tpu.memory_space<hbm>>
      tpu.wait_dma2 semaphore(%run_scoped3A : memref<!tpu.dma_semaphore, #tpu.memory_space<semaphore_mem>>) src(%dma_wait3A_36 : memref<112xi32, #tpu.memory_space<hbm>>) dst(%arg5 : memref<112xi32, #tpu.memory_space<vmem>>)
      tpu.yield
    }) : () -> ()
    %dma_start3A_27 = arith.constant 0 : i32
    %dma_start3A_28 = arith.constant 0 : i32
    %dma_start3A_29 = tpu.memref_slice %arg2[%dma_start3A_27, %dma_start3A_28] : memref<30000x256xf32, #tpu.memory_space<hbm>> -> memref<30000x256xf32, #tpu.memory_space<hbm>>
    tpu.enqueue_indirect_dma source(%dma_start3A_29 : memref<30000x256xf32, #tpu.memory_space<hbm>>) target(%arg6 : memref<112x256xf32, #tpu.memory_space<vmem>>) offsets(%arg5 : memref<112xi32, #tpu.memory_space<vmem>>) semaphore(%arg7 : memref<!tpu.dma_semaphore, #tpu.memory_space<semaphore_mem>>)
    %dma_wait3A_30 = arith.constant 0 : i32
    %dma_wait3A_31 = arith.constant 0 : i32
    %dma_wait3A_32 = tpu.memref_slice %arg2[%dma_wait3A_30, %dma_wait3A_31] : memref<30000x256xf32, #tpu.memory_space<hbm>> -> memref<30000x256xf32, #tpu.memory_space<hbm>>
    tpu.wait_indirect_dma semaphore(%arg7 : memref<!tpu.dma_semaphore, #tpu.memory_space<semaphore_mem>>) src(%dma_wait3A_32 : memref<30000x256xf32, #tpu.memory_space<hbm>>) dst(%arg6 : memref<112x256xf32, #tpu.memory_space<vmem>>)
    "tpu.region"() ({
      %run_scoped3A = tpu.sem_alloc : memref<!tpu.dma_semaphore, #tpu.memory_space<semaphore_mem>>
      %dma_start3A_33 = arith.constant 0 : i32
      %dma_start3A_34 = tpu.memref_slice %arg4[%add3A_26, %dma_start3A_33] : memref<14336x256xf32, #tpu.memory_space<hbm>> -> memref<112x256xf32, #tpu.memory_space<hbm>>
      %dma_start3A_35 = arith.constant 0 : i32
      %dma_start3A_36 = tpu.memref_slice %arg4[%add3A_26, %dma_start3A_35] : memref<14336x256xf32, #tpu.memory_space<hbm>> -> memref<112x256xf32, #tpu.memory_space<hbm>>
      tpu.enqueue_dma source(%arg6 : memref<112x256xf32, #tpu.memory_space<vmem>>) target(%dma_start3A_36 : memref<112x256xf32, #tpu.memory_space<hbm>>) target_semaphore(%run_scoped3A : memref<!tpu.dma_semaphore, #tpu.memory_space<semaphore_mem>>)
      %dma_wait3A_37 = arith.constant 0 : i32
      %dma_wait3A_38 = tpu.memref_slice %arg4[%add3A_26, %dma_wait3A_37] : memref<14336x256xf32, #tpu.memory_space<hbm>> -> memref<112x256xf32, #tpu.memory_space<hbm>>
      %dma_wait3A_39 = arith.constant 0 : i32
      %dma_wait3A_40 = tpu.memref_slice %arg4[%add3A_26, %dma_wait3A_39] : memref<14336x256xf32, #tpu.memory_space<hbm>> -> memref<112x256xf32, #tpu.memory_space<hbm>>
      tpu.wait_dma2 semaphore(%run_scoped3A : memref<!tpu.dma_semaphore, #tpu.memory_space<semaphore_mem>>) src(%arg6 : memref<112x256xf32, #tpu.memory_space<vmem>>) dst(%dma_wait3A_40 : memref<112x256xf32, #tpu.memory_space<hbm>>)
      tpu.yield
    }) : () -> ()
    return
  }
}

module attributes {stable_mosaic.version = 14 : i64} {
  func.func @_rec_body(%arg0: memref<1280x256xf32, #tpu.memory_space<vmem>>, %arg1: memref<16x80xi32, #tpu.memory_space<vmem>>, %arg2: memref<16x80xi32, #tpu.memory_space<vmem>>, %arg3: memref<1280x1xi32, #tpu.memory_space<vmem>>, %arg4: memref<16x1xi32, #tpu.memory_space<vmem>>, %arg5: memref<256x768xf32, #tpu.memory_space<vmem>>, %arg6: memref<256x768xf32, #tpu.memory_space<vmem>>, %arg7: memref<1x768xf32, #tpu.memory_space<vmem>>, %arg8: memref<256x128xf32, #tpu.memory_space<vmem>>, %arg9: memref<1x128xf32, #tpu.memory_space<vmem>>, %arg10: memref<256x128xf32, #tpu.memory_space<vmem>>, %arg11: memref<1x128xf32, #tpu.memory_space<vmem>>, %arg12: memref<16x128xf32, #tpu.memory_space<vmem>>) attributes {dimension_semantics = [], scalar_prefetch = 0 : i64, scratch_operands = 0 : i64, tpu.core_type = #tpu.core_type<tc>} {
    %get3A = arith.constant 0 : index
    %get3A_0 = arith.constant 0 : index
    %get3A_1 = vector.load %arg0[%get3A, %get3A_0] : memref<1280x256xf32, #tpu.memory_space<vmem>>, vector<1280x256xf32>
    %get3A_2 = arith.constant 0 : index
    %get3A_3 = arith.constant 0 : index
    %get3A_4 = vector.load %arg5[%get3A_2, %get3A_3] : memref<256x768xf32, #tpu.memory_space<vmem>>, vector<256x768xf32>
    %dot_general3A = arith.constant dense<0.000000e+00> : vector<1280x768xf32>
    %dot_general3A_5 = tpu.matmul %get3A_1, %get3A_4, %dot_general3A {dimension_numbers = #tpu.dot_dimension_numbers<[1], [0], [0], [1], [0, 0, 1, 1], [], []>, transpose_lhs_hint = false} : vector<1280x256xf32>, vector<256x768xf32>, vector<1280x768xf32> -> vector<1280x768xf32>
    %get3A_6 = arith.constant 0 : index
    %get3A_7 = arith.constant 0 : index
    %get3A_8 = vector.load %arg7[%get3A_6, %get3A_7] : memref<1x768xf32, #tpu.memory_space<vmem>>, vector<1x768xf32>
    %add3A = vector.broadcast %get3A_8 : vector<1x768xf32> to vector<1280x768xf32>
    %add3A_9 = arith.addf %dot_general3A_5, %add3A : vector<1280x768xf32>
    %convert_element_type3A = arith.truncf %add3A_9 : vector<1280x768xf32> to vector<1280x768xbf16>
    %slice3A = vector.extract_strided_slice %convert_element_type3A {offsets = [0, 0], sizes = [1280, 256], strides = [1, 1]} : vector<1280x768xbf16> to vector<1280x256xbf16>
    %slice3A_10 = vector.extract_strided_slice %convert_element_type3A {offsets = [0, 256], sizes = [1280, 256], strides = [1, 1]} : vector<1280x768xbf16> to vector<1280x256xbf16>
    %slice3A_11 = vector.extract_strided_slice %convert_element_type3A {offsets = [0, 512], sizes = [1280, 256], strides = [1, 1]} : vector<1280x768xbf16> to vector<1280x256xbf16>
    %iota3A = tpu.iota {dimensions = array<i32: 1>} : vector<1x80xi32>
    %get3A_12 = arith.constant 0 : index
    %get3A_13 = arith.constant 0 : index
    %get3A_14 = vector.load %arg1[%get3A_12, %get3A_13] : memref<16x80xi32, #tpu.memory_space<vmem>>, vector<16x80xi32>
    %transpose3A = tpu.transpose %get3A_14, [1, 0] : vector<16x80xi32> -> vector<80x16xi32>
    %get3A_15 = arith.constant 0 : index
    %get3A_16 = arith.constant 0 : index
    %get3A_17 = vector.load %arg2[%get3A_15, %get3A_16] : memref<16x80xi32, #tpu.memory_space<vmem>>, vector<16x80xi32>
    %transpose3A_18 = tpu.transpose %get3A_17, [1, 0] : vector<16x80xi32> -> vector<80x16xi32>
    %slice3A_19 = vector.extract_strided_slice %transpose3A {offsets = [0, 0], sizes = [80, 1], strides = [1, 1]} : vector<80x16xi32> to vector<80x1xi32>
    %slice3A_20 = vector.extract_strided_slice %transpose3A_18 {offsets = [0, 0], sizes = [80, 1], strides = [1, 1]} : vector<80x16xi32> to vector<80x1xi32>
    %eq3A = vector.broadcast %slice3A_19 : vector<80x1xi32> to vector<80x80xi32>
    %eq3A_21 = vector.broadcast %iota3A : vector<1x80xi32> to vector<80x80xi32>
    %eq3A_22 = arith.cmpi eq, %eq3A, %eq3A_21 : vector<80x80xi32>
    %convert_element_type3A_23 = arith.extui %eq3A_22 : vector<80x80xi1> to vector<80x80xi32>
    %convert_element_type3A_24 = arith.sitofp %convert_element_type3A_23 : vector<80x80xi32> to vector<80x80xf32>
    %eq3A_25 = vector.broadcast %slice3A_20 : vector<80x1xi32> to vector<80x80xi32>
    %eq3A_26 = vector.broadcast %iota3A : vector<1x80xi32> to vector<80x80xi32>
    %eq3A_27 = arith.cmpi eq, %eq3A_25, %eq3A_26 : vector<80x80xi32>
    %convert_element_type3A_28 = arith.extui %eq3A_27 : vector<80x80xi1> to vector<80x80xi32>
    %convert_element_type3A_29 = arith.sitofp %convert_element_type3A_28 : vector<80x80xi32> to vector<80x80xf32>
    %slice3A_30 = vector.extract_strided_slice %transpose3A {offsets = [0, 1], sizes = [80, 1], strides = [1, 1]} : vector<80x16xi32> to vector<80x1xi32>
    %slice3A_31 = vector.extract_strided_slice %transpose3A_18 {offsets = [0, 1], sizes = [80, 1], strides = [1, 1]} : vector<80x16xi32> to vector<80x1xi32>
    %eq3A_32 = vector.broadcast %slice3A_30 : vector<80x1xi32> to vector<80x80xi32>
    %eq3A_33 = vector.broadcast %iota3A : vector<1x80xi32> to vector<80x80xi32>
    %eq3A_34 = arith.cmpi eq, %eq3A_32, %eq3A_33 : vector<80x80xi32>
    %convert_element_type3A_35 = arith.extui %eq3A_34 : vector<80x80xi1> to vector<80x80xi32>
    %convert_element_type3A_36 = arith.sitofp %convert_element_type3A_35 : vector<80x80xi32> to vector<80x80xf32>
    %eq3A_37 = vector.broadcast %slice3A_31 : vector<80x1xi32> to vector<80x80xi32>
    %eq3A_38 = vector.broadcast %iota3A : vector<1x80xi32> to vector<80x80xi32>
    %eq3A_39 = arith.cmpi eq, %eq3A_37, %eq3A_38 : vector<80x80xi32>
    %convert_element_type3A_40 = arith.extui %eq3A_39 : vector<80x80xi1> to vector<80x80xi32>
    %convert_element_type3A_41 = arith.sitofp %convert_element_type3A_40 : vector<80x80xi32> to vector<80x80xf32>
    %slice3A_42 = vector.extract_strided_slice %transpose3A {offsets = [0, 2], sizes = [80, 1], strides = [1, 1]} : vector<80x16xi32> to vector<80x1xi32>
    %slice3A_43 = vector.extract_strided_slice %transpose3A_18 {offsets = [0, 2], sizes = [80, 1], strides = [1, 1]} : vector<80x16xi32> to vector<80x1xi32>
    %eq3A_44 = vector.broadcast %slice3A_42 : vector<80x1xi32> to vector<80x80xi32>
    %eq3A_45 = vector.broadcast %iota3A : vector<1x80xi32> to vector<80x80xi32>
    %eq3A_46 = arith.cmpi eq, %eq3A_44, %eq3A_45 : vector<80x80xi32>
    %convert_element_type3A_47 = arith.extui %eq3A_46 : vector<80x80xi1> to vector<80x80xi32>
    %convert_element_type3A_48 = arith.sitofp %convert_element_type3A_47 : vector<80x80xi32> to vector<80x80xf32>
    %eq3A_49 = vector.broadcast %slice3A_43 : vector<80x1xi32> to vector<80x80xi32>
    %eq3A_50 = vector.broadcast %iota3A : vector<1x80xi32> to vector<80x80xi32>
    %eq3A_51 = arith.cmpi eq, %eq3A_49, %eq3A_50 : vector<80x80xi32>
    %convert_element_type3A_52 = arith.extui %eq3A_51 : vector<80x80xi1> to vector<80x80xi32>
    %convert_element_type3A_53 = arith.sitofp %convert_element_type3A_52 : vector<80x80xi32> to vector<80x80xf32>
    %slice3A_54 = vector.extract_strided_slice %transpose3A {offsets = [0, 3], sizes = [80, 1], strides = [1, 1]} : vector<80x16xi32> to vector<80x1xi32>
    %slice3A_55 = vector.extract_strided_slice %transpose3A_18 {offsets = [0, 3], sizes = [80, 1], strides = [1, 1]} : vector<80x16xi32> to vector<80x1xi32>
    %eq3A_56 = vector.broadcast %slice3A_54 : vector<80x1xi32> to vector<80x80xi32>
    %eq3A_57 = vector.broadcast %iota3A : vector<1x80xi32> to vector<80x80xi32>
    %eq3A_58 = arith.cmpi eq, %eq3A_56, %eq3A_57 : vector<80x80xi32>
    %convert_element_type3A_59 = arith.extui %eq3A_58 : vector<80x80xi1> to vector<80x80xi32>
    %convert_element_type3A_60 = arith.sitofp %convert_element_type3A_59 : vector<80x80xi32> to vector<80x80xf32>
    %eq3A_61 = vector.broadcast %slice3A_55 : vector<80x1xi32> to vector<80x80xi32>
    %eq3A_62 = vector.broadcast %iota3A : vector<1x80xi32> to vector<80x80xi32>
    %eq3A_63 = arith.cmpi eq, %eq3A_61, %eq3A_62 : vector<80x80xi32>
    %convert_element_type3A_64 = arith.extui %eq3A_63 : vector<80x80xi1> to vector<80x80xi32>
    %convert_element_type3A_65 = arith.sitofp %convert_element_type3A_64 : vector<80x80xi32> to vector<80x80xf32>
    %slice3A_66 = vector.extract_strided_slice %transpose3A {offsets = [0, 4], sizes = [80, 1], strides = [1, 1]} : vector<80x16xi32> to vector<80x1xi32>
    %slice3A_67 = vector.extract_strided_slice %transpose3A_18 {offsets = [0, 4], sizes = [80, 1], strides = [1, 1]} : vector<80x16xi32> to vector<80x1xi32>
    %eq3A_68 = vector.broadcast %slice3A_66 : vector<80x1xi32> to vector<80x80xi32>
    %eq3A_69 = vector.broadcast %iota3A : vector<1x80xi32> to vector<80x80xi32>
    %eq3A_70 = arith.cmpi eq, %eq3A_68, %eq3A_69 : vector<80x80xi32>
    %convert_element_type3A_71 = arith.extui %eq3A_70 : vector<80x80xi1> to vector<80x80xi32>
    %convert_element_type3A_72 = arith.sitofp %convert_element_type3A_71 : vector<80x80xi32> to vector<80x80xf32>
    %eq3A_73 = vector.broadcast %slice3A_67 : vector<80x1xi32> to vector<80x80xi32>
    %eq3A_74 = vector.broadcast %iota3A : vector<1x80xi32> to vector<80x80xi32>
    %eq3A_75 = arith.cmpi eq, %eq3A_73, %eq3A_74 : vector<80x80xi32>
    %convert_element_type3A_76 = arith.extui %eq3A_75 : vector<80x80xi1> to vector<80x80xi32>
    %convert_element_type3A_77 = arith.sitofp %convert_element_type3A_76 : vector<80x80xi32> to vector<80x80xf32>
    %slice3A_78 = vector.extract_strided_slice %transpose3A {offsets = [0, 5], sizes = [80, 1], strides = [1, 1]} : vector<80x16xi32> to vector<80x1xi32>
    %slice3A_79 = vector.extract_strided_slice %transpose3A_18 {offsets = [0, 5], sizes = [80, 1], strides = [1, 1]} : vector<80x16xi32> to vector<80x1xi32>
    %eq3A_80 = vector.broadcast %slice3A_78 : vector<80x1xi32> to vector<80x80xi32>
    %eq3A_81 = vector.broadcast %iota3A : vector<1x80xi32> to vector<80x80xi32>
    %eq3A_82 = arith.cmpi eq, %eq3A_80, %eq3A_81 : vector<80x80xi32>
    %convert_element_type3A_83 = arith.extui %eq3A_82 : vector<80x80xi1> to vector<80x80xi32>
    %convert_element_type3A_84 = arith.sitofp %convert_element_type3A_83 : vector<80x80xi32> to vector<80x80xf32>
    %eq3A_85 = vector.broadcast %slice3A_79 : vector<80x1xi32> to vector<80x80xi32>
    %eq3A_86 = vector.broadcast %iota3A : vector<1x80xi32> to vector<80x80xi32>
    %eq3A_87 = arith.cmpi eq, %eq3A_85, %eq3A_86 : vector<80x80xi32>
    %convert_element_type3A_88 = arith.extui %eq3A_87 : vector<80x80xi1> to vector<80x80xi32>
    %convert_element_type3A_89 = arith.sitofp %convert_element_type3A_88 : vector<80x80xi32> to vector<80x80xf32>
    %slice3A_90 = vector.extract_strided_slice %transpose3A {offsets = [0, 6], sizes = [80, 1], strides = [1, 1]} : vector<80x16xi32> to vector<80x1xi32>
    %slice3A_91 = vector.extract_strided_slice %transpose3A_18 {offsets = [0, 6], sizes = [80, 1], strides = [1, 1]} : vector<80x16xi32> to vector<80x1xi32>
    %eq3A_92 = vector.broadcast %slice3A_90 : vector<80x1xi32> to vector<80x80xi32>
    %eq3A_93 = vector.broadcast %iota3A : vector<1x80xi32> to vector<80x80xi32>
    %eq3A_94 = arith.cmpi eq, %eq3A_92, %eq3A_93 : vector<80x80xi32>
    %convert_element_type3A_95 = arith.extui %eq3A_94 : vector<80x80xi1> to vector<80x80xi32>
    %convert_element_type3A_96 = arith.sitofp %convert_element_type3A_95 : vector<80x80xi32> to vector<80x80xf32>
    %eq3A_97 = vector.broadcast %slice3A_91 : vector<80x1xi32> to vector<80x80xi32>
    %eq3A_98 = vector.broadcast %iota3A : vector<1x80xi32> to vector<80x80xi32>
    %eq3A_99 = arith.cmpi eq, %eq3A_97, %eq3A_98 : vector<80x80xi32>
    %convert_element_type3A_100 = arith.extui %eq3A_99 : vector<80x80xi1> to vector<80x80xi32>
    %convert_element_type3A_101 = arith.sitofp %convert_element_type3A_100 : vector<80x80xi32> to vector<80x80xf32>
    %slice3A_102 = vector.extract_strided_slice %transpose3A {offsets = [0, 7], sizes = [80, 1], strides = [1, 1]} : vector<80x16xi32> to vector<80x1xi32>
    %slice3A_103 = vector.extract_strided_slice %transpose3A_18 {offsets = [0, 7], sizes = [80, 1], strides = [1, 1]} : vector<80x16xi32> to vector<80x1xi32>
    %eq3A_104 = vector.broadcast %slice3A_102 : vector<80x1xi32> to vector<80x80xi32>
    %eq3A_105 = vector.broadcast %iota3A : vector<1x80xi32> to vector<80x80xi32>
    %eq3A_106 = arith.cmpi eq, %eq3A_104, %eq3A_105 : vector<80x80xi32>
    %convert_element_type3A_107 = arith.extui %eq3A_106 : vector<80x80xi1> to vector<80x80xi32>
    %convert_element_type3A_108 = arith.sitofp %convert_element_type3A_107 : vector<80x80xi32> to vector<80x80xf32>
    %eq3A_109 = vector.broadcast %slice3A_103 : vector<80x1xi32> to vector<80x80xi32>
    %eq3A_110 = vector.broadcast %iota3A : vector<1x80xi32> to vector<80x80xi32>
    %eq3A_111 = arith.cmpi eq, %eq3A_109, %eq3A_110 : vector<80x80xi32>
    %convert_element_type3A_112 = arith.extui %eq3A_111 : vector<80x80xi1> to vector<80x80xi32>
    %convert_element_type3A_113 = arith.sitofp %convert_element_type3A_112 : vector<80x80xi32> to vector<80x80xf32>
    %slice3A_114 = vector.extract_strided_slice %transpose3A {offsets = [0, 8], sizes = [80, 1], strides = [1, 1]} : vector<80x16xi32> to vector<80x1xi32>
    %slice3A_115 = vector.extract_strided_slice %transpose3A_18 {offsets = [0, 8], sizes = [80, 1], strides = [1, 1]} : vector<80x16xi32> to vector<80x1xi32>
    %eq3A_116 = vector.broadcast %slice3A_114 : vector<80x1xi32> to vector<80x80xi32>
    %eq3A_117 = vector.broadcast %iota3A : vector<1x80xi32> to vector<80x80xi32>
    %eq3A_118 = arith.cmpi eq, %eq3A_116, %eq3A_117 : vector<80x80xi32>
    %convert_element_type3A_119 = arith.extui %eq3A_118 : vector<80x80xi1> to vector<80x80xi32>
    %convert_element_type3A_120 = arith.sitofp %convert_element_type3A_119 : vector<80x80xi32> to vector<80x80xf32>
    %eq3A_121 = vector.broadcast %slice3A_115 : vector<80x1xi32> to vector<80x80xi32>
    %eq3A_122 = vector.broadcast %iota3A : vector<1x80xi32> to vector<80x80xi32>
    %eq3A_123 = arith.cmpi eq, %eq3A_121, %eq3A_122 : vector<80x80xi32>
    %convert_element_type3A_124 = arith.extui %eq3A_123 : vector<80x80xi1> to vector<80x80xi32>
    %convert_element_type3A_125 = arith.sitofp %convert_element_type3A_124 : vector<80x80xi32> to vector<80x80xf32>
    %slice3A_126 = vector.extract_strided_slice %transpose3A {offsets = [0, 9], sizes = [80, 1], strides = [1, 1]} : vector<80x16xi32> to vector<80x1xi32>
    %slice3A_127 = vector.extract_strided_slice %transpose3A_18 {offsets = [0, 9], sizes = [80, 1], strides = [1, 1]} : vector<80x16xi32> to vector<80x1xi32>
    %eq3A_128 = vector.broadcast %slice3A_126 : vector<80x1xi32> to vector<80x80xi32>
    %eq3A_129 = vector.broadcast %iota3A : vector<1x80xi32> to vector<80x80xi32>
    %eq3A_130 = arith.cmpi eq, %eq3A_128, %eq3A_129 : vector<80x80xi32>
    %convert_element_type3A_131 = arith.extui %eq3A_130 : vector<80x80xi1> to vector<80x80xi32>
    %convert_element_type3A_132 = arith.sitofp %convert_element_type3A_131 : vector<80x80xi32> to vector<80x80xf32>
    %eq3A_133 = vector.broadcast %slice3A_127 : vector<80x1xi32> to vector<80x80xi32>
    %eq3A_134 = vector.broadcast %iota3A : vector<1x80xi32> to vector<80x80xi32>
    %eq3A_135 = arith.cmpi eq, %eq3A_133, %eq3A_134 : vector<80x80xi32>
    %convert_element_type3A_136 = arith.extui %eq3A_135 : vector<80x80xi1> to vector<80x80xi32>
    %convert_element_type3A_137 = arith.sitofp %convert_element_type3A_136 : vector<80x80xi32> to vector<80x80xf32>
    %slice3A_138 = vector.extract_strided_slice %transpose3A {offsets = [0, 10], sizes = [80, 1], strides = [1, 1]} : vector<80x16xi32> to vector<80x1xi32>
    %slice3A_139 = vector.extract_strided_slice %transpose3A_18 {offsets = [0, 10], sizes = [80, 1], strides = [1, 1]} : vector<80x16xi32> to vector<80x1xi32>
    %eq3A_140 = vector.broadcast %slice3A_138 : vector<80x1xi32> to vector<80x80xi32>
    %eq3A_141 = vector.broadcast %iota3A : vector<1x80xi32> to vector<80x80xi32>
    %eq3A_142 = arith.cmpi eq, %eq3A_140, %eq3A_141 : vector<80x80xi32>
    %convert_element_type3A_143 = arith.extui %eq3A_142 : vector<80x80xi1> to vector<80x80xi32>
    %convert_element_type3A_144 = arith.sitofp %convert_element_type3A_143 : vector<80x80xi32> to vector<80x80xf32>
    %eq3A_145 = vector.broadcast %slice3A_139 : vector<80x1xi32> to vector<80x80xi32>
    %eq3A_146 = vector.broadcast %iota3A : vector<1x80xi32> to vector<80x80xi32>
    %eq3A_147 = arith.cmpi eq, %eq3A_145, %eq3A_146 : vector<80x80xi32>
    %convert_element_type3A_148 = arith.extui %eq3A_147 : vector<80x80xi1> to vector<80x80xi32>
    %convert_element_type3A_149 = arith.sitofp %convert_element_type3A_148 : vector<80x80xi32> to vector<80x80xf32>
    %slice3A_150 = vector.extract_strided_slice %transpose3A {offsets = [0, 11], sizes = [80, 1], strides = [1, 1]} : vector<80x16xi32> to vector<80x1xi32>
    %slice3A_151 = vector.extract_strided_slice %transpose3A_18 {offsets = [0, 11], sizes = [80, 1], strides = [1, 1]} : vector<80x16xi32> to vector<80x1xi32>
    %eq3A_152 = vector.broadcast %slice3A_150 : vector<80x1xi32> to vector<80x80xi32>
    %eq3A_153 = vector.broadcast %iota3A : vector<1x80xi32> to vector<80x80xi32>
    %eq3A_154 = arith.cmpi eq, %eq3A_152, %eq3A_153 : vector<80x80xi32>
    %convert_element_type3A_155 = arith.extui %eq3A_154 : vector<80x80xi1> to vector<80x80xi32>
    %convert_element_type3A_156 = arith.sitofp %convert_element_type3A_155 : vector<80x80xi32> to vector<80x80xf32>
    %eq3A_157 = vector.broadcast %slice3A_151 : vector<80x1xi32> to vector<80x80xi32>
    %eq3A_158 = vector.broadcast %iota3A : vector<1x80xi32> to vector<80x80xi32>
    %eq3A_159 = arith.cmpi eq, %eq3A_157, %eq3A_158 : vector<80x80xi32>
    %convert_element_type3A_160 = arith.extui %eq3A_159 : vector<80x80xi1> to vector<80x80xi32>
    %convert_element_type3A_161 = arith.sitofp %convert_element_type3A_160 : vector<80x80xi32> to vector<80x80xf32>
    %slice3A_162 = vector.extract_strided_slice %transpose3A {offsets = [0, 12], sizes = [80, 1], strides = [1, 1]} : vector<80x16xi32> to vector<80x1xi32>
    %slice3A_163 = vector.extract_strided_slice %transpose3A_18 {offsets = [0, 12], sizes = [80, 1], strides = [1, 1]} : vector<80x16xi32> to vector<80x1xi32>
    %eq3A_164 = vector.broadcast %slice3A_162 : vector<80x1xi32> to vector<80x80xi32>
    %eq3A_165 = vector.broadcast %iota3A : vector<1x80xi32> to vector<80x80xi32>
    %eq3A_166 = arith.cmpi eq, %eq3A_164, %eq3A_165 : vector<80x80xi32>
    %convert_element_type3A_167 = arith.extui %eq3A_166 : vector<80x80xi1> to vector<80x80xi32>
    %convert_element_type3A_168 = arith.sitofp %convert_element_type3A_167 : vector<80x80xi32> to vector<80x80xf32>
    %eq3A_169 = vector.broadcast %slice3A_163 : vector<80x1xi32> to vector<80x80xi32>
    %eq3A_170 = vector.broadcast %iota3A : vector<1x80xi32> to vector<80x80xi32>
    %eq3A_171 = arith.cmpi eq, %eq3A_169, %eq3A_170 : vector<80x80xi32>
    %convert_element_type3A_172 = arith.extui %eq3A_171 : vector<80x80xi1> to vector<80x80xi32>
    %convert_element_type3A_173 = arith.sitofp %convert_element_type3A_172 : vector<80x80xi32> to vector<80x80xf32>
    %slice3A_174 = vector.extract_strided_slice %transpose3A {offsets = [0, 13], sizes = [80, 1], strides = [1, 1]} : vector<80x16xi32> to vector<80x1xi32>
    %slice3A_175 = vector.extract_strided_slice %transpose3A_18 {offsets = [0, 13], sizes = [80, 1], strides = [1, 1]} : vector<80x16xi32> to vector<80x1xi32>
    %eq3A_176 = vector.broadcast %slice3A_174 : vector<80x1xi32> to vector<80x80xi32>
    %eq3A_177 = vector.broadcast %iota3A : vector<1x80xi32> to vector<80x80xi32>
    %eq3A_178 = arith.cmpi eq, %eq3A_176, %eq3A_177 : vector<80x80xi32>
    %convert_element_type3A_179 = arith.extui %eq3A_178 : vector<80x80xi1> to vector<80x80xi32>
    %convert_element_type3A_180 = arith.sitofp %convert_element_type3A_179 : vector<80x80xi32> to vector<80x80xf32>
    %eq3A_181 = vector.broadcast %slice3A_175 : vector<80x1xi32> to vector<80x80xi32>
    %eq3A_182 = vector.broadcast %iota3A : vector<1x80xi32> to vector<80x80xi32>
    %eq3A_183 = arith.cmpi eq, %eq3A_181, %eq3A_182 : vector<80x80xi32>
    %convert_element_type3A_184 = arith.extui %eq3A_183 : vector<80x80xi1> to vector<80x80xi32>
    %convert_element_type3A_185 = arith.sitofp %convert_element_type3A_184 : vector<80x80xi32> to vector<80x80xf32>
    %slice3A_186 = vector.extract_strided_slice %transpose3A {offsets = [0, 14], sizes = [80, 1], strides = [1, 1]} : vector<80x16xi32> to vector<80x1xi32>
    %slice3A_187 = vector.extract_strided_slice %transpose3A_18 {offsets = [0, 14], sizes = [80, 1], strides = [1, 1]} : vector<80x16xi32> to vector<80x1xi32>
    %eq3A_188 = vector.broadcast %slice3A_186 : vector<80x1xi32> to vector<80x80xi32>
    %eq3A_189 = vector.broadcast %iota3A : vector<1x80xi32> to vector<80x80xi32>
    %eq3A_190 = arith.cmpi eq, %eq3A_188, %eq3A_189 : vector<80x80xi32>
    %convert_element_type3A_191 = arith.extui %eq3A_190 : vector<80x80xi1> to vector<80x80xi32>
    %convert_element_type3A_192 = arith.sitofp %convert_element_type3A_191 : vector<80x80xi32> to vector<80x80xf32>
    %eq3A_193 = vector.broadcast %slice3A_187 : vector<80x1xi32> to vector<80x80xi32>
    %eq3A_194 = vector.broadcast %iota3A : vector<1x80xi32> to vector<80x80xi32>
    %eq3A_195 = arith.cmpi eq, %eq3A_193, %eq3A_194 : vector<80x80xi32>
    %convert_element_type3A_196 = arith.extui %eq3A_195 : vector<80x80xi1> to vector<80x80xi32>
    %convert_element_type3A_197 = arith.sitofp %convert_element_type3A_196 : vector<80x80xi32> to vector<80x80xf32>
    %slice3A_198 = vector.extract_strided_slice %transpose3A {offsets = [0, 15], sizes = [80, 1], strides = [1, 1]} : vector<80x16xi32> to vector<80x1xi32>
    %slice3A_199 = vector.extract_strided_slice %transpose3A_18 {offsets = [0, 15], sizes = [80, 1], strides = [1, 1]} : vector<80x16xi32> to vector<80x1xi32>
    %eq3A_200 = vector.broadcast %slice3A_198 : vector<80x1xi32> to vector<80x80xi32>
    %eq3A_201 = vector.broadcast %iota3A : vector<1x80xi32> to vector<80x80xi32>
    %eq3A_202 = arith.cmpi eq, %eq3A_200, %eq3A_201 : vector<80x80xi32>
    %convert_element_type3A_203 = arith.extui %eq3A_202 : vector<80x80xi1> to vector<80x80xi32>
    %convert_element_type3A_204 = arith.sitofp %convert_element_type3A_203 : vector<80x80xi32> to vector<80x80xf32>
    %eq3A_205 = vector.broadcast %slice3A_199 : vector<80x1xi32> to vector<80x80xi32>
    %eq3A_206 = vector.broadcast %iota3A : vector<1x80xi32> to vector<80x80xi32>
    %eq3A_207 = arith.cmpi eq, %eq3A_205, %eq3A_206 : vector<80x80xi32>
    %convert_element_type3A_208 = arith.extui %eq3A_207 : vector<80x80xi1> to vector<80x80xi32>
    %convert_element_type3A_209 = arith.sitofp %convert_element_type3A_208 : vector<80x80xi32> to vector<80x80xf32>
    %get3A_210 = arith.constant 0 : index
    %get3A_211 = arith.constant 0 : index
    %get3A_212 = vector.load %arg3[%get3A_210, %get3A_211] : memref<1280x1xi32, #tpu.memory_space<vmem>>, vector<1280x1xi32>
    %iota3A_213 = tpu.iota {dimensions = array<i32: 0>} : vector<1280x1xi32>
    %jit3A = arith.constant 80 : i32
    %eq3A_214 = arith.constant 0 : i32
    %eq3A_215 = arith.cmpi eq, %jit3A, %eq3A_214 : i32
    %jit3A_216 = arith.constant 1 : i32
    %select_n3A = arith.select %eq3A_215, %jit3A_216, %jit3A : i32
    %rem3A = vector.broadcast %select_n3A : i32 to vector<1280x1xi32>
    %rem3A_217 = arith.remsi %iota3A_213, %rem3A : vector<1280x1xi32>
    %ne3A = arith.constant 0 : i32
    %ne3A_218 = vector.broadcast %ne3A : i32 to vector<1280x1xi32>
    %ne3A_219 = arith.cmpi ne, %rem3A_217, %ne3A_218 : vector<1280x1xi32>
    %lt3A = arith.constant 0 : i32
    %lt3A_220 = vector.broadcast %lt3A : i32 to vector<1280x1xi32>
    %lt3A_221 = arith.cmpi slt, %rem3A_217, %lt3A_220 : vector<1280x1xi32>
    %lt3A_222 = arith.constant 0 : i32
    %lt3A_223 = arith.cmpi slt, %select_n3A, %lt3A_222 : i32
    %ne3A_224 = vector.broadcast %lt3A_223 : i1 to vector<1280x1xi1>
    %ne3A_225 = vector.broadcast %ne3A_224 : vector<1280x1xi1> to vector<1280x1xi1>
    %ne3A_226 = arith.xori %lt3A_221, %ne3A_225 : vector<1280x1xi1>
    %and3A = arith.andi %ne3A_226, %ne3A_219 : vector<1280x1xi1>
    %add3A_227 = vector.broadcast %select_n3A : i32 to vector<1280x1xi32>
    %add3A_228 = arith.addi %rem3A_217, %add3A_227 : vector<1280x1xi32>
    %select_n3A_229 = arith.select %and3A, %add3A_228, %rem3A_217 : vector<1280x1xi1>, vector<1280x1xi32>
    %eq3A_230 = arith.constant 0 : i32
    %eq3A_231 = vector.broadcast %eq3A_230 : i32 to vector<1280x1xi32>
    %eq3A_232 = arith.cmpi eq, %select_n3A_229, %eq3A_231 : vector<1280x1xi32>
    %convert_element_type3A_233 = arith.extui %eq3A_232 : vector<1280x1xi1> to vector<1280x1xi32>
    %convert_element_type3A_234 = arith.sitofp %convert_element_type3A_233 : vector<1280x1xi32> to vector<1280x1xf32>
    %broadcast_in_dim3A = arith.constant 0.000000e+00 : f32
    %broadcast_in_dim3A_235 = vector.broadcast %broadcast_in_dim3A : f32 to vector<1280x256xf32>
    %broadcast_in_dim3A_236 = arith.constant 1.000000e+00 : bf16
    %broadcast_in_dim3A_237 = vector.broadcast %broadcast_in_dim3A_236 : bf16 to vector<1280x128xbf16>
    %get3A_238 = arith.constant 0 : index
    %get3A_239 = arith.constant 0 : index
    %get3A_240 = vector.load %arg6[%get3A_238, %get3A_239] : memref<256x768xf32, #tpu.memory_space<vmem>>, vector<256x768xf32>
    %convert_element_type3A_241 = arith.truncf %get3A_240 : vector<256x768xf32> to vector<256x768xbf16>
    %get3A_242 = arith.constant 0 : index
    %get3A_243 = arith.constant 0 : index
    %get3A_244 = vector.load %arg8[%get3A_242, %get3A_243] : memref<256x128xf32, #tpu.memory_space<vmem>>, vector<256x128xf32>
    %convert_element_type3A_245 = arith.truncf %get3A_244 : vector<256x128xf32> to vector<256x128xbf16>
    %scan3A = arith.constant 0 : i32
    %scan3A_246 = arith.constant 16 : i32
    %scan3A_247 = arith.addi %scan3A, %scan3A_246 : i32
    %scan3A_248 = arith.constant 1 : i32
    %scan3A_249:2 = scf.for %scan3A_277 = %scan3A to %scan3A_247 step %scan3A_248 iter_args(%scan3A_278 = %broadcast_in_dim3A_235, %scan3A_279 = %convert_element_type3A_234) -> (vector<1280x256xf32>, vector<1280x1xf32>)  : i32 {
      %convert_element_type3A_280 = arith.truncf %scan3A_278 : vector<1280x256xf32> to vector<1280x256xbf16>
      %dot_general3A_281 = arith.constant dense<0.000000e+00> : vector<1280x768xf32>
      %dot_general3A_282 = tpu.matmul %convert_element_type3A_280, %convert_element_type3A_241, %dot_general3A_281 {dimension_numbers = #tpu.dot_dimension_numbers<[1], [0], [0], [1], [0, 0, 1, 1], [], []>, transpose_lhs_hint = false} : vector<1280x256xbf16>, vector<256x768xbf16>, vector<1280x768xf32> -> vector<1280x768xf32>
      %convert_element_type3A_283 = arith.truncf %dot_general3A_282 : vector<1280x768xf32> to vector<1280x768xbf16>
      %slice3A_284 = vector.extract_strided_slice %convert_element_type3A_283 {offsets = [0, 0], sizes = [1280, 256], strides = [1, 1]} : vector<1280x768xbf16> to vector<1280x256xbf16>
      %add3A_285 = arith.addf %slice3A, %slice3A_284 : vector<1280x256xbf16>
      %mul3A_286 = arith.constant 5.000000e-01 : bf16
      %mul3A_287 = vector.broadcast %mul3A_286 : bf16 to vector<1280x256xbf16>
      %mul3A_288 = arith.mulf %mul3A_287, %add3A_285 : vector<1280x256xbf16>
      %tanh3A = math.tanh %mul3A_288 : vector<1280x256xbf16>
      %mul3A_289 = arith.constant 5.000000e-01 : bf16
      %mul3A_290 = vector.broadcast %mul3A_289 : bf16 to vector<1280x256xbf16>
      %mul3A_291 = arith.mulf %mul3A_290, %tanh3A : vector<1280x256xbf16>
      %add3A_292 = arith.constant 5.000000e-01 : bf16
      %add3A_293 = vector.broadcast %add3A_292 : bf16 to vector<1280x256xbf16>
      %add3A_294 = arith.addf %add3A_293, %mul3A_291 : vector<1280x256xbf16>
      %slice3A_295 = vector.extract_strided_slice %convert_element_type3A_283 {offsets = [0, 256], sizes = [1280, 256], strides = [1, 1]} : vector<1280x768xbf16> to vector<1280x256xbf16>
      %add3A_296 = arith.addf %slice3A_10, %slice3A_295 : vector<1280x256xbf16>
      %mul3A_297 = arith.constant 5.000000e-01 : bf16
      %mul3A_298 = vector.broadcast %mul3A_297 : bf16 to vector<1280x256xbf16>
      %mul3A_299 = arith.mulf %mul3A_298, %add3A_296 : vector<1280x256xbf16>
      %tanh3A_300 = math.tanh %mul3A_299 : vector<1280x256xbf16>
      %mul3A_301 = arith.constant 5.000000e-01 : bf16
      %mul3A_302 = vector.broadcast %mul3A_301 : bf16 to vector<1280x256xbf16>
      %mul3A_303 = arith.mulf %mul3A_302, %tanh3A_300 : vector<1280x256xbf16>
      %add3A_304 = arith.constant 5.000000e-01 : bf16
      %add3A_305 = vector.broadcast %add3A_304 : bf16 to vector<1280x256xbf16>
      %add3A_306 = arith.addf %add3A_305, %mul3A_303 : vector<1280x256xbf16>
      %slice3A_307 = vector.extract_strided_slice %convert_element_type3A_283 {offsets = [0, 512], sizes = [1280, 256], strides = [1, 1]} : vector<1280x768xbf16> to vector<1280x256xbf16>
      %mul3A_308 = arith.mulf %add3A_306, %slice3A_307 : vector<1280x256xbf16>
      %add3A_309 = arith.addf %slice3A_11, %mul3A_308 : vector<1280x256xbf16>
      %tanh3A_310 = math.tanh %add3A_309 : vector<1280x256xbf16>
      %sub3A = arith.constant 1.000000e+00 : bf16
      %sub3A_311 = vector.broadcast %sub3A : bf16 to vector<1280x256xbf16>
      %sub3A_312 = arith.subf %sub3A_311, %add3A_294 : vector<1280x256xbf16>
      %mul3A_313 = arith.mulf %sub3A_312, %tanh3A_310 : vector<1280x256xbf16>
      %mul3A_314 = arith.mulf %add3A_294, %convert_element_type3A_280 : vector<1280x256xbf16>
      %add3A_315 = arith.addf %mul3A_313, %mul3A_314 : vector<1280x256xbf16>
      %dot_general3A_316 = arith.constant dense<0.000000e+00> : vector<1280x128xf32>
      %dot_general3A_317 = tpu.matmul %add3A_315, %convert_element_type3A_245, %dot_general3A_316 {dimension_numbers = #tpu.dot_dimension_numbers<[1], [0], [0], [1], [0, 0, 1, 1], [], []>, transpose_lhs_hint = false} : vector<1280x256xbf16>, vector<256x128xbf16>, vector<1280x128xf32> -> vector<1280x128xf32>
      %get3A_318 = arith.constant 0 : index
      %get3A_319 = arith.constant 0 : index
      %get3A_320 = vector.load %arg9[%get3A_318, %get3A_319] : memref<1x128xf32, #tpu.memory_space<vmem>>, vector<1x128xf32>
      %add3A_321 = vector.broadcast %get3A_320 : vector<1x128xf32> to vector<1280x128xf32>
      %add3A_322 = arith.addf %dot_general3A_317, %add3A_321 : vector<1280x128xf32>
      %slice3A_323 = vector.extract_strided_slice %add3A_322 {offsets = [0, 0], sizes = [1280, 1], strides = [1, 1]} : vector<1280x128xf32> to vector<1280x1xf32>
      %slice3A_324 = vector.extract_strided_slice %add3A_322 {offsets = [0, 1], sizes = [1280, 1], strides = [1, 1]} : vector<1280x128xf32> to vector<1280x1xf32>
      %sub3A_325 = arith.subf %slice3A_323, %slice3A_324 : vector<1280x1xf32>
      %mul3A_326 = arith.constant 5.000000e-01 : f32
      %mul3A_327 = vector.broadcast %mul3A_326 : f32 to vector<1280x1xf32>
      %mul3A_328 = arith.mulf %mul3A_327, %sub3A_325 : vector<1280x1xf32>
      %tanh3A_329 = math.tanh %mul3A_328 : vector<1280x1xf32>
      %mul3A_330 = arith.constant 5.000000e-01 : f32
      %mul3A_331 = vector.broadcast %mul3A_330 : f32 to vector<1280x1xf32>
      %mul3A_332 = arith.mulf %mul3A_331, %tanh3A_329 : vector<1280x1xf32>
      %add3A_333 = arith.constant 5.000000e-01 : f32
      %add3A_334 = vector.broadcast %add3A_333 : f32 to vector<1280x1xf32>
      %add3A_335 = arith.addf %add3A_334, %mul3A_332 : vector<1280x1xf32>
      %mul3A_336 = arith.mulf %scan3A_279, %add3A_335 : vector<1280x1xf32>
      %sub3A_337 = arith.subf %scan3A_279, %mul3A_336 : vector<1280x1xf32>
      %concatenate3A = tpu.concatenate %add3A_315, %broadcast_in_dim3A_237 in 1 : vector<1280x256xbf16>, vector<1280x128xbf16> -> vector<1280x384xbf16>
      %slice3A_338 = vector.extract_strided_slice %mul3A_336 {offsets = [0, 0], sizes = [80, 1], strides = [1, 1]} : vector<1280x1xf32> to vector<80x1xf32>
      %mul3A_339 = vector.broadcast %slice3A_338 : vector<80x1xf32> to vector<80x80xf32>
      %mul3A_340 = arith.mulf %mul3A_339, %convert_element_type3A_24 : vector<80x80xf32>
      %slice3A_341 = vector.extract_strided_slice %sub3A_337 {offsets = [0, 0], sizes = [80, 1], strides = [1, 1]} : vector<1280x1xf32> to vector<80x1xf32>
      %mul3A_342 = vector.broadcast %slice3A_341 : vector<80x1xf32> to vector<80x80xf32>
      %mul3A_343 = arith.mulf %mul3A_342, %convert_element_type3A_29 : vector<80x80xf32>
      %add3A_344 = arith.addf %mul3A_340, %mul3A_343 : vector<80x80xf32>
      %convert_element_type3A_345 = arith.truncf %add3A_344 : vector<80x80xf32> to vector<80x80xbf16>
      %slice3A_346 = vector.extract_strided_slice %concatenate3A {offsets = [0, 0], sizes = [80, 384], strides = [1, 1]} : vector<1280x384xbf16> to vector<80x384xbf16>
      %dot_general3A_347 = arith.constant dense<0.000000e+00> : vector<80x384xf32>
      %dot_general3A_348 = tpu.matmul %convert_element_type3A_345, %slice3A_346, %dot_general3A_347 {dimension_numbers = #tpu.dot_dimension_numbers<[0], [0], [1], [1], [0, 1, 1, 1], [], []>, transpose_lhs_hint = false} : vector<80x80xbf16>, vector<80x384xbf16>, vector<80x384xf32> -> vector<80x384xf32>
      %slice3A_349 = vector.extract_strided_slice %mul3A_336 {offsets = [80, 0], sizes = [80, 1], strides = [1, 1]} : vector<1280x1xf32> to vector<80x1xf32>
      %mul3A_350 = vector.broadcast %slice3A_349 : vector<80x1xf32> to vector<80x80xf32>
      %mul3A_351 = arith.mulf %mul3A_350, %convert_element_type3A_36 : vector<80x80xf32>
      %slice3A_352 = vector.extract_strided_slice %sub3A_337 {offsets = [80, 0], sizes = [80, 1], strides = [1, 1]} : vector<1280x1xf32> to vector<80x1xf32>
      %mul3A_353 = vector.broadcast %slice3A_352 : vector<80x1xf32> to vector<80x80xf32>
      %mul3A_354 = arith.mulf %mul3A_353, %convert_element_type3A_41 : vector<80x80xf32>
      %add3A_355 = arith.addf %mul3A_351, %mul3A_354 : vector<80x80xf32>
      %convert_element_type3A_356 = arith.truncf %add3A_355 : vector<80x80xf32> to vector<80x80xbf16>
      %slice3A_357 = vector.extract_strided_slice %concatenate3A {offsets = [80, 0], sizes = [80, 384], strides = [1, 1]} : vector<1280x384xbf16> to vector<80x384xbf16>
      %dot_general3A_358 = arith.constant dense<0.000000e+00> : vector<80x384xf32>
      %dot_general3A_359 = tpu.matmul %convert_element_type3A_356, %slice3A_357, %dot_general3A_358 {dimension_numbers = #tpu.dot_dimension_numbers<[0], [0], [1], [1], [0, 1, 1, 1], [], []>, transpose_lhs_hint = false} : vector<80x80xbf16>, vector<80x384xbf16>, vector<80x384xf32> -> vector<80x384xf32>
      %slice3A_360 = vector.extract_strided_slice %mul3A_336 {offsets = [160, 0], sizes = [80, 1], strides = [1, 1]} : vector<1280x1xf32> to vector<80x1xf32>
      %mul3A_361 = vector.broadcast %slice3A_360 : vector<80x1xf32> to vector<80x80xf32>
      %mul3A_362 = arith.mulf %mul3A_361, %convert_element_type3A_48 : vector<80x80xf32>
      %slice3A_363 = vector.extract_strided_slice %sub3A_337 {offsets = [160, 0], sizes = [80, 1], strides = [1, 1]} : vector<1280x1xf32> to vector<80x1xf32>
      %mul3A_364 = vector.broadcast %slice3A_363 : vector<80x1xf32> to vector<80x80xf32>
      %mul3A_365 = arith.mulf %mul3A_364, %convert_element_type3A_53 : vector<80x80xf32>
      %add3A_366 = arith.addf %mul3A_362, %mul3A_365 : vector<80x80xf32>
      %convert_element_type3A_367 = arith.truncf %add3A_366 : vector<80x80xf32> to vector<80x80xbf16>
      %slice3A_368 = vector.extract_strided_slice %concatenate3A {offsets = [160, 0], sizes = [80, 384], strides = [1, 1]} : vector<1280x384xbf16> to vector<80x384xbf16>
      %dot_general3A_369 = arith.constant dense<0.000000e+00> : vector<80x384xf32>
      %dot_general3A_370 = tpu.matmul %convert_element_type3A_367, %slice3A_368, %dot_general3A_369 {dimension_numbers = #tpu.dot_dimension_numbers<[0], [0], [1], [1], [0, 1, 1, 1], [], []>, transpose_lhs_hint = false} : vector<80x80xbf16>, vector<80x384xbf16>, vector<80x384xf32> -> vector<80x384xf32>
      %slice3A_371 = vector.extract_strided_slice %mul3A_336 {offsets = [240, 0], sizes = [80, 1], strides = [1, 1]} : vector<1280x1xf32> to vector<80x1xf32>
      %mul3A_372 = vector.broadcast %slice3A_371 : vector<80x1xf32> to vector<80x80xf32>
      %mul3A_373 = arith.mulf %mul3A_372, %convert_element_type3A_60 : vector<80x80xf32>
      %slice3A_374 = vector.extract_strided_slice %sub3A_337 {offsets = [240, 0], sizes = [80, 1], strides = [1, 1]} : vector<1280x1xf32> to vector<80x1xf32>
      %mul3A_375 = vector.broadcast %slice3A_374 : vector<80x1xf32> to vector<80x80xf32>
      %mul3A_376 = arith.mulf %mul3A_375, %convert_element_type3A_65 : vector<80x80xf32>
      %add3A_377 = arith.addf %mul3A_373, %mul3A_376 : vector<80x80xf32>
      %convert_element_type3A_378 = arith.truncf %add3A_377 : vector<80x80xf32> to vector<80x80xbf16>
      %slice3A_379 = vector.extract_strided_slice %concatenate3A {offsets = [240, 0], sizes = [80, 384], strides = [1, 1]} : vector<1280x384xbf16> to vector<80x384xbf16>
      %dot_general3A_380 = arith.constant dense<0.000000e+00> : vector<80x384xf32>
      %dot_general3A_381 = tpu.matmul %convert_element_type3A_378, %slice3A_379, %dot_general3A_380 {dimension_numbers = #tpu.dot_dimension_numbers<[0], [0], [1], [1], [0, 1, 1, 1], [], []>, transpose_lhs_hint = false} : vector<80x80xbf16>, vector<80x384xbf16>, vector<80x384xf32> -> vector<80x384xf32>
      %slice3A_382 = vector.extract_strided_slice %mul3A_336 {offsets = [320, 0], sizes = [80, 1], strides = [1, 1]} : vector<1280x1xf32> to vector<80x1xf32>
      %mul3A_383 = vector.broadcast %slice3A_382 : vector<80x1xf32> to vector<80x80xf32>
      %mul3A_384 = arith.mulf %mul3A_383, %convert_element_type3A_72 : vector<80x80xf32>
      %slice3A_385 = vector.extract_strided_slice %sub3A_337 {offsets = [320, 0], sizes = [80, 1], strides = [1, 1]} : vector<1280x1xf32> to vector<80x1xf32>
      %mul3A_386 = vector.broadcast %slice3A_385 : vector<80x1xf32> to vector<80x80xf32>
      %mul3A_387 = arith.mulf %mul3A_386, %convert_element_type3A_77 : vector<80x80xf32>
      %add3A_388 = arith.addf %mul3A_384, %mul3A_387 : vector<80x80xf32>
      %convert_element_type3A_389 = arith.truncf %add3A_388 : vector<80x80xf32> to vector<80x80xbf16>
      %slice3A_390 = vector.extract_strided_slice %concatenate3A {offsets = [320, 0], sizes = [80, 384], strides = [1, 1]} : vector<1280x384xbf16> to vector<80x384xbf16>
      %dot_general3A_391 = arith.constant dense<0.000000e+00> : vector<80x384xf32>
      %dot_general3A_392 = tpu.matmul %convert_element_type3A_389, %slice3A_390, %dot_general3A_391 {dimension_numbers = #tpu.dot_dimension_numbers<[0], [0], [1], [1], [0, 1, 1, 1], [], []>, transpose_lhs_hint = false} : vector<80x80xbf16>, vector<80x384xbf16>, vector<80x384xf32> -> vector<80x384xf32>
      %slice3A_393 = vector.extract_strided_slice %mul3A_336 {offsets = [400, 0], sizes = [80, 1], strides = [1, 1]} : vector<1280x1xf32> to vector<80x1xf32>
      %mul3A_394 = vector.broadcast %slice3A_393 : vector<80x1xf32> to vector<80x80xf32>
      %mul3A_395 = arith.mulf %mul3A_394, %convert_element_type3A_84 : vector<80x80xf32>
      %slice3A_396 = vector.extract_strided_slice %sub3A_337 {offsets = [400, 0], sizes = [80, 1], strides = [1, 1]} : vector<1280x1xf32> to vector<80x1xf32>
      %mul3A_397 = vector.broadcast %slice3A_396 : vector<80x1xf32> to vector<80x80xf32>
      %mul3A_398 = arith.mulf %mul3A_397, %convert_element_type3A_89 : vector<80x80xf32>
      %add3A_399 = arith.addf %mul3A_395, %mul3A_398 : vector<80x80xf32>
      %convert_element_type3A_400 = arith.truncf %add3A_399 : vector<80x80xf32> to vector<80x80xbf16>
      %slice3A_401 = vector.extract_strided_slice %concatenate3A {offsets = [400, 0], sizes = [80, 384], strides = [1, 1]} : vector<1280x384xbf16> to vector<80x384xbf16>
      %dot_general3A_402 = arith.constant dense<0.000000e+00> : vector<80x384xf32>
      %dot_general3A_403 = tpu.matmul %convert_element_type3A_400, %slice3A_401, %dot_general3A_402 {dimension_numbers = #tpu.dot_dimension_numbers<[0], [0], [1], [1], [0, 1, 1, 1], [], []>, transpose_lhs_hint = false} : vector<80x80xbf16>, vector<80x384xbf16>, vector<80x384xf32> -> vector<80x384xf32>
      %slice3A_404 = vector.extract_strided_slice %mul3A_336 {offsets = [480, 0], sizes = [80, 1], strides = [1, 1]} : vector<1280x1xf32> to vector<80x1xf32>
      %mul3A_405 = vector.broadcast %slice3A_404 : vector<80x1xf32> to vector<80x80xf32>
      %mul3A_406 = arith.mulf %mul3A_405, %convert_element_type3A_96 : vector<80x80xf32>
      %slice3A_407 = vector.extract_strided_slice %sub3A_337 {offsets = [480, 0], sizes = [80, 1], strides = [1, 1]} : vector<1280x1xf32> to vector<80x1xf32>
      %mul3A_408 = vector.broadcast %slice3A_407 : vector<80x1xf32> to vector<80x80xf32>
      %mul3A_409 = arith.mulf %mul3A_408, %convert_element_type3A_101 : vector<80x80xf32>
      %add3A_410 = arith.addf %mul3A_406, %mul3A_409 : vector<80x80xf32>
      %convert_element_type3A_411 = arith.truncf %add3A_410 : vector<80x80xf32> to vector<80x80xbf16>
      %slice3A_412 = vector.extract_strided_slice %concatenate3A {offsets = [480, 0], sizes = [80, 384], strides = [1, 1]} : vector<1280x384xbf16> to vector<80x384xbf16>
      %dot_general3A_413 = arith.constant dense<0.000000e+00> : vector<80x384xf32>
      %dot_general3A_414 = tpu.matmul %convert_element_type3A_411, %slice3A_412, %dot_general3A_413 {dimension_numbers = #tpu.dot_dimension_numbers<[0], [0], [1], [1], [0, 1, 1, 1], [], []>, transpose_lhs_hint = false} : vector<80x80xbf16>, vector<80x384xbf16>, vector<80x384xf32> -> vector<80x384xf32>
      %slice3A_415 = vector.extract_strided_slice %mul3A_336 {offsets = [560, 0], sizes = [80, 1], strides = [1, 1]} : vector<1280x1xf32> to vector<80x1xf32>
      %mul3A_416 = vector.broadcast %slice3A_415 : vector<80x1xf32> to vector<80x80xf32>
      %mul3A_417 = arith.mulf %mul3A_416, %convert_element_type3A_108 : vector<80x80xf32>
      %slice3A_418 = vector.extract_strided_slice %sub3A_337 {offsets = [560, 0], sizes = [80, 1], strides = [1, 1]} : vector<1280x1xf32> to vector<80x1xf32>
      %mul3A_419 = vector.broadcast %slice3A_418 : vector<80x1xf32> to vector<80x80xf32>
      %mul3A_420 = arith.mulf %mul3A_419, %convert_element_type3A_113 : vector<80x80xf32>
      %add3A_421 = arith.addf %mul3A_417, %mul3A_420 : vector<80x80xf32>
      %convert_element_type3A_422 = arith.truncf %add3A_421 : vector<80x80xf32> to vector<80x80xbf16>
      %slice3A_423 = vector.extract_strided_slice %concatenate3A {offsets = [560, 0], sizes = [80, 384], strides = [1, 1]} : vector<1280x384xbf16> to vector<80x384xbf16>
      %dot_general3A_424 = arith.constant dense<0.000000e+00> : vector<80x384xf32>
      %dot_general3A_425 = tpu.matmul %convert_element_type3A_422, %slice3A_423, %dot_general3A_424 {dimension_numbers = #tpu.dot_dimension_numbers<[0], [0], [1], [1], [0, 1, 1, 1], [], []>, transpose_lhs_hint = false} : vector<80x80xbf16>, vector<80x384xbf16>, vector<80x384xf32> -> vector<80x384xf32>
      %slice3A_426 = vector.extract_strided_slice %mul3A_336 {offsets = [640, 0], sizes = [80, 1], strides = [1, 1]} : vector<1280x1xf32> to vector<80x1xf32>
      %mul3A_427 = vector.broadcast %slice3A_426 : vector<80x1xf32> to vector<80x80xf32>
      %mul3A_428 = arith.mulf %mul3A_427, %convert_element_type3A_120 : vector<80x80xf32>
      %slice3A_429 = vector.extract_strided_slice %sub3A_337 {offsets = [640, 0], sizes = [80, 1], strides = [1, 1]} : vector<1280x1xf32> to vector<80x1xf32>
      %mul3A_430 = vector.broadcast %slice3A_429 : vector<80x1xf32> to vector<80x80xf32>
      %mul3A_431 = arith.mulf %mul3A_430, %convert_element_type3A_125 : vector<80x80xf32>
      %add3A_432 = arith.addf %mul3A_428, %mul3A_431 : vector<80x80xf32>
      %convert_element_type3A_433 = arith.truncf %add3A_432 : vector<80x80xf32> to vector<80x80xbf16>
      %slice3A_434 = vector.extract_strided_slice %concatenate3A {offsets = [640, 0], sizes = [80, 384], strides = [1, 1]} : vector<1280x384xbf16> to vector<80x384xbf16>
      %dot_general3A_435 = arith.constant dense<0.000000e+00> : vector<80x384xf32>
      %dot_general3A_436 = tpu.matmul %convert_element_type3A_433, %slice3A_434, %dot_general3A_435 {dimension_numbers = #tpu.dot_dimension_numbers<[0], [0], [1], [1], [0, 1, 1, 1], [], []>, transpose_lhs_hint = false} : vector<80x80xbf16>, vector<80x384xbf16>, vector<80x384xf32> -> vector<80x384xf32>
      %slice3A_437 = vector.extract_strided_slice %mul3A_336 {offsets = [720, 0], sizes = [80, 1], strides = [1, 1]} : vector<1280x1xf32> to vector<80x1xf32>
      %mul3A_438 = vector.broadcast %slice3A_437 : vector<80x1xf32> to vector<80x80xf32>
      %mul3A_439 = arith.mulf %mul3A_438, %convert_element_type3A_132 : vector<80x80xf32>
      %slice3A_440 = vector.extract_strided_slice %sub3A_337 {offsets = [720, 0], sizes = [80, 1], strides = [1, 1]} : vector<1280x1xf32> to vector<80x1xf32>
      %mul3A_441 = vector.broadcast %slice3A_440 : vector<80x1xf32> to vector<80x80xf32>
      %mul3A_442 = arith.mulf %mul3A_441, %convert_element_type3A_137 : vector<80x80xf32>
      %add3A_443 = arith.addf %mul3A_439, %mul3A_442 : vector<80x80xf32>
      %convert_element_type3A_444 = arith.truncf %add3A_443 : vector<80x80xf32> to vector<80x80xbf16>
      %slice3A_445 = vector.extract_strided_slice %concatenate3A {offsets = [720, 0], sizes = [80, 384], strides = [1, 1]} : vector<1280x384xbf16> to vector<80x384xbf16>
      %dot_general3A_446 = arith.constant dense<0.000000e+00> : vector<80x384xf32>
      %dot_general3A_447 = tpu.matmul %convert_element_type3A_444, %slice3A_445, %dot_general3A_446 {dimension_numbers = #tpu.dot_dimension_numbers<[0], [0], [1], [1], [0, 1, 1, 1], [], []>, transpose_lhs_hint = false} : vector<80x80xbf16>, vector<80x384xbf16>, vector<80x384xf32> -> vector<80x384xf32>
      %slice3A_448 = vector.extract_strided_slice %mul3A_336 {offsets = [800, 0], sizes = [80, 1], strides = [1, 1]} : vector<1280x1xf32> to vector<80x1xf32>
      %mul3A_449 = vector.broadcast %slice3A_448 : vector<80x1xf32> to vector<80x80xf32>
      %mul3A_450 = arith.mulf %mul3A_449, %convert_element_type3A_144 : vector<80x80xf32>
      %slice3A_451 = vector.extract_strided_slice %sub3A_337 {offsets = [800, 0], sizes = [80, 1], strides = [1, 1]} : vector<1280x1xf32> to vector<80x1xf32>
      %mul3A_452 = vector.broadcast %slice3A_451 : vector<80x1xf32> to vector<80x80xf32>
      %mul3A_453 = arith.mulf %mul3A_452, %convert_element_type3A_149 : vector<80x80xf32>
      %add3A_454 = arith.addf %mul3A_450, %mul3A_453 : vector<80x80xf32>
      %convert_element_type3A_455 = arith.truncf %add3A_454 : vector<80x80xf32> to vector<80x80xbf16>
      %slice3A_456 = vector.extract_strided_slice %concatenate3A {offsets = [800, 0], sizes = [80, 384], strides = [1, 1]} : vector<1280x384xbf16> to vector<80x384xbf16>
      %dot_general3A_457 = arith.constant dense<0.000000e+00> : vector<80x384xf32>
      %dot_general3A_458 = tpu.matmul %convert_element_type3A_455, %slice3A_456, %dot_general3A_457 {dimension_numbers = #tpu.dot_dimension_numbers<[0], [0], [1], [1], [0, 1, 1, 1], [], []>, transpose_lhs_hint = false} : vector<80x80xbf16>, vector<80x384xbf16>, vector<80x384xf32> -> vector<80x384xf32>
      %slice3A_459 = vector.extract_strided_slice %mul3A_336 {offsets = [880, 0], sizes = [80, 1], strides = [1, 1]} : vector<1280x1xf32> to vector<80x1xf32>
      %mul3A_460 = vector.broadcast %slice3A_459 : vector<80x1xf32> to vector<80x80xf32>
      %mul3A_461 = arith.mulf %mul3A_460, %convert_element_type3A_156 : vector<80x80xf32>
      %slice3A_462 = vector.extract_strided_slice %sub3A_337 {offsets = [880, 0], sizes = [80, 1], strides = [1, 1]} : vector<1280x1xf32> to vector<80x1xf32>
      %mul3A_463 = vector.broadcast %slice3A_462 : vector<80x1xf32> to vector<80x80xf32>
      %mul3A_464 = arith.mulf %mul3A_463, %convert_element_type3A_161 : vector<80x80xf32>
      %add3A_465 = arith.addf %mul3A_461, %mul3A_464 : vector<80x80xf32>
      %convert_element_type3A_466 = arith.truncf %add3A_465 : vector<80x80xf32> to vector<80x80xbf16>
      %slice3A_467 = vector.extract_strided_slice %concatenate3A {offsets = [880, 0], sizes = [80, 384], strides = [1, 1]} : vector<1280x384xbf16> to vector<80x384xbf16>
      %dot_general3A_468 = arith.constant dense<0.000000e+00> : vector<80x384xf32>
      %dot_general3A_469 = tpu.matmul %convert_element_type3A_466, %slice3A_467, %dot_general3A_468 {dimension_numbers = #tpu.dot_dimension_numbers<[0], [0], [1], [1], [0, 1, 1, 1], [], []>, transpose_lhs_hint = false} : vector<80x80xbf16>, vector<80x384xbf16>, vector<80x384xf32> -> vector<80x384xf32>
      %slice3A_470 = vector.extract_strided_slice %mul3A_336 {offsets = [960, 0], sizes = [80, 1], strides = [1, 1]} : vector<1280x1xf32> to vector<80x1xf32>
      %mul3A_471 = vector.broadcast %slice3A_470 : vector<80x1xf32> to vector<80x80xf32>
      %mul3A_472 = arith.mulf %mul3A_471, %convert_element_type3A_168 : vector<80x80xf32>
      %slice3A_473 = vector.extract_strided_slice %sub3A_337 {offsets = [960, 0], sizes = [80, 1], strides = [1, 1]} : vector<1280x1xf32> to vector<80x1xf32>
      %mul3A_474 = vector.broadcast %slice3A_473 : vector<80x1xf32> to vector<80x80xf32>
      %mul3A_475 = arith.mulf %mul3A_474, %convert_element_type3A_173 : vector<80x80xf32>
      %add3A_476 = arith.addf %mul3A_472, %mul3A_475 : vector<80x80xf32>
      %convert_element_type3A_477 = arith.truncf %add3A_476 : vector<80x80xf32> to vector<80x80xbf16>
      %slice3A_478 = vector.extract_strided_slice %concatenate3A {offsets = [960, 0], sizes = [80, 384], strides = [1, 1]} : vector<1280x384xbf16> to vector<80x384xbf16>
      %dot_general3A_479 = arith.constant dense<0.000000e+00> : vector<80x384xf32>
      %dot_general3A_480 = tpu.matmul %convert_element_type3A_477, %slice3A_478, %dot_general3A_479 {dimension_numbers = #tpu.dot_dimension_numbers<[0], [0], [1], [1], [0, 1, 1, 1], [], []>, transpose_lhs_hint = false} : vector<80x80xbf16>, vector<80x384xbf16>, vector<80x384xf32> -> vector<80x384xf32>
      %slice3A_481 = vector.extract_strided_slice %mul3A_336 {offsets = [1040, 0], sizes = [80, 1], strides = [1, 1]} : vector<1280x1xf32> to vector<80x1xf32>
      %mul3A_482 = vector.broadcast %slice3A_481 : vector<80x1xf32> to vector<80x80xf32>
      %mul3A_483 = arith.mulf %mul3A_482, %convert_element_type3A_180 : vector<80x80xf32>
      %slice3A_484 = vector.extract_strided_slice %sub3A_337 {offsets = [1040, 0], sizes = [80, 1], strides = [1, 1]} : vector<1280x1xf32> to vector<80x1xf32>
      %mul3A_485 = vector.broadcast %slice3A_484 : vector<80x1xf32> to vector<80x80xf32>
      %mul3A_486 = arith.mulf %mul3A_485, %convert_element_type3A_185 : vector<80x80xf32>
      %add3A_487 = arith.addf %mul3A_483, %mul3A_486 : vector<80x80xf32>
      %convert_element_type3A_488 = arith.truncf %add3A_487 : vector<80x80xf32> to vector<80x80xbf16>
      %slice3A_489 = vector.extract_strided_slice %concatenate3A {offsets = [1040, 0], sizes = [80, 384], strides = [1, 1]} : vector<1280x384xbf16> to vector<80x384xbf16>
      %dot_general3A_490 = arith.constant dense<0.000000e+00> : vector<80x384xf32>
      %dot_general3A_491 = tpu.matmul %convert_element_type3A_488, %slice3A_489, %dot_general3A_490 {dimension_numbers = #tpu.dot_dimension_numbers<[0], [0], [1], [1], [0, 1, 1, 1], [], []>, transpose_lhs_hint = false} : vector<80x80xbf16>, vector<80x384xbf16>, vector<80x384xf32> -> vector<80x384xf32>
      %slice3A_492 = vector.extract_strided_slice %mul3A_336 {offsets = [1120, 0], sizes = [80, 1], strides = [1, 1]} : vector<1280x1xf32> to vector<80x1xf32>
      %mul3A_493 = vector.broadcast %slice3A_492 : vector<80x1xf32> to vector<80x80xf32>
      %mul3A_494 = arith.mulf %mul3A_493, %convert_element_type3A_192 : vector<80x80xf32>
      %slice3A_495 = vector.extract_strided_slice %sub3A_337 {offsets = [1120, 0], sizes = [80, 1], strides = [1, 1]} : vector<1280x1xf32> to vector<80x1xf32>
      %mul3A_496 = vector.broadcast %slice3A_495 : vector<80x1xf32> to vector<80x80xf32>
      %mul3A_497 = arith.mulf %mul3A_496, %convert_element_type3A_197 : vector<80x80xf32>
      %add3A_498 = arith.addf %mul3A_494, %mul3A_497 : vector<80x80xf32>
      %convert_element_type3A_499 = arith.truncf %add3A_498 : vector<80x80xf32> to vector<80x80xbf16>
      %slice3A_500 = vector.extract_strided_slice %concatenate3A {offsets = [1120, 0], sizes = [80, 384], strides = [1, 1]} : vector<1280x384xbf16> to vector<80x384xbf16>
      %dot_general3A_501 = arith.constant dense<0.000000e+00> : vector<80x384xf32>
      %dot_general3A_502 = tpu.matmul %convert_element_type3A_499, %slice3A_500, %dot_general3A_501 {dimension_numbers = #tpu.dot_dimension_numbers<[0], [0], [1], [1], [0, 1, 1, 1], [], []>, transpose_lhs_hint = false} : vector<80x80xbf16>, vector<80x384xbf16>, vector<80x384xf32> -> vector<80x384xf32>
      %slice3A_503 = vector.extract_strided_slice %mul3A_336 {offsets = [1200, 0], sizes = [80, 1], strides = [1, 1]} : vector<1280x1xf32> to vector<80x1xf32>
      %mul3A_504 = vector.broadcast %slice3A_503 : vector<80x1xf32> to vector<80x80xf32>
      %mul3A_505 = arith.mulf %mul3A_504, %convert_element_type3A_204 : vector<80x80xf32>
      %slice3A_506 = vector.extract_strided_slice %sub3A_337 {offsets = [1200, 0], sizes = [80, 1], strides = [1, 1]} : vector<1280x1xf32> to vector<80x1xf32>
      %mul3A_507 = vector.broadcast %slice3A_506 : vector<80x1xf32> to vector<80x80xf32>
      %mul3A_508 = arith.mulf %mul3A_507, %convert_element_type3A_209 : vector<80x80xf32>
      %add3A_509 = arith.addf %mul3A_505, %mul3A_508 : vector<80x80xf32>
      %convert_element_type3A_510 = arith.truncf %add3A_509 : vector<80x80xf32> to vector<80x80xbf16>
      %slice3A_511 = vector.extract_strided_slice %concatenate3A {offsets = [1200, 0], sizes = [80, 384], strides = [1, 1]} : vector<1280x384xbf16> to vector<80x384xbf16>
      %dot_general3A_512 = arith.constant dense<0.000000e+00> : vector<80x384xf32>
      %dot_general3A_513 = tpu.matmul %convert_element_type3A_510, %slice3A_511, %dot_general3A_512 {dimension_numbers = #tpu.dot_dimension_numbers<[0], [0], [1], [1], [0, 1, 1, 1], [], []>, transpose_lhs_hint = false} : vector<80x80xbf16>, vector<80x384xbf16>, vector<80x384xf32> -> vector<80x384xf32>
      %concatenate3A_514 = tpu.concatenate %dot_general3A_348, %dot_general3A_359, %dot_general3A_370, %dot_general3A_381, %dot_general3A_392, %dot_general3A_403, %dot_general3A_414, %dot_general3A_425, %dot_general3A_436, %dot_general3A_447, %dot_general3A_458, %dot_general3A_469, %dot_general3A_480, %dot_general3A_491, %dot_general3A_502, %dot_general3A_513 in 0 : vector<80x384xf32>, vector<80x384xf32>, vector<80x384xf32>, vector<80x384xf32>, vector<80x384xf32>, vector<80x384xf32>, vector<80x384xf32>, vector<80x384xf32>, vector<80x384xf32>, vector<80x384xf32>, vector<80x384xf32>, vector<80x384xf32>, vector<80x384xf32>, vector<80x384xf32>, vector<80x384xf32>, vector<80x384xf32> -> vector<1280x384xf32>
      %slice3A_515 = vector.extract_strided_slice %concatenate3A_514 {offsets = [0, 0], sizes = [1280, 256], strides = [1, 1]} : vector<1280x384xf32> to vector<1280x256xf32>
      %slice3A_516 = vector.extract_strided_slice %concatenate3A_514 {offsets = [0, 256], sizes = [1280, 1], strides = [1, 1]} : vector<1280x384xf32> to vector<1280x1xf32>
      %gt3A = arith.constant 9.99999997E-7 : f32
      %gt3A_517 = vector.broadcast %gt3A : f32 to vector<1280x1xf32>
      %gt3A_518 = arith.cmpf ogt, %slice3A_516, %gt3A_517 : vector<1280x1xf32>
      %add3A_519 = arith.constant 9.99999971E-10 : f32
      %add3A_520 = vector.broadcast %add3A_519 : f32 to vector<1280x1xf32>
      %add3A_521 = arith.addf %slice3A_516, %add3A_520 : vector<1280x1xf32>
      %div3A = vector.broadcast %add3A_521 : vector<1280x1xf32> to vector<1280x256xf32>
      %div3A_522 = arith.divf %slice3A_515, %div3A : vector<1280x256xf32>
      %broadcast_in_dim3A_523 = vector.shape_cast %gt3A_518 : vector<1280x1xi1> to vector<1280x1xi1>
      %broadcast_in_dim3A_524 = vector.broadcast %broadcast_in_dim3A_523 : vector<1280x1xi1> to vector<1280x256xi1>
      %select_n3A_525 = arith.select %broadcast_in_dim3A_524, %div3A_522, %scan3A_278 : vector<1280x256xi1>, vector<1280x256xf32>
      %lt3A_526 = vector.broadcast %scan3A_277 : i32 to vector<1280x1xi32>
      %lt3A_527 = arith.cmpi slt, %lt3A_526, %get3A_212 : vector<1280x1xi32>
      %broadcast_in_dim3A_528 = vector.shape_cast %lt3A_527 : vector<1280x1xi1> to vector<1280x1xi1>
      %broadcast_in_dim3A_529 = vector.broadcast %broadcast_in_dim3A_528 : vector<1280x1xi1> to vector<1280x256xi1>
      %select_n3A_530 = arith.select %broadcast_in_dim3A_529, %select_n3A_525, %scan3A_278 : vector<1280x256xi1>, vector<1280x256xf32>
      %select_n3A_531 = arith.select %lt3A_527, %slice3A_516, %scan3A_279 : vector<1280x1xi1>, vector<1280x1xf32>
      scf.yield %select_n3A_530, %select_n3A_531 : vector<1280x256xf32>, vector<1280x1xf32>
    }
    %scan3A_250 = arith.constant 16 : i32
    %get3A_251 = arith.constant 0 : index
    %get3A_252 = arith.constant 0 : index
    %get3A_253 = vector.load %arg4[%get3A_251, %get3A_252] : memref<16x1xi32, #tpu.memory_space<vmem>>, vector<16x1xi32>
    %iota3A_254 = tpu.iota {dimensions = array<i32: 1>} : vector<16x1280xi32>
    %iota3A_255 = tpu.iota {dimensions = array<i32: 0>} : vector<16x1xi32>
    %mul3A = arith.constant 80 : i32
    %mul3A_256 = vector.broadcast %mul3A : i32 to vector<16x1xi32>
    %mul3A_257 = arith.muli %iota3A_255, %mul3A_256 : vector<16x1xi32>
    %add3A_258 = arith.addi %get3A_253, %mul3A_257 : vector<16x1xi32>
    %eq3A_259 = vector.broadcast %add3A_258 : vector<16x1xi32> to vector<16x1280xi32>
    %eq3A_260 = arith.cmpi eq, %iota3A_254, %eq3A_259 : vector<16x1280xi32>
    %convert_element_type3A_261 = arith.extui %eq3A_260 : vector<16x1280xi1> to vector<16x1280xi32>
    %convert_element_type3A_262 = arith.sitofp %convert_element_type3A_261 : vector<16x1280xi32> to vector<16x1280xf32>
    %dot_general3A_263 = arith.constant dense<0.000000e+00> : vector<16x256xf32>
    %dot_general3A_264 = tpu.matmul %convert_element_type3A_262, %scan3A_249#0, %dot_general3A_263 {dimension_numbers = #tpu.dot_dimension_numbers<[1], [0], [0], [1], [0, 0, 1, 1], [], []>, transpose_lhs_hint = false} : vector<16x1280xf32>, vector<1280x256xf32>, vector<16x256xf32> -> vector<16x256xf32>
    %get3A_265 = arith.constant 0 : index
    %get3A_266 = arith.constant 0 : index
    %get3A_267 = vector.load %arg10[%get3A_265, %get3A_266] : memref<256x128xf32, #tpu.memory_space<vmem>>, vector<256x128xf32>
    %dot_general3A_268 = arith.constant dense<0.000000e+00> : vector<16x128xf32>
    %dot_general3A_269 = tpu.matmul %dot_general3A_264, %get3A_267, %dot_general3A_268 {dimension_numbers = #tpu.dot_dimension_numbers<[1], [0], [0], [1], [0, 0, 1, 1], [], []>, transpose_lhs_hint = false} : vector<16x256xf32>, vector<256x128xf32>, vector<16x128xf32> -> vector<16x128xf32>
    %get3A_270 = arith.constant 0 : index
    %get3A_271 = arith.constant 0 : index
    %get3A_272 = vector.load %arg11[%get3A_270, %get3A_271] : memref<1x128xf32, #tpu.memory_space<vmem>>, vector<1x128xf32>
    %add3A_273 = vector.broadcast %get3A_272 : vector<1x128xf32> to vector<16x128xf32>
    %add3A_274 = arith.addf %dot_general3A_269, %add3A_273 : vector<16x128xf32>
    %swap3A = arith.constant 0 : index
    %swap3A_275 = arith.constant 0 : index
    %swap3A_276 = vector.load %arg12[%swap3A, %swap3A_275] : memref<16x128xf32, #tpu.memory_space<vmem>>, vector<16x128xf32>
    tpu.vector_store %arg12[%swap3A, %swap3A_275], %add3A_274 {strides = array<i32>} : memref<16x128xf32, #tpu.memory_space<vmem>>, vector<16x128xf32>,
    return
  }
}

module attributes {stable_mosaic.version = 14 : i64} {
  func.func @_tf_body(%arg0: i32, %arg1: memref<3584x256xf32, #tpu.memory_space<vmem>>, %arg2: memref<896x256xf32, #tpu.memory_space<vmem>>, %arg3: memref<4x1x80xi32, #tpu.memory_space<vmem>>, %arg4: memref<4x1x80xi32, #tpu.memory_space<vmem>>, %arg5: memref<256x256xf32, #tpu.memory_space<vmem>>, %arg6: memref<256x256xf32, #tpu.memory_space<vmem>>, %arg7: memref<256x256xf32, #tpu.memory_space<vmem>>, %arg8: memref<256x256xf32, #tpu.memory_space<vmem>>, %arg9: memref<256x1024xf32, #tpu.memory_space<vmem>>, %arg10: memref<1x1024xf32, #tpu.memory_space<vmem>>, %arg11: memref<1024x256xf32, #tpu.memory_space<vmem>>, %arg12: memref<1x256xf32, #tpu.memory_space<vmem>>, %arg13: memref<320x256xf32, #tpu.memory_space<vmem>>) attributes {dimension_semantics = [#tpu.dimension_semantics<arbitrary>], iteration_bounds = array<i64: 4>, scalar_prefetch = 0 : i64, scratch_operands = 0 : i64, tpu.core_type = #tpu.core_type<tc>, window_params = [{transform_indices = @transform_0, window_bounds = array<i64: 3584, 256>}, {pipeline_mode = #tpu.pipeline_mode<synchronous>, transform_indices = @transform_1, window_bounds = array<i64: 896, 256>}, {transform_indices = @transform_2, window_bounds = array<i64: 4, 1, 80>}, {transform_indices = @transform_3, window_bounds = array<i64: 4, 1, 80>}, {pipeline_mode = #tpu.pipeline_mode<synchronous>, transform_indices = @transform_4, window_bounds = array<i64: 256, 256>}, {pipeline_mode = #tpu.pipeline_mode<synchronous>, transform_indices = @transform_5, window_bounds = array<i64: 256, 256>}, {pipeline_mode = #tpu.pipeline_mode<synchronous>, transform_indices = @transform_6, window_bounds = array<i64: 256, 256>}, {pipeline_mode = #tpu.pipeline_mode<synchronous>, transform_indices = @transform_7, window_bounds = array<i64: 256, 256>}, {pipeline_mode = #tpu.pipeline_mode<synchronous>, transform_indices = @transform_8, window_bounds = array<i64: 256, 1024>}, {pipeline_mode = #tpu.pipeline_mode<synchronous>, transform_indices = @transform_9, window_bounds = array<i64: 1, 1024>}, {pipeline_mode = #tpu.pipeline_mode<synchronous>, transform_indices = @transform_10, window_bounds = array<i64: 1024, 256>}, {pipeline_mode = #tpu.pipeline_mode<synchronous>, transform_indices = @transform_11, window_bounds = array<i64: 1, 256>}, {transform_indices = @transform_12, window_bounds = array<i64: 320, 256>}]} {
    %get3A = arith.constant 0 : index
    %get3A_0 = arith.constant 0 : index
    %get3A_1 = vector.load %arg5[%get3A, %get3A_0] : memref<256x256xf32, #tpu.memory_space<vmem>>, vector<256x256xf32>
    %convert_element_type3A = arith.truncf %get3A_1 : vector<256x256xf32> to vector<256x256xbf16>
    %get3A_2 = arith.constant 0 : index
    %get3A_3 = arith.constant 0 : index
    %get3A_4 = vector.load %arg6[%get3A_2, %get3A_3] : memref<256x256xf32, #tpu.memory_space<vmem>>, vector<256x256xf32>
    %convert_element_type3A_5 = arith.truncf %get3A_4 : vector<256x256xf32> to vector<256x256xbf16>
    %get3A_6 = arith.constant 0 : index
    %get3A_7 = arith.constant 0 : index
    %get3A_8 = vector.load %arg7[%get3A_6, %get3A_7] : memref<256x256xf32, #tpu.memory_space<vmem>>, vector<256x256xf32>
    %convert_element_type3A_9 = arith.truncf %get3A_8 : vector<256x256xf32> to vector<256x256xbf16>
    %get3A_10 = arith.constant 0 : index
    %get3A_11 = arith.constant 0 : index
    %get3A_12 = vector.load %arg8[%get3A_10, %get3A_11] : memref<256x256xf32, #tpu.memory_space<vmem>>, vector<256x256xf32>
    %convert_element_type3A_13 = arith.truncf %get3A_12 : vector<256x256xf32> to vector<256x256xbf16>
    %get3A_14 = arith.constant 0 : index
    %get3A_15 = arith.constant 0 : index
    %get3A_16 = vector.load %arg9[%get3A_14, %get3A_15] : memref<256x1024xf32, #tpu.memory_space<vmem>>, vector<256x1024xf32>
    %convert_element_type3A_17 = arith.truncf %get3A_16 : vector<256x1024xf32> to vector<256x1024xbf16>
    %get3A_18 = arith.constant 0 : index
    %get3A_19 = arith.constant 0 : index
    %get3A_20 = vector.load %arg11[%get3A_18, %get3A_19] : memref<1024x256xf32, #tpu.memory_space<vmem>>, vector<1024x256xf32>
    %convert_element_type3A_21 = arith.truncf %get3A_20 : vector<1024x256xf32> to vector<1024x256xbf16>
    %get3A_22 = arith.constant 0 : index
    %get3A_23 = arith.constant 0 : index
    %get3A_24 = vector.load %arg10[%get3A_22, %get3A_23] : memref<1x1024xf32, #tpu.memory_space<vmem>>, vector<1x1024xf32>
    %convert_element_type3A_25 = arith.truncf %get3A_24 : vector<1x1024xf32> to vector<1x1024xbf16>
    %get3A_26 = arith.constant 0 : index
    %get3A_27 = arith.constant 0 : index
    %get3A_28 = vector.load %arg12[%get3A_26, %get3A_27] : memref<1x256xf32, #tpu.memory_space<vmem>>, vector<1x256xf32>
    %get3A_29 = arith.constant 0 : index
    %get3A_30 = arith.constant 0 : index
    %get3A_31 = vector.load %arg1[%get3A_29, %get3A_30] : memref<3584x256xf32, #tpu.memory_space<vmem>>, vector<896x256xf32>
    %get3A_32 = arith.constant 0 : index
    %get3A_33 = arith.constant 0 : index
    %get3A_34 = vector.load %arg2[%get3A_32, %get3A_33] : memref<896x256xf32, #tpu.memory_space<vmem>>, vector<896x256xf32>
    %add3A = arith.addf %get3A_31, %get3A_34 : vector<896x256xf32>
    %get3A_35 = arith.constant 0 : index
    %get3A_36 = arith.constant 0 : index
    %get3A_37 = arith.constant 0 : index
    %get3A_38 = vector.load %arg3[%get3A_35, %get3A_36, %get3A_37] : memref<4x1x80xi32, #tpu.memory_space<vmem>>, vector<1x1x80xi32>
    %get3A_39 = vector.shape_cast %get3A_38 : vector<1x1x80xi32> to vector<1x80xi32>
    %get3A_40 = arith.constant 0 : index
    %get3A_41 = arith.constant 0 : index
    %get3A_42 = arith.constant 0 : index
    %get3A_43 = vector.load %arg4[%get3A_40, %get3A_41, %get3A_42] : memref<4x1x80xi32, #tpu.memory_space<vmem>>, vector<1x1x80xi32>
    %get3A_44 = vector.shape_cast %get3A_43 : vector<1x1x80xi32> to vector<1x80xi32>
    %reduce_sum3A = arith.constant dense<0.000000e+00> : vector<896xf32>
    %reduce_sum3A_45 = vector.multi_reduction <add>, %add3A, %reduce_sum3A [1] : vector<896x256xf32> to vector<896xf32>
    %broadcast_in_dim3A = vector.shape_cast %reduce_sum3A_45 : vector<896xf32> to vector<896x1xf32>
    %div3A = arith.constant 2.560000e+02 : f32
    %div3A_46 = vector.broadcast %div3A : f32 to vector<896x1xf32>
    %div3A_47 = arith.divf %broadcast_in_dim3A, %div3A_46 : vector<896x1xf32>
    %jit3A = arith.constant 0 : i32
    %reduce_sum3A_48 = arith.constant dense<0.000000e+00> : vector<896xf32>
    %reduce_sum3A_49 = vector.multi_reduction <add>, %add3A, %reduce_sum3A_48 [1] : vector<896x256xf32> to vector<896xf32>
    %broadcast_in_dim3A_50 = vector.shape_cast %reduce_sum3A_49 : vector<896xf32> to vector<896x1xf32>
    %div3A_51 = arith.constant 2.560000e+02 : f32
    %div3A_52 = vector.broadcast %div3A_51 : f32 to vector<896x1xf32>
    %div3A_53 = arith.divf %broadcast_in_dim3A_50, %div3A_52 : vector<896x1xf32>
    %sub3A = vector.broadcast %div3A_53 : vector<896x1xf32> to vector<896x256xf32>
    %sub3A_54 = arith.subf %add3A, %sub3A : vector<896x256xf32>
    %square3A = arith.mulf %sub3A_54, %sub3A_54 : vector<896x256xf32>
    %convert_element_type3A_55 = arith.sitofp %jit3A : i32 to f32
    %sub3A_56 = arith.constant 2.560000e+02 : f32
    %sub3A_57 = arith.subf %sub3A_56, %convert_element_type3A_55 : f32
    %reduce_sum3A_58 = arith.constant dense<0.000000e+00> : vector<896xf32>
    %reduce_sum3A_59 = vector.multi_reduction <add>, %square3A, %reduce_sum3A_58 [1] : vector<896x256xf32> to vector<896xf32>
    %broadcast_in_dim3A_60 = vector.shape_cast %reduce_sum3A_59 : vector<896xf32> to vector<896x1xf32>
    %div3A_61 = vector.broadcast %sub3A_57 : f32 to vector<896x1xf32>
    %div3A_62 = arith.divf %broadcast_in_dim3A_60, %div3A_61 : vector<896x1xf32>
    %gt3A = arith.constant 0.000000e+00 : f32
    %gt3A_63 = arith.cmpf ogt, %sub3A_57, %gt3A : f32
    %jit3A_64 = arith.constant 0x7FC00000 : f32
    %broadcast_in_dim3A_65 = vector.broadcast %jit3A_64 : f32 to vector<896x1xf32>
    %select_n3A = arith.select %gt3A_63, %div3A_62, %broadcast_in_dim3A_65 : vector<896x1xf32>
    %sub3A_66 = vector.broadcast %div3A_47 : vector<896x1xf32> to vector<896x256xf32>
    %sub3A_67 = arith.subf %add3A, %sub3A_66 : vector<896x256xf32>
    %add3A_68 = arith.constant 9.99999997E-7 : f32
    %add3A_69 = vector.broadcast %add3A_68 : f32 to vector<896x1xf32>
    %add3A_70 = arith.addf %select_n3A, %add3A_69 : vector<896x1xf32>
    %sqrt3A = math.sqrt %add3A_70 : vector<896x1xf32>
    %div3A_71 = vector.broadcast %sqrt3A : vector<896x1xf32> to vector<896x256xf32>
    %div3A_72 = arith.divf %sub3A_67, %div3A_71 : vector<896x256xf32>
    %convert_element_type3A_73 = arith.truncf %div3A_72 : vector<896x256xf32> to vector<896x256xbf16>
    %dot_general3A = arith.constant dense<0.000000e+00> : vector<896x256xf32>
    %dot_general3A_74 = tpu.matmul %convert_element_type3A_73, %convert_element_type3A, %dot_general3A {dimension_numbers = #tpu.dot_dimension_numbers<[1], [0], [0], [1], [0, 0, 1, 1], [], []>, transpose_lhs_hint = false} : vector<896x256xbf16>, vector<256x256xbf16>, vector<896x256xf32> -> vector<896x256xf32>
    %dot_general3A_75 = arith.constant dense<0.000000e+00> : vector<896x256xf32>
    %dot_general3A_76 = tpu.matmul %convert_element_type3A_73, %convert_element_type3A_5, %dot_general3A_75 {dimension_numbers = #tpu.dot_dimension_numbers<[1], [0], [0], [1], [0, 0, 1, 1], [], []>, transpose_lhs_hint = false} : vector<896x256xbf16>, vector<256x256xbf16>, vector<896x256xf32> -> vector<896x256xf32>
    %dot_general3A_77 = arith.constant dense<0.000000e+00> : vector<896x256xf32>
    %dot_general3A_78 = tpu.matmul %convert_element_type3A_73, %convert_element_type3A_9, %dot_general3A_77 {dimension_numbers = #tpu.dot_dimension_numbers<[1], [0], [0], [1], [0, 0, 1, 1], [], []>, transpose_lhs_hint = false} : vector<896x256xbf16>, vector<256x256xbf16>, vector<896x256xf32> -> vector<896x256xf32>
    %convert_element_type3A_79 = arith.truncf %dot_general3A_78 : vector<896x256xf32> to vector<896x256xbf16>
    %broadcast_in_dim3A_80 = arith.constant 1.000000e+00 : bf16
    %broadcast_in_dim3A_81 = vector.broadcast %broadcast_in_dim3A_80 : bf16 to vector<896x64xbf16>
    %slice3A = vector.extract_strided_slice %dot_general3A_74 {offsets = [0, 0], sizes = [896, 64], strides = [1, 1]} : vector<896x256xf32> to vector<896x64xf32>
    %convert_element_type3A_82 = arith.truncf %slice3A : vector<896x64xf32> to vector<896x64xbf16>
    %slice3A_83 = vector.extract_strided_slice %dot_general3A_76 {offsets = [0, 0], sizes = [896, 64], strides = [1, 1]} : vector<896x256xf32> to vector<896x64xf32>
    %convert_element_type3A_84 = arith.truncf %slice3A_83 : vector<896x64xf32> to vector<896x64xbf16>
    %dot_general3A_85 = arith.constant dense<0.000000e+00> : vector<896x896xf32>
    %dot_general3A_86 = tpu.matmul %convert_element_type3A_82, %convert_element_type3A_84, %dot_general3A_85 {dimension_numbers = #tpu.dot_dimension_numbers<[1], [1], [0], [0], [0, 0, 1, 0], [], []>, transpose_lhs_hint = false} : vector<896x64xbf16>, vector<896x64xbf16>, vector<896x896xf32> -> vector<896x896xf32>
    %convert_element_type3A_87 = arith.truncf %dot_general3A_86 : vector<896x896xf32> to vector<896x896xbf16>
    %exp3A = math.exp %convert_element_type3A_87 : vector<896x896xbf16>
    %slice3A_88 = vector.extract_strided_slice %convert_element_type3A_79 {offsets = [0, 0], sizes = [896, 64], strides = [1, 1]} : vector<896x256xbf16> to vector<896x64xbf16>
    %concatenate3A = tpu.concatenate %slice3A_88, %broadcast_in_dim3A_81 in 1 : vector<896x64xbf16>, vector<896x64xbf16> -> vector<896x128xbf16>
    %dot_general3A_89 = arith.constant dense<0.000000e+00> : vector<896x128xf32>
    %dot_general3A_90 = tpu.matmul %exp3A, %concatenate3A, %dot_general3A_89 {dimension_numbers = #tpu.dot_dimension_numbers<[1], [0], [0], [1], [0, 0, 1, 1], [], []>, transpose_lhs_hint = false} : vector<896x896xbf16>, vector<896x128xbf16>, vector<896x128xf32> -> vector<896x128xf32>
    %slice3A_91 = vector.extract_strided_slice %dot_general3A_90 {offsets = [0, 0], sizes = [896, 64], strides = [1, 1]} : vector<896x128xf32> to vector<896x64xf32>
    %slice3A_92 = vector.extract_strided_slice %dot_general3A_90 {offsets = [0, 64], sizes = [896, 1], strides = [1, 1]} : vector<896x128xf32> to vector<896x1xf32>
    %div3A_93 = arith.constant 1.000000e+00 : f32
    %div3A_94 = vector.broadcast %div3A_93 : f32 to vector<896x1xf32>
    %div3A_95 = arith.divf %div3A_94, %slice3A_92 : vector<896x1xf32>
    %mul3A = vector.broadcast %div3A_95 : vector<896x1xf32> to vector<896x64xf32>
    %mul3A_96 = arith.mulf %slice3A_91, %mul3A : vector<896x64xf32>
    %slice3A_97 = vector.extract_strided_slice %dot_general3A_74 {offsets = [0, 64], sizes = [896, 64], strides = [1, 1]} : vector<896x256xf32> to vector<896x64xf32>
    %convert_element_type3A_98 = arith.truncf %slice3A_97 : vector<896x64xf32> to vector<896x64xbf16>
    %slice3A_99 = vector.extract_strided_slice %dot_general3A_76 {offsets = [0, 64], sizes = [896, 64], strides = [1, 1]} : vector<896x256xf32> to vector<896x64xf32>
    %convert_element_type3A_100 = arith.truncf %slice3A_99 : vector<896x64xf32> to vector<896x64xbf16>
    %dot_general3A_101 = arith.constant dense<0.000000e+00> : vector<896x896xf32>
    %dot_general3A_102 = tpu.matmul %convert_element_type3A_98, %convert_element_type3A_100, %dot_general3A_101 {dimension_numbers = #tpu.dot_dimension_numbers<[1], [1], [0], [0], [0, 0, 1, 0], [], []>, transpose_lhs_hint = false} : vector<896x64xbf16>, vector<896x64xbf16>, vector<896x896xf32> -> vector<896x896xf32>
    %convert_element_type3A_103 = arith.truncf %dot_general3A_102 : vector<896x896xf32> to vector<896x896xbf16>
    %exp3A_104 = math.exp %convert_element_type3A_103 : vector<896x896xbf16>
    %slice3A_105 = vector.extract_strided_slice %convert_element_type3A_79 {offsets = [0, 64], sizes = [896, 64], strides = [1, 1]} : vector<896x256xbf16> to vector<896x64xbf16>
    %concatenate3A_106 = tpu.concatenate %slice3A_105, %broadcast_in_dim3A_81 in 1 : vector<896x64xbf16>, vector<896x64xbf16> -> vector<896x128xbf16>
    %dot_general3A_107 = arith.constant dense<0.000000e+00> : vector<896x128xf32>
    %dot_general3A_108 = tpu.matmul %exp3A_104, %concatenate3A_106, %dot_general3A_107 {dimension_numbers = #tpu.dot_dimension_numbers<[1], [0], [0], [1], [0, 0, 1, 1], [], []>, transpose_lhs_hint = false} : vector<896x896xbf16>, vector<896x128xbf16>, vector<896x128xf32> -> vector<896x128xf32>
    %slice3A_109 = vector.extract_strided_slice %dot_general3A_108 {offsets = [0, 0], sizes = [896, 64], strides = [1, 1]} : vector<896x128xf32> to vector<896x64xf32>
    %slice3A_110 = vector.extract_strided_slice %dot_general3A_108 {offsets = [0, 64], sizes = [896, 1], strides = [1, 1]} : vector<896x128xf32> to vector<896x1xf32>
    %div3A_111 = arith.constant 1.000000e+00 : f32
    %div3A_112 = vector.broadcast %div3A_111 : f32 to vector<896x1xf32>
    %div3A_113 = arith.divf %div3A_112, %slice3A_110 : vector<896x1xf32>
    %mul3A_114 = vector.broadcast %div3A_113 : vector<896x1xf32> to vector<896x64xf32>
    %mul3A_115 = arith.mulf %slice3A_109, %mul3A_114 : vector<896x64xf32>
    %slice3A_116 = vector.extract_strided_slice %dot_general3A_74 {offsets = [0, 128], sizes = [896, 64], strides = [1, 1]} : vector<896x256xf32> to vector<896x64xf32>
    %convert_element_type3A_117 = arith.truncf %slice3A_116 : vector<896x64xf32> to vector<896x64xbf16>
    %slice3A_118 = vector.extract_strided_slice %dot_general3A_76 {offsets = [0, 128], sizes = [896, 64], strides = [1, 1]} : vector<896x256xf32> to vector<896x64xf32>
    %convert_element_type3A_119 = arith.truncf %slice3A_118 : vector<896x64xf32> to vector<896x64xbf16>
    %dot_general3A_120 = arith.constant dense<0.000000e+00> : vector<896x896xf32>
    %dot_general3A_121 = tpu.matmul %convert_element_type3A_117, %convert_element_type3A_119, %dot_general3A_120 {dimension_numbers = #tpu.dot_dimension_numbers<[1], [1], [0], [0], [0, 0, 1, 0], [], []>, transpose_lhs_hint = false} : vector<896x64xbf16>, vector<896x64xbf16>, vector<896x896xf32> -> vector<896x896xf32>
    %convert_element_type3A_122 = arith.truncf %dot_general3A_121 : vector<896x896xf32> to vector<896x896xbf16>
    %exp3A_123 = math.exp %convert_element_type3A_122 : vector<896x896xbf16>
    %slice3A_124 = vector.extract_strided_slice %convert_element_type3A_79 {offsets = [0, 128], sizes = [896, 64], strides = [1, 1]} : vector<896x256xbf16> to vector<896x64xbf16>
    %concatenate3A_125 = tpu.concatenate %slice3A_124, %broadcast_in_dim3A_81 in 1 : vector<896x64xbf16>, vector<896x64xbf16> -> vector<896x128xbf16>
    %dot_general3A_126 = arith.constant dense<0.000000e+00> : vector<896x128xf32>
    %dot_general3A_127 = tpu.matmul %exp3A_123, %concatenate3A_125, %dot_general3A_126 {dimension_numbers = #tpu.dot_dimension_numbers<[1], [0], [0], [1], [0, 0, 1, 1], [], []>, transpose_lhs_hint = false} : vector<896x896xbf16>, vector<896x128xbf16>, vector<896x128xf32> -> vector<896x128xf32>
    %slice3A_128 = vector.extract_strided_slice %dot_general3A_127 {offsets = [0, 0], sizes = [896, 64], strides = [1, 1]} : vector<896x128xf32> to vector<896x64xf32>
    %slice3A_129 = vector.extract_strided_slice %dot_general3A_127 {offsets = [0, 64], sizes = [896, 1], strides = [1, 1]} : vector<896x128xf32> to vector<896x1xf32>
    %div3A_130 = arith.constant 1.000000e+00 : f32
    %div3A_131 = vector.broadcast %div3A_130 : f32 to vector<896x1xf32>
    %div3A_132 = arith.divf %div3A_131, %slice3A_129 : vector<896x1xf32>
    %mul3A_133 = vector.broadcast %div3A_132 : vector<896x1xf32> to vector<896x64xf32>
    %mul3A_134 = arith.mulf %slice3A_128, %mul3A_133 : vector<896x64xf32>
    %slice3A_135 = vector.extract_strided_slice %dot_general3A_74 {offsets = [0, 192], sizes = [896, 64], strides = [1, 1]} : vector<896x256xf32> to vector<896x64xf32>
    %convert_element_type3A_136 = arith.truncf %slice3A_135 : vector<896x64xf32> to vector<896x64xbf16>
    %slice3A_137 = vector.extract_strided_slice %dot_general3A_76 {offsets = [0, 192], sizes = [896, 64], strides = [1, 1]} : vector<896x256xf32> to vector<896x64xf32>
    %convert_element_type3A_138 = arith.truncf %slice3A_137 : vector<896x64xf32> to vector<896x64xbf16>
    %dot_general3A_139 = arith.constant dense<0.000000e+00> : vector<896x896xf32>
    %dot_general3A_140 = tpu.matmul %convert_element_type3A_136, %convert_element_type3A_138, %dot_general3A_139 {dimension_numbers = #tpu.dot_dimension_numbers<[1], [1], [0], [0], [0, 0, 1, 0], [], []>, transpose_lhs_hint = false} : vector<896x64xbf16>, vector<896x64xbf16>, vector<896x896xf32> -> vector<896x896xf32>
    %convert_element_type3A_141 = arith.truncf %dot_general3A_140 : vector<896x896xf32> to vector<896x896xbf16>
    %exp3A_142 = math.exp %convert_element_type3A_141 : vector<896x896xbf16>
    %slice3A_143 = vector.extract_strided_slice %convert_element_type3A_79 {offsets = [0, 192], sizes = [896, 64], strides = [1, 1]} : vector<896x256xbf16> to vector<896x64xbf16>
    %concatenate3A_144 = tpu.concatenate %slice3A_143, %broadcast_in_dim3A_81 in 1 : vector<896x64xbf16>, vector<896x64xbf16> -> vector<896x128xbf16>
    %dot_general3A_145 = arith.constant dense<0.000000e+00> : vector<896x128xf32>
    %dot_general3A_146 = tpu.matmul %exp3A_142, %concatenate3A_144, %dot_general3A_145 {dimension_numbers = #tpu.dot_dimension_numbers<[1], [0], [0], [1], [0, 0, 1, 1], [], []>, transpose_lhs_hint = false} : vector<896x896xbf16>, vector<896x128xbf16>, vector<896x128xf32> -> vector<896x128xf32>
    %slice3A_147 = vector.extract_strided_slice %dot_general3A_146 {offsets = [0, 0], sizes = [896, 64], strides = [1, 1]} : vector<896x128xf32> to vector<896x64xf32>
    %slice3A_148 = vector.extract_strided_slice %dot_general3A_146 {offsets = [0, 64], sizes = [896, 1], strides = [1, 1]} : vector<896x128xf32> to vector<896x1xf32>
    %div3A_149 = arith.constant 1.000000e+00 : f32
    %div3A_150 = vector.broadcast %div3A_149 : f32 to vector<896x1xf32>
    %div3A_151 = arith.divf %div3A_150, %slice3A_148 : vector<896x1xf32>
    %mul3A_152 = vector.broadcast %div3A_151 : vector<896x1xf32> to vector<896x64xf32>
    %mul3A_153 = arith.mulf %slice3A_147, %mul3A_152 : vector<896x64xf32>
    %concatenate3A_154 = tpu.concatenate %mul3A_96, %mul3A_115, %mul3A_134, %mul3A_153 in 1 : vector<896x64xf32>, vector<896x64xf32>, vector<896x64xf32>, vector<896x64xf32> -> vector<896x256xf32>
    %convert_element_type3A_155 = arith.truncf %concatenate3A_154 : vector<896x256xf32> to vector<896x256xbf16>
    %dot_general3A_156 = arith.constant dense<0.000000e+00> : vector<896x256xf32>
    %dot_general3A_157 = tpu.matmul %convert_element_type3A_155, %convert_element_type3A_13, %dot_general3A_156 {dimension_numbers = #tpu.dot_dimension_numbers<[1], [0], [0], [1], [0, 0, 1, 1], [], []>, transpose_lhs_hint = false} : vector<896x256xbf16>, vector<256x256xbf16>, vector<896x256xf32> -> vector<896x256xf32>
    %add3A_158 = arith.addf %add3A, %dot_general3A_157 : vector<896x256xf32>
    %reduce_sum3A_159 = arith.constant dense<0.000000e+00> : vector<896xf32>
    %reduce_sum3A_160 = vector.multi_reduction <add>, %add3A_158, %reduce_sum3A_159 [1] : vector<896x256xf32> to vector<896xf32>
    %broadcast_in_dim3A_161 = vector.shape_cast %reduce_sum3A_160 : vector<896xf32> to vector<896x1xf32>
    %div3A_162 = arith.constant 2.560000e+02 : f32
    %div3A_163 = vector.broadcast %div3A_162 : f32 to vector<896x1xf32>
    %div3A_164 = arith.divf %broadcast_in_dim3A_161, %div3A_163 : vector<896x1xf32>
    %jit3A_165 = arith.constant 0 : i32
    %reduce_sum3A_166 = arith.constant dense<0.000000e+00> : vector<896xf32>
    %reduce_sum3A_167 = vector.multi_reduction <add>, %add3A_158, %reduce_sum3A_166 [1] : vector<896x256xf32> to vector<896xf32>
    %broadcast_in_dim3A_168 = vector.shape_cast %reduce_sum3A_167 : vector<896xf32> to vector<896x1xf32>
    %div3A_169 = arith.constant 2.560000e+02 : f32
    %div3A_170 = vector.broadcast %div3A_169 : f32 to vector<896x1xf32>
    %div3A_171 = arith.divf %broadcast_in_dim3A_168, %div3A_170 : vector<896x1xf32>
    %sub3A_172 = vector.broadcast %div3A_171 : vector<896x1xf32> to vector<896x256xf32>
    %sub3A_173 = arith.subf %add3A_158, %sub3A_172 : vector<896x256xf32>
    %square3A_174 = arith.mulf %sub3A_173, %sub3A_173 : vector<896x256xf32>
    %convert_element_type3A_175 = arith.sitofp %jit3A_165 : i32 to f32
    %sub3A_176 = arith.constant 2.560000e+02 : f32
    %sub3A_177 = arith.subf %sub3A_176, %convert_element_type3A_175 : f32
    %reduce_sum3A_178 = arith.constant dense<0.000000e+00> : vector<896xf32>
    %reduce_sum3A_179 = vector.multi_reduction <add>, %square3A_174, %reduce_sum3A_178 [1] : vector<896x256xf32> to vector<896xf32>
    %broadcast_in_dim3A_180 = vector.shape_cast %reduce_sum3A_179 : vector<896xf32> to vector<896x1xf32>
    %div3A_181 = vector.broadcast %sub3A_177 : f32 to vector<896x1xf32>
    %div3A_182 = arith.divf %broadcast_in_dim3A_180, %div3A_181 : vector<896x1xf32>
    %gt3A_183 = arith.constant 0.000000e+00 : f32
    %gt3A_184 = arith.cmpf ogt, %sub3A_177, %gt3A_183 : f32
    %jit3A_185 = arith.constant 0x7FC00000 : f32
    %broadcast_in_dim3A_186 = vector.broadcast %jit3A_185 : f32 to vector<896x1xf32>
    %select_n3A_187 = arith.select %gt3A_184, %div3A_182, %broadcast_in_dim3A_186 : vector<896x1xf32>
    %sub3A_188 = vector.broadcast %div3A_164 : vector<896x1xf32> to vector<896x256xf32>
    %sub3A_189 = arith.subf %add3A_158, %sub3A_188 : vector<896x256xf32>
    %add3A_190 = arith.constant 9.99999997E-7 : f32
    %add3A_191 = vector.broadcast %add3A_190 : f32 to vector<896x1xf32>
    %add3A_192 = arith.addf %select_n3A_187, %add3A_191 : vector<896x1xf32>
    %sqrt3A_193 = math.sqrt %add3A_192 : vector<896x1xf32>
    %div3A_194 = vector.broadcast %sqrt3A_193 : vector<896x1xf32> to vector<896x256xf32>
    %div3A_195 = arith.divf %sub3A_189, %div3A_194 : vector<896x256xf32>
    %convert_element_type3A_196 = arith.truncf %div3A_195 : vector<896x256xf32> to vector<896x256xbf16>
    %dot_general3A_197 = arith.constant dense<0.000000e+00> : vector<896x1024xf32>
    %dot_general3A_198 = tpu.matmul %convert_element_type3A_196, %convert_element_type3A_17, %dot_general3A_197 {dimension_numbers = #tpu.dot_dimension_numbers<[1], [0], [0], [1], [0, 0, 1, 1], [], []>, transpose_lhs_hint = false} : vector<896x256xbf16>, vector<256x1024xbf16>, vector<896x1024xf32> -> vector<896x1024xf32>
    %convert_element_type3A_199 = arith.truncf %dot_general3A_198 : vector<896x1024xf32> to vector<896x1024xbf16>
    %add3A_200 = vector.broadcast %convert_element_type3A_25 : vector<1x1024xbf16> to vector<896x1024xbf16>
    %add3A_201 = arith.addf %convert_element_type3A_199, %add3A_200 : vector<896x1024xbf16>
    %max3A = arith.constant 0.000000e+00 : bf16
    %max3A_202 = vector.broadcast %max3A : bf16 to vector<896x1024xbf16>
    %max3A_203 = arith.maximumf %add3A_201, %max3A_202 : vector<896x1024xbf16>
    %dot_general3A_204 = arith.constant dense<0.000000e+00> : vector<896x256xf32>
    %dot_general3A_205 = tpu.matmul %max3A_203, %convert_element_type3A_21, %dot_general3A_204 {dimension_numbers = #tpu.dot_dimension_numbers<[1], [0], [0], [1], [0, 0, 1, 1], [], []>, transpose_lhs_hint = false} : vector<896x1024xbf16>, vector<1024x256xbf16>, vector<896x256xf32> -> vector<896x256xf32>
    %add3A_206 = arith.addf %add3A_158, %dot_general3A_205 : vector<896x256xf32>
    %add3A_207 = vector.broadcast %get3A_28 : vector<1x256xf32> to vector<896x256xf32>
    %add3A_208 = arith.addf %add3A_206, %add3A_207 : vector<896x256xf32>
    %iota3A = tpu.iota {dimensions = array<i32: 0>} : vector<896x1xi32>
    %ge3A = vector.broadcast %iota3A : vector<896x1xi32> to vector<896x80xi32>
    %ge3A_209 = vector.broadcast %get3A_39 : vector<1x80xi32> to vector<896x80xi32>
    %ge3A_210 = arith.cmpi sge, %ge3A, %ge3A_209 : vector<896x80xi32>
    %le3A = vector.broadcast %iota3A : vector<896x1xi32> to vector<896x80xi32>
    %le3A_211 = vector.broadcast %get3A_44 : vector<1x80xi32> to vector<896x80xi32>
    %le3A_212 = arith.cmpi sle, %le3A, %le3A_211 : vector<896x80xi32>
    %and3A = arith.andi %ge3A_210, %le3A_212 : vector<896x80xi1>
    %convert_element_type3A_213 = arith.extui %and3A : vector<896x80xi1> to vector<896x80xi32>
    %convert_element_type3A_214 = arith.sitofp %convert_element_type3A_213 : vector<896x80xi32> to vector<896x80xf32>
    %broadcast_in_dim3A_215 = arith.constant 1.000000e+00 : f32
    %broadcast_in_dim3A_216 = vector.broadcast %broadcast_in_dim3A_215 : f32 to vector<896x128xf32>
    %concatenate3A_217 = tpu.concatenate %add3A_208, %broadcast_in_dim3A_216 in 1 : vector<896x256xf32>, vector<896x128xf32> -> vector<896x384xf32>
    %dot_general3A_218 = arith.constant dense<0.000000e+00> : vector<80x384xf32>
    %dot_general3A_219 = tpu.matmul %convert_element_type3A_214, %concatenate3A_217, %dot_general3A_218 {dimension_numbers = #tpu.dot_dimension_numbers<[0], [0], [1], [1], [0, 1, 1, 1], [], []>, transpose_lhs_hint = false} : vector<896x80xf32>, vector<896x384xf32>, vector<80x384xf32> -> vector<80x384xf32>
    %slice3A_220 = vector.extract_strided_slice %dot_general3A_219 {offsets = [0, 256], sizes = [80, 1], strides = [1, 1]} : vector<80x384xf32> to vector<80x1xf32>
    %slice3A_221 = vector.extract_strided_slice %dot_general3A_219 {offsets = [0, 0], sizes = [80, 256], strides = [1, 1]} : vector<80x384xf32> to vector<80x256xf32>
    %add3A_222 = arith.constant 9.99999997E-7 : f32
    %add3A_223 = vector.broadcast %add3A_222 : f32 to vector<80x1xf32>
    %add3A_224 = arith.addf %slice3A_220, %add3A_223 : vector<80x1xf32>
    %div3A_225 = vector.broadcast %add3A_224 : vector<80x1xf32> to vector<80x256xf32>
    %div3A_226 = arith.divf %slice3A_221, %div3A_225 : vector<80x256xf32>
    %swap3A = arith.constant 0 : index
    %swap3A_227 = arith.constant 0 : index
    %swap3A_228 = vector.load %arg13[%swap3A, %swap3A_227] : memref<320x256xf32, #tpu.memory_space<vmem>>, vector<80x256xf32>
    tpu.vector_store %arg13[%swap3A, %swap3A_227], %div3A_226 {strides = array<i32>} : memref<320x256xf32, #tpu.memory_space<vmem>>, vector<80x256xf32>,
    %get3A_229 = arith.constant 896 : index
    %get3A_230 = arith.constant 0 : index
    %get3A_231 = vector.load %arg1[%get3A_229, %get3A_230] : memref<3584x256xf32, #tpu.memory_space<vmem>>, vector<896x256xf32>
    %get3A_232 = arith.constant 0 : index
    %get3A_233 = arith.constant 0 : index
    %get3A_234 = vector.load %arg2[%get3A_232, %get3A_233] : memref<896x256xf32, #tpu.memory_space<vmem>>, vector<896x256xf32>
    %add3A_235 = arith.addf %get3A_231, %get3A_234 : vector<896x256xf32>
    %get3A_236 = arith.constant 1 : index
    %get3A_237 = arith.constant 0 : index
    %get3A_238 = arith.constant 0 : index
    %get3A_239 = vector.load %arg3[%get3A_236, %get3A_237, %get3A_238] : memref<4x1x80xi32, #tpu.memory_space<vmem>>, vector<1x1x80xi32>
    %get3A_240 = vector.shape_cast %get3A_239 : vector<1x1x80xi32> to vector<1x80xi32>
    %get3A_241 = arith.constant 1 : index
    %get3A_242 = arith.constant 0 : index
    %get3A_243 = arith.constant 0 : index
    %get3A_244 = vector.load %arg4[%get3A_241, %get3A_242, %get3A_243] : memref<4x1x80xi32, #tpu.memory_space<vmem>>, vector<1x1x80xi32>
    %get3A_245 = vector.shape_cast %get3A_244 : vector<1x1x80xi32> to vector<1x80xi32>
    %reduce_sum3A_246 = arith.constant dense<0.000000e+00> : vector<896xf32>
    %reduce_sum3A_247 = vector.multi_reduction <add>, %add3A_235, %reduce_sum3A_246 [1] : vector<896x256xf32> to vector<896xf32>
    %broadcast_in_dim3A_248 = vector.shape_cast %reduce_sum3A_247 : vector<896xf32> to vector<896x1xf32>
    %div3A_249 = arith.constant 2.560000e+02 : f32
    %div3A_250 = vector.broadcast %div3A_249 : f32 to vector<896x1xf32>
    %div3A_251 = arith.divf %broadcast_in_dim3A_248, %div3A_250 : vector<896x1xf32>
    %jit3A_252 = arith.constant 0 : i32
    %reduce_sum3A_253 = arith.constant dense<0.000000e+00> : vector<896xf32>
    %reduce_sum3A_254 = vector.multi_reduction <add>, %add3A_235, %reduce_sum3A_253 [1] : vector<896x256xf32> to vector<896xf32>
    %broadcast_in_dim3A_255 = vector.shape_cast %reduce_sum3A_254 : vector<896xf32> to vector<896x1xf32>
    %div3A_256 = arith.constant 2.560000e+02 : f32
    %div3A_257 = vector.broadcast %div3A_256 : f32 to vector<896x1xf32>
    %div3A_258 = arith.divf %broadcast_in_dim3A_255, %div3A_257 : vector<896x1xf32>
    %sub3A_259 = vector.broadcast %div3A_258 : vector<896x1xf32> to vector<896x256xf32>
    %sub3A_260 = arith.subf %add3A_235, %sub3A_259 : vector<896x256xf32>
    %square3A_261 = arith.mulf %sub3A_260, %sub3A_260 : vector<896x256xf32>
    %convert_element_type3A_262 = arith.sitofp %jit3A_252 : i32 to f32
    %sub3A_263 = arith.constant 2.560000e+02 : f32
    %sub3A_264 = arith.subf %sub3A_263, %convert_element_type3A_262 : f32
    %reduce_sum3A_265 = arith.constant dense<0.000000e+00> : vector<896xf32>
    %reduce_sum3A_266 = vector.multi_reduction <add>, %square3A_261, %reduce_sum3A_265 [1] : vector<896x256xf32> to vector<896xf32>
    %broadcast_in_dim3A_267 = vector.shape_cast %reduce_sum3A_266 : vector<896xf32> to vector<896x1xf32>
    %div3A_268 = vector.broadcast %sub3A_264 : f32 to vector<896x1xf32>
    %div3A_269 = arith.divf %broadcast_in_dim3A_267, %div3A_268 : vector<896x1xf32>
    %gt3A_270 = arith.constant 0.000000e+00 : f32
    %gt3A_271 = arith.cmpf ogt, %sub3A_264, %gt3A_270 : f32
    %jit3A_272 = arith.constant 0x7FC00000 : f32
    %broadcast_in_dim3A_273 = vector.broadcast %jit3A_272 : f32 to vector<896x1xf32>
    %select_n3A_274 = arith.select %gt3A_271, %div3A_269, %broadcast_in_dim3A_273 : vector<896x1xf32>
    %sub3A_275 = vector.broadcast %div3A_251 : vector<896x1xf32> to vector<896x256xf32>
    %sub3A_276 = arith.subf %add3A_235, %sub3A_275 : vector<896x256xf32>
    %add3A_277 = arith.constant 9.99999997E-7 : f32
    %add3A_278 = vector.broadcast %add3A_277 : f32 to vector<896x1xf32>
    %add3A_279 = arith.addf %select_n3A_274, %add3A_278 : vector<896x1xf32>
    %sqrt3A_280 = math.sqrt %add3A_279 : vector<896x1xf32>
    %div3A_281 = vector.broadcast %sqrt3A_280 : vector<896x1xf32> to vector<896x256xf32>
    %div3A_282 = arith.divf %sub3A_276, %div3A_281 : vector<896x256xf32>
    %convert_element_type3A_283 = arith.truncf %div3A_282 : vector<896x256xf32> to vector<896x256xbf16>
    %dot_general3A_284 = arith.constant dense<0.000000e+00> : vector<896x256xf32>
    %dot_general3A_285 = tpu.matmul %convert_element_type3A_283, %convert_element_type3A, %dot_general3A_284 {dimension_numbers = #tpu.dot_dimension_numbers<[1], [0], [0], [1], [0, 0, 1, 1], [], []>, transpose_lhs_hint = false} : vector<896x256xbf16>, vector<256x256xbf16>, vector<896x256xf32> -> vector<896x256xf32>
    %dot_general3A_286 = arith.constant dense<0.000000e+00> : vector<896x256xf32>
    %dot_general3A_287 = tpu.matmul %convert_element_type3A_283, %convert_element_type3A_5, %dot_general3A_286 {dimension_numbers = #tpu.dot_dimension_numbers<[1], [0], [0], [1], [0, 0, 1, 1], [], []>, transpose_lhs_hint = false} : vector<896x256xbf16>, vector<256x256xbf16>, vector<896x256xf32> -> vector<896x256xf32>
    %dot_general3A_288 = arith.constant dense<0.000000e+00> : vector<896x256xf32>
    %dot_general3A_289 = tpu.matmul %convert_element_type3A_283, %convert_element_type3A_9, %dot_general3A_288 {dimension_numbers = #tpu.dot_dimension_numbers<[1], [0], [0], [1], [0, 0, 1, 1], [], []>, transpose_lhs_hint = false} : vector<896x256xbf16>, vector<256x256xbf16>, vector<896x256xf32> -> vector<896x256xf32>
    %convert_element_type3A_290 = arith.truncf %dot_general3A_289 : vector<896x256xf32> to vector<896x256xbf16>
    %broadcast_in_dim3A_291 = arith.constant 1.000000e+00 : bf16
    %broadcast_in_dim3A_292 = vector.broadcast %broadcast_in_dim3A_291 : bf16 to vector<896x64xbf16>
    %slice3A_293 = vector.extract_strided_slice %dot_general3A_285 {offsets = [0, 0], sizes = [896, 64], strides = [1, 1]} : vector<896x256xf32> to vector<896x64xf32>
    %convert_element_type3A_294 = arith.truncf %slice3A_293 : vector<896x64xf32> to vector<896x64xbf16>
    %slice3A_295 = vector.extract_strided_slice %dot_general3A_287 {offsets = [0, 0], sizes = [896, 64], strides = [1, 1]} : vector<896x256xf32> to vector<896x64xf32>
    %convert_element_type3A_296 = arith.truncf %slice3A_295 : vector<896x64xf32> to vector<896x64xbf16>
    %dot_general3A_297 = arith.constant dense<0.000000e+00> : vector<896x896xf32>
    %dot_general3A_298 = tpu.matmul %convert_element_type3A_294, %convert_element_type3A_296, %dot_general3A_297 {dimension_numbers = #tpu.dot_dimension_numbers<[1], [1], [0], [0], [0, 0, 1, 0], [], []>, transpose_lhs_hint = false} : vector<896x64xbf16>, vector<896x64xbf16>, vector<896x896xf32> -> vector<896x896xf32>
    %convert_element_type3A_299 = arith.truncf %dot_general3A_298 : vector<896x896xf32> to vector<896x896xbf16>
    %exp3A_300 = math.exp %convert_element_type3A_299 : vector<896x896xbf16>
    %slice3A_301 = vector.extract_strided_slice %convert_element_type3A_290 {offsets = [0, 0], sizes = [896, 64], strides = [1, 1]} : vector<896x256xbf16> to vector<896x64xbf16>
    %concatenate3A_302 = tpu.concatenate %slice3A_301, %broadcast_in_dim3A_292 in 1 : vector<896x64xbf16>, vector<896x64xbf16> -> vector<896x128xbf16>
    %dot_general3A_303 = arith.constant dense<0.000000e+00> : vector<896x128xf32>
    %dot_general3A_304 = tpu.matmul %exp3A_300, %concatenate3A_302, %dot_general3A_303 {dimension_numbers = #tpu.dot_dimension_numbers<[1], [0], [0], [1], [0, 0, 1, 1], [], []>, transpose_lhs_hint = false} : vector<896x896xbf16>, vector<896x128xbf16>, vector<896x128xf32> -> vector<896x128xf32>
    %slice3A_305 = vector.extract_strided_slice %dot_general3A_304 {offsets = [0, 0], sizes = [896, 64], strides = [1, 1]} : vector<896x128xf32> to vector<896x64xf32>
    %slice3A_306 = vector.extract_strided_slice %dot_general3A_304 {offsets = [0, 64], sizes = [896, 1], strides = [1, 1]} : vector<896x128xf32> to vector<896x1xf32>
    %div3A_307 = arith.constant 1.000000e+00 : f32
    %div3A_308 = vector.broadcast %div3A_307 : f32 to vector<896x1xf32>
    %div3A_309 = arith.divf %div3A_308, %slice3A_306 : vector<896x1xf32>
    %mul3A_310 = vector.broadcast %div3A_309 : vector<896x1xf32> to vector<896x64xf32>
    %mul3A_311 = arith.mulf %slice3A_305, %mul3A_310 : vector<896x64xf32>
    %slice3A_312 = vector.extract_strided_slice %dot_general3A_285 {offsets = [0, 64], sizes = [896, 64], strides = [1, 1]} : vector<896x256xf32> to vector<896x64xf32>
    %convert_element_type3A_313 = arith.truncf %slice3A_312 : vector<896x64xf32> to vector<896x64xbf16>
    %slice3A_314 = vector.extract_strided_slice %dot_general3A_287 {offsets = [0, 64], sizes = [896, 64], strides = [1, 1]} : vector<896x256xf32> to vector<896x64xf32>
    %convert_element_type3A_315 = arith.truncf %slice3A_314 : vector<896x64xf32> to vector<896x64xbf16>
    %dot_general3A_316 = arith.constant dense<0.000000e+00> : vector<896x896xf32>
    %dot_general3A_317 = tpu.matmul %convert_element_type3A_313, %convert_element_type3A_315, %dot_general3A_316 {dimension_numbers = #tpu.dot_dimension_numbers<[1], [1], [0], [0], [0, 0, 1, 0], [], []>, transpose_lhs_hint = false} : vector<896x64xbf16>, vector<896x64xbf16>, vector<896x896xf32> -> vector<896x896xf32>
    %convert_element_type3A_318 = arith.truncf %dot_general3A_317 : vector<896x896xf32> to vector<896x896xbf16>
    %exp3A_319 = math.exp %convert_element_type3A_318 : vector<896x896xbf16>
    %slice3A_320 = vector.extract_strided_slice %convert_element_type3A_290 {offsets = [0, 64], sizes = [896, 64], strides = [1, 1]} : vector<896x256xbf16> to vector<896x64xbf16>
    %concatenate3A_321 = tpu.concatenate %slice3A_320, %broadcast_in_dim3A_292 in 1 : vector<896x64xbf16>, vector<896x64xbf16> -> vector<896x128xbf16>
    %dot_general3A_322 = arith.constant dense<0.000000e+00> : vector<896x128xf32>
    %dot_general3A_323 = tpu.matmul %exp3A_319, %concatenate3A_321, %dot_general3A_322 {dimension_numbers = #tpu.dot_dimension_numbers<[1], [0], [0], [1], [0, 0, 1, 1], [], []>, transpose_lhs_hint = false} : vector<896x896xbf16>, vector<896x128xbf16>, vector<896x128xf32> -> vector<896x128xf32>
    %slice3A_324 = vector.extract_strided_slice %dot_general3A_323 {offsets = [0, 0], sizes = [896, 64], strides = [1, 1]} : vector<896x128xf32> to vector<896x64xf32>
    %slice3A_325 = vector.extract_strided_slice %dot_general3A_323 {offsets = [0, 64], sizes = [896, 1], strides = [1, 1]} : vector<896x128xf32> to vector<896x1xf32>
    %div3A_326 = arith.constant 1.000000e+00 : f32
    %div3A_327 = vector.broadcast %div3A_326 : f32 to vector<896x1xf32>
    %div3A_328 = arith.divf %div3A_327, %slice3A_325 : vector<896x1xf32>
    %mul3A_329 = vector.broadcast %div3A_328 : vector<896x1xf32> to vector<896x64xf32>
    %mul3A_330 = arith.mulf %slice3A_324, %mul3A_329 : vector<896x64xf32>
    %slice3A_331 = vector.extract_strided_slice %dot_general3A_285 {offsets = [0, 128], sizes = [896, 64], strides = [1, 1]} : vector<896x256xf32> to vector<896x64xf32>
    %convert_element_type3A_332 = arith.truncf %slice3A_331 : vector<896x64xf32> to vector<896x64xbf16>
    %slice3A_333 = vector.extract_strided_slice %dot_general3A_287 {offsets = [0, 128], sizes = [896, 64], strides = [1, 1]} : vector<896x256xf32> to vector<896x64xf32>
    %convert_element_type3A_334 = arith.truncf %slice3A_333 : vector<896x64xf32> to vector<896x64xbf16>
    %dot_general3A_335 = arith.constant dense<0.000000e+00> : vector<896x896xf32>
    %dot_general3A_336 = tpu.matmul %convert_element_type3A_332, %convert_element_type3A_334, %dot_general3A_335 {dimension_numbers = #tpu.dot_dimension_numbers<[1], [1], [0], [0], [0, 0, 1, 0], [], []>, transpose_lhs_hint = false} : vector<896x64xbf16>, vector<896x64xbf16>, vector<896x896xf32> -> vector<896x896xf32>
    %convert_element_type3A_337 = arith.truncf %dot_general3A_336 : vector<896x896xf32> to vector<896x896xbf16>
    %exp3A_338 = math.exp %convert_element_type3A_337 : vector<896x896xbf16>
    %slice3A_339 = vector.extract_strided_slice %convert_element_type3A_290 {offsets = [0, 128], sizes = [896, 64], strides = [1, 1]} : vector<896x256xbf16> to vector<896x64xbf16>
    %concatenate3A_340 = tpu.concatenate %slice3A_339, %broadcast_in_dim3A_292 in 1 : vector<896x64xbf16>, vector<896x64xbf16> -> vector<896x128xbf16>
    %dot_general3A_341 = arith.constant dense<0.000000e+00> : vector<896x128xf32>
    %dot_general3A_342 = tpu.matmul %exp3A_338, %concatenate3A_340, %dot_general3A_341 {dimension_numbers = #tpu.dot_dimension_numbers<[1], [0], [0], [1], [0, 0, 1, 1], [], []>, transpose_lhs_hint = false} : vector<896x896xbf16>, vector<896x128xbf16>, vector<896x128xf32> -> vector<896x128xf32>
    %slice3A_343 = vector.extract_strided_slice %dot_general3A_342 {offsets = [0, 0], sizes = [896, 64], strides = [1, 1]} : vector<896x128xf32> to vector<896x64xf32>
    %slice3A_344 = vector.extract_strided_slice %dot_general3A_342 {offsets = [0, 64], sizes = [896, 1], strides = [1, 1]} : vector<896x128xf32> to vector<896x1xf32>
    %div3A_345 = arith.constant 1.000000e+00 : f32
    %div3A_346 = vector.broadcast %div3A_345 : f32 to vector<896x1xf32>
    %div3A_347 = arith.divf %div3A_346, %slice3A_344 : vector<896x1xf32>
    %mul3A_348 = vector.broadcast %div3A_347 : vector<896x1xf32> to vector<896x64xf32>
    %mul3A_349 = arith.mulf %slice3A_343, %mul3A_348 : vector<896x64xf32>
    %slice3A_350 = vector.extract_strided_slice %dot_general3A_285 {offsets = [0, 192], sizes = [896, 64], strides = [1, 1]} : vector<896x256xf32> to vector<896x64xf32>
    %convert_element_type3A_351 = arith.truncf %slice3A_350 : vector<896x64xf32> to vector<896x64xbf16>
    %slice3A_352 = vector.extract_strided_slice %dot_general3A_287 {offsets = [0, 192], sizes = [896, 64], strides = [1, 1]} : vector<896x256xf32> to vector<896x64xf32>
    %convert_element_type3A_353 = arith.truncf %slice3A_352 : vector<896x64xf32> to vector<896x64xbf16>
    %dot_general3A_354 = arith.constant dense<0.000000e+00> : vector<896x896xf32>
    %dot_general3A_355 = tpu.matmul %convert_element_type3A_351, %convert_element_type3A_353, %dot_general3A_354 {dimension_numbers = #tpu.dot_dimension_numbers<[1], [1], [0], [0], [0, 0, 1, 0], [], []>, transpose_lhs_hint = false} : vector<896x64xbf16>, vector<896x64xbf16>, vector<896x896xf32> -> vector<896x896xf32>
    %convert_element_type3A_356 = arith.truncf %dot_general3A_355 : vector<896x896xf32> to vector<896x896xbf16>
    %exp3A_357 = math.exp %convert_element_type3A_356 : vector<896x896xbf16>
    %slice3A_358 = vector.extract_strided_slice %convert_element_type3A_290 {offsets = [0, 192], sizes = [896, 64], strides = [1, 1]} : vector<896x256xbf16> to vector<896x64xbf16>
    %concatenate3A_359 = tpu.concatenate %slice3A_358, %broadcast_in_dim3A_292 in 1 : vector<896x64xbf16>, vector<896x64xbf16> -> vector<896x128xbf16>
    %dot_general3A_360 = arith.constant dense<0.000000e+00> : vector<896x128xf32>
    %dot_general3A_361 = tpu.matmul %exp3A_357, %concatenate3A_359, %dot_general3A_360 {dimension_numbers = #tpu.dot_dimension_numbers<[1], [0], [0], [1], [0, 0, 1, 1], [], []>, transpose_lhs_hint = false} : vector<896x896xbf16>, vector<896x128xbf16>, vector<896x128xf32> -> vector<896x128xf32>
    %slice3A_362 = vector.extract_strided_slice %dot_general3A_361 {offsets = [0, 0], sizes = [896, 64], strides = [1, 1]} : vector<896x128xf32> to vector<896x64xf32>
    %slice3A_363 = vector.extract_strided_slice %dot_general3A_361 {offsets = [0, 64], sizes = [896, 1], strides = [1, 1]} : vector<896x128xf32> to vector<896x1xf32>
    %div3A_364 = arith.constant 1.000000e+00 : f32
    %div3A_365 = vector.broadcast %div3A_364 : f32 to vector<896x1xf32>
    %div3A_366 = arith.divf %div3A_365, %slice3A_363 : vector<896x1xf32>
    %mul3A_367 = vector.broadcast %div3A_366 : vector<896x1xf32> to vector<896x64xf32>
    %mul3A_368 = arith.mulf %slice3A_362, %mul3A_367 : vector<896x64xf32>
    %concatenate3A_369 = tpu.concatenate %mul3A_311, %mul3A_330, %mul3A_349, %mul3A_368 in 1 : vector<896x64xf32>, vector<896x64xf32>, vector<896x64xf32>, vector<896x64xf32> -> vector<896x256xf32>
    %convert_element_type3A_370 = arith.truncf %concatenate3A_369 : vector<896x256xf32> to vector<896x256xbf16>
    %dot_general3A_371 = arith.constant dense<0.000000e+00> : vector<896x256xf32>
    %dot_general3A_372 = tpu.matmul %convert_element_type3A_370, %convert_element_type3A_13, %dot_general3A_371 {dimension_numbers = #tpu.dot_dimension_numbers<[1], [0], [0], [1], [0, 0, 1, 1], [], []>, transpose_lhs_hint = false} : vector<896x256xbf16>, vector<256x256xbf16>, vector<896x256xf32> -> vector<896x256xf32>
    %add3A_373 = arith.addf %add3A_235, %dot_general3A_372 : vector<896x256xf32>
    %reduce_sum3A_374 = arith.constant dense<0.000000e+00> : vector<896xf32>
    %reduce_sum3A_375 = vector.multi_reduction <add>, %add3A_373, %reduce_sum3A_374 [1] : vector<896x256xf32> to vector<896xf32>
    %broadcast_in_dim3A_376 = vector.shape_cast %reduce_sum3A_375 : vector<896xf32> to vector<896x1xf32>
    %div3A_377 = arith.constant 2.560000e+02 : f32
    %div3A_378 = vector.broadcast %div3A_377 : f32 to vector<896x1xf32>
    %div3A_379 = arith.divf %broadcast_in_dim3A_376, %div3A_378 : vector<896x1xf32>
    %jit3A_380 = arith.constant 0 : i32
    %reduce_sum3A_381 = arith.constant dense<0.000000e+00> : vector<896xf32>
    %reduce_sum3A_382 = vector.multi_reduction <add>, %add3A_373, %reduce_sum3A_381 [1] : vector<896x256xf32> to vector<896xf32>
    %broadcast_in_dim3A_383 = vector.shape_cast %reduce_sum3A_382 : vector<896xf32> to vector<896x1xf32>
    %div3A_384 = arith.constant 2.560000e+02 : f32
    %div3A_385 = vector.broadcast %div3A_384 : f32 to vector<896x1xf32>
    %div3A_386 = arith.divf %broadcast_in_dim3A_383, %div3A_385 : vector<896x1xf32>
    %sub3A_387 = vector.broadcast %div3A_386 : vector<896x1xf32> to vector<896x256xf32>
    %sub3A_388 = arith.subf %add3A_373, %sub3A_387 : vector<896x256xf32>
    %square3A_389 = arith.mulf %sub3A_388, %sub3A_388 : vector<896x256xf32>
    %convert_element_type3A_390 = arith.sitofp %jit3A_380 : i32 to f32
    %sub3A_391 = arith.constant 2.560000e+02 : f32
    %sub3A_392 = arith.subf %sub3A_391, %convert_element_type3A_390 : f32
    %reduce_sum3A_393 = arith.constant dense<0.000000e+00> : vector<896xf32>
    %reduce_sum3A_394 = vector.multi_reduction <add>, %square3A_389, %reduce_sum3A_393 [1] : vector<896x256xf32> to vector<896xf32>
    %broadcast_in_dim3A_395 = vector.shape_cast %reduce_sum3A_394 : vector<896xf32> to vector<896x1xf32>
    %div3A_396 = vector.broadcast %sub3A_392 : f32 to vector<896x1xf32>
    %div3A_397 = arith.divf %broadcast_in_dim3A_395, %div3A_396 : vector<896x1xf32>
    %gt3A_398 = arith.constant 0.000000e+00 : f32
    %gt3A_399 = arith.cmpf ogt, %sub3A_392, %gt3A_398 : f32
    %jit3A_400 = arith.constant 0x7FC00000 : f32
    %broadcast_in_dim3A_401 = vector.broadcast %jit3A_400 : f32 to vector<896x1xf32>
    %select_n3A_402 = arith.select %gt3A_399, %div3A_397, %broadcast_in_dim3A_401 : vector<896x1xf32>
    %sub3A_403 = vector.broadcast %div3A_379 : vector<896x1xf32> to vector<896x256xf32>
    %sub3A_404 = arith.subf %add3A_373, %sub3A_403 : vector<896x256xf32>
    %add3A_405 = arith.constant 9.99999997E-7 : f32
    %add3A_406 = vector.broadcast %add3A_405 : f32 to vector<896x1xf32>
    %add3A_407 = arith.addf %select_n3A_402, %add3A_406 : vector<896x1xf32>
    %sqrt3A_408 = math.sqrt %add3A_407 : vector<896x1xf32>
    %div3A_409 = vector.broadcast %sqrt3A_408 : vector<896x1xf32> to vector<896x256xf32>
    %div3A_410 = arith.divf %sub3A_404, %div3A_409 : vector<896x256xf32>
    %convert_element_type3A_411 = arith.truncf %div3A_410 : vector<896x256xf32> to vector<896x256xbf16>
    %dot_general3A_412 = arith.constant dense<0.000000e+00> : vector<896x1024xf32>
    %dot_general3A_413 = tpu.matmul %convert_element_type3A_411, %convert_element_type3A_17, %dot_general3A_412 {dimension_numbers = #tpu.dot_dimension_numbers<[1], [0], [0], [1], [0, 0, 1, 1], [], []>, transpose_lhs_hint = false} : vector<896x256xbf16>, vector<256x1024xbf16>, vector<896x1024xf32> -> vector<896x1024xf32>
    %convert_element_type3A_414 = arith.truncf %dot_general3A_413 : vector<896x1024xf32> to vector<896x1024xbf16>
    %add3A_415 = vector.broadcast %convert_element_type3A_25 : vector<1x1024xbf16> to vector<896x1024xbf16>
    %add3A_416 = arith.addf %convert_element_type3A_414, %add3A_415 : vector<896x1024xbf16>
    %max3A_417 = arith.constant 0.000000e+00 : bf16
    %max3A_418 = vector.broadcast %max3A_417 : bf16 to vector<896x1024xbf16>
    %max3A_419 = arith.maximumf %add3A_416, %max3A_418 : vector<896x1024xbf16>
    %dot_general3A_420 = arith.constant dense<0.000000e+00> : vector<896x256xf32>
    %dot_general3A_421 = tpu.matmul %max3A_419, %convert_element_type3A_21, %dot_general3A_420 {dimension_numbers = #tpu.dot_dimension_numbers<[1], [0], [0], [1], [0, 0, 1, 1], [], []>, transpose_lhs_hint = false} : vector<896x1024xbf16>, vector<1024x256xbf16>, vector<896x256xf32> -> vector<896x256xf32>
    %add3A_422 = arith.addf %add3A_373, %dot_general3A_421 : vector<896x256xf32>
    %add3A_423 = vector.broadcast %get3A_28 : vector<1x256xf32> to vector<896x256xf32>
    %add3A_424 = arith.addf %add3A_422, %add3A_423 : vector<896x256xf32>
    %iota3A_425 = tpu.iota {dimensions = array<i32: 0>} : vector<896x1xi32>
    %ge3A_426 = vector.broadcast %iota3A_425 : vector<896x1xi32> to vector<896x80xi32>
    %ge3A_427 = vector.broadcast %get3A_240 : vector<1x80xi32> to vector<896x80xi32>
    %ge3A_428 = arith.cmpi sge, %ge3A_426, %ge3A_427 : vector<896x80xi32>
    %le3A_429 = vector.broadcast %iota3A_425 : vector<896x1xi32> to vector<896x80xi32>
    %le3A_430 = vector.broadcast %get3A_245 : vector<1x80xi32> to vector<896x80xi32>
    %le3A_431 = arith.cmpi sle, %le3A_429, %le3A_430 : vector<896x80xi32>
    %and3A_432 = arith.andi %ge3A_428, %le3A_431 : vector<896x80xi1>
    %convert_element_type3A_433 = arith.extui %and3A_432 : vector<896x80xi1> to vector<896x80xi32>
    %convert_element_type3A_434 = arith.sitofp %convert_element_type3A_433 : vector<896x80xi32> to vector<896x80xf32>
    %broadcast_in_dim3A_435 = arith.constant 1.000000e+00 : f32
    %broadcast_in_dim3A_436 = vector.broadcast %broadcast_in_dim3A_435 : f32 to vector<896x128xf32>
    %concatenate3A_437 = tpu.concatenate %add3A_424, %broadcast_in_dim3A_436 in 1 : vector<896x256xf32>, vector<896x128xf32> -> vector<896x384xf32>
    %dot_general3A_438 = arith.constant dense<0.000000e+00> : vector<80x384xf32>
    %dot_general3A_439 = tpu.matmul %convert_element_type3A_434, %concatenate3A_437, %dot_general3A_438 {dimension_numbers = #tpu.dot_dimension_numbers<[0], [0], [1], [1], [0, 1, 1, 1], [], []>, transpose_lhs_hint = false} : vector<896x80xf32>, vector<896x384xf32>, vector<80x384xf32> -> vector<80x384xf32>
    %slice3A_440 = vector.extract_strided_slice %dot_general3A_439 {offsets = [0, 256], sizes = [80, 1], strides = [1, 1]} : vector<80x384xf32> to vector<80x1xf32>
    %slice3A_441 = vector.extract_strided_slice %dot_general3A_439 {offsets = [0, 0], sizes = [80, 256], strides = [1, 1]} : vector<80x384xf32> to vector<80x256xf32>
    %add3A_442 = arith.constant 9.99999997E-7 : f32
    %add3A_443 = vector.broadcast %add3A_442 : f32 to vector<80x1xf32>
    %add3A_444 = arith.addf %slice3A_440, %add3A_443 : vector<80x1xf32>
    %div3A_445 = vector.broadcast %add3A_444 : vector<80x1xf32> to vector<80x256xf32>
    %div3A_446 = arith.divf %slice3A_441, %div3A_445 : vector<80x256xf32>
    %swap3A_447 = arith.constant 80 : index
    %swap3A_448 = arith.constant 0 : index
    %swap3A_449 = vector.load %arg13[%swap3A_447, %swap3A_448] : memref<320x256xf32, #tpu.memory_space<vmem>>, vector<80x256xf32>
    tpu.vector_store %arg13[%swap3A_447, %swap3A_448], %div3A_446 {strides = array<i32>} : memref<320x256xf32, #tpu.memory_space<vmem>>, vector<80x256xf32>,
    %get3A_450 = arith.constant 1792 : index
    %get3A_451 = arith.constant 0 : index
    %get3A_452 = vector.load %arg1[%get3A_450, %get3A_451] : memref<3584x256xf32, #tpu.memory_space<vmem>>, vector<896x256xf32>
    %get3A_453 = arith.constant 0 : index
    %get3A_454 = arith.constant 0 : index
    %get3A_455 = vector.load %arg2[%get3A_453, %get3A_454] : memref<896x256xf32, #tpu.memory_space<vmem>>, vector<896x256xf32>
    %add3A_456 = arith.addf %get3A_452, %get3A_455 : vector<896x256xf32>
    %get3A_457 = arith.constant 2 : index
    %get3A_458 = arith.constant 0 : index
    %get3A_459 = arith.constant 0 : index
    %get3A_460 = vector.load %arg3[%get3A_457, %get3A_458, %get3A_459] : memref<4x1x80xi32, #tpu.memory_space<vmem>>, vector<1x1x80xi32>
    %get3A_461 = vector.shape_cast %get3A_460 : vector<1x1x80xi32> to vector<1x80xi32>
    %get3A_462 = arith.constant 2 : index
    %get3A_463 = arith.constant 0 : index
    %get3A_464 = arith.constant 0 : index
    %get3A_465 = vector.load %arg4[%get3A_462, %get3A_463, %get3A_464] : memref<4x1x80xi32, #tpu.memory_space<vmem>>, vector<1x1x80xi32>
    %get3A_466 = vector.shape_cast %get3A_465 : vector<1x1x80xi32> to vector<1x80xi32>
    %reduce_sum3A_467 = arith.constant dense<0.000000e+00> : vector<896xf32>
    %reduce_sum3A_468 = vector.multi_reduction <add>, %add3A_456, %reduce_sum3A_467 [1] : vector<896x256xf32> to vector<896xf32>
    %broadcast_in_dim3A_469 = vector.shape_cast %reduce_sum3A_468 : vector<896xf32> to vector<896x1xf32>
    %div3A_470 = arith.constant 2.560000e+02 : f32
    %div3A_471 = vector.broadcast %div3A_470 : f32 to vector<896x1xf32>
    %div3A_472 = arith.divf %broadcast_in_dim3A_469, %div3A_471 : vector<896x1xf32>
    %jit3A_473 = arith.constant 0 : i32
    %reduce_sum3A_474 = arith.constant dense<0.000000e+00> : vector<896xf32>
    %reduce_sum3A_475 = vector.multi_reduction <add>, %add3A_456, %reduce_sum3A_474 [1] : vector<896x256xf32> to vector<896xf32>
    %broadcast_in_dim3A_476 = vector.shape_cast %reduce_sum3A_475 : vector<896xf32> to vector<896x1xf32>
    %div3A_477 = arith.constant 2.560000e+02 : f32
    %div3A_478 = vector.broadcast %div3A_477 : f32 to vector<896x1xf32>
    %div3A_479 = arith.divf %broadcast_in_dim3A_476, %div3A_478 : vector<896x1xf32>
    %sub3A_480 = vector.broadcast %div3A_479 : vector<896x1xf32> to vector<896x256xf32>
    %sub3A_481 = arith.subf %add3A_456, %sub3A_480 : vector<896x256xf32>
    %square3A_482 = arith.mulf %sub3A_481, %sub3A_481 : vector<896x256xf32>
    %convert_element_type3A_483 = arith.sitofp %jit3A_473 : i32 to f32
    %sub3A_484 = arith.constant 2.560000e+02 : f32
    %sub3A_485 = arith.subf %sub3A_484, %convert_element_type3A_483 : f32
    %reduce_sum3A_486 = arith.constant dense<0.000000e+00> : vector<896xf32>
    %reduce_sum3A_487 = vector.multi_reduction <add>, %square3A_482, %reduce_sum3A_486 [1] : vector<896x256xf32> to vector<896xf32>
    %broadcast_in_dim3A_488 = vector.shape_cast %reduce_sum3A_487 : vector<896xf32> to vector<896x1xf32>
    %div3A_489 = vector.broadcast %sub3A_485 : f32 to vector<896x1xf32>
    %div3A_490 = arith.divf %broadcast_in_dim3A_488, %div3A_489 : vector<896x1xf32>
    %gt3A_491 = arith.constant 0.000000e+00 : f32
    %gt3A_492 = arith.cmpf ogt, %sub3A_485, %gt3A_491 : f32
    %jit3A_493 = arith.constant 0x7FC00000 : f32
    %broadcast_in_dim3A_494 = vector.broadcast %jit3A_493 : f32 to vector<896x1xf32>
    %select_n3A_495 = arith.select %gt3A_492, %div3A_490, %broadcast_in_dim3A_494 : vector<896x1xf32>
    %sub3A_496 = vector.broadcast %div3A_472 : vector<896x1xf32> to vector<896x256xf32>
    %sub3A_497 = arith.subf %add3A_456, %sub3A_496 : vector<896x256xf32>
    %add3A_498 = arith.constant 9.99999997E-7 : f32
    %add3A_499 = vector.broadcast %add3A_498 : f32 to vector<896x1xf32>
    %add3A_500 = arith.addf %select_n3A_495, %add3A_499 : vector<896x1xf32>
    %sqrt3A_501 = math.sqrt %add3A_500 : vector<896x1xf32>
    %div3A_502 = vector.broadcast %sqrt3A_501 : vector<896x1xf32> to vector<896x256xf32>
    %div3A_503 = arith.divf %sub3A_497, %div3A_502 : vector<896x256xf32>
    %convert_element_type3A_504 = arith.truncf %div3A_503 : vector<896x256xf32> to vector<896x256xbf16>
    %dot_general3A_505 = arith.constant dense<0.000000e+00> : vector<896x256xf32>
    %dot_general3A_506 = tpu.matmul %convert_element_type3A_504, %convert_element_type3A, %dot_general3A_505 {dimension_numbers = #tpu.dot_dimension_numbers<[1], [0], [0], [1], [0, 0, 1, 1], [], []>, transpose_lhs_hint = false} : vector<896x256xbf16>, vector<256x256xbf16>, vector<896x256xf32> -> vector<896x256xf32>
    %dot_general3A_507 = arith.constant dense<0.000000e+00> : vector<896x256xf32>
    %dot_general3A_508 = tpu.matmul %convert_element_type3A_504, %convert_element_type3A_5, %dot_general3A_507 {dimension_numbers = #tpu.dot_dimension_numbers<[1], [0], [0], [1], [0, 0, 1, 1], [], []>, transpose_lhs_hint = false} : vector<896x256xbf16>, vector<256x256xbf16>, vector<896x256xf32> -> vector<896x256xf32>
    %dot_general3A_509 = arith.constant dense<0.000000e+00> : vector<896x256xf32>
    %dot_general3A_510 = tpu.matmul %convert_element_type3A_504, %convert_element_type3A_9, %dot_general3A_509 {dimension_numbers = #tpu.dot_dimension_numbers<[1], [0], [0], [1], [0, 0, 1, 1], [], []>, transpose_lhs_hint = false} : vector<896x256xbf16>, vector<256x256xbf16>, vector<896x256xf32> -> vector<896x256xf32>
    %convert_element_type3A_511 = arith.truncf %dot_general3A_510 : vector<896x256xf32> to vector<896x256xbf16>
    %broadcast_in_dim3A_512 = arith.constant 1.000000e+00 : bf16
    %broadcast_in_dim3A_513 = vector.broadcast %broadcast_in_dim3A_512 : bf16 to vector<896x64xbf16>
    %slice3A_514 = vector.extract_strided_slice %dot_general3A_506 {offsets = [0, 0], sizes = [896, 64], strides = [1, 1]} : vector<896x256xf32> to vector<896x64xf32>
    %convert_element_type3A_515 = arith.truncf %slice3A_514 : vector<896x64xf32> to vector<896x64xbf16>
    %slice3A_516 = vector.extract_strided_slice %dot_general3A_508 {offsets = [0, 0], sizes = [896, 64], strides = [1, 1]} : vector<896x256xf32> to vector<896x64xf32>
    %convert_element_type3A_517 = arith.truncf %slice3A_516 : vector<896x64xf32> to vector<896x64xbf16>
    %dot_general3A_518 = arith.constant dense<0.000000e+00> : vector<896x896xf32>
    %dot_general3A_519 = tpu.matmul %convert_element_type3A_515, %convert_element_type3A_517, %dot_general3A_518 {dimension_numbers = #tpu.dot_dimension_numbers<[1], [1], [0], [0], [0, 0, 1, 0], [], []>, transpose_lhs_hint = false} : vector<896x64xbf16>, vector<896x64xbf16>, vector<896x896xf32> -> vector<896x896xf32>
    %convert_element_type3A_520 = arith.truncf %dot_general3A_519 : vector<896x896xf32> to vector<896x896xbf16>
    %exp3A_521 = math.exp %convert_element_type3A_520 : vector<896x896xbf16>
    %slice3A_522 = vector.extract_strided_slice %convert_element_type3A_511 {offsets = [0, 0], sizes = [896, 64], strides = [1, 1]} : vector<896x256xbf16> to vector<896x64xbf16>
    %concatenate3A_523 = tpu.concatenate %slice3A_522, %broadcast_in_dim3A_513 in 1 : vector<896x64xbf16>, vector<896x64xbf16> -> vector<896x128xbf16>
    %dot_general3A_524 = arith.constant dense<0.000000e+00> : vector<896x128xf32>
    %dot_general3A_525 = tpu.matmul %exp3A_521, %concatenate3A_523, %dot_general3A_524 {dimension_numbers = #tpu.dot_dimension_numbers<[1], [0], [0], [1], [0, 0, 1, 1], [], []>, transpose_lhs_hint = false} : vector<896x896xbf16>, vector<896x128xbf16>, vector<896x128xf32> -> vector<896x128xf32>
    %slice3A_526 = vector.extract_strided_slice %dot_general3A_525 {offsets = [0, 0], sizes = [896, 64], strides = [1, 1]} : vector<896x128xf32> to vector<896x64xf32>
    %slice3A_527 = vector.extract_strided_slice %dot_general3A_525 {offsets = [0, 64], sizes = [896, 1], strides = [1, 1]} : vector<896x128xf32> to vector<896x1xf32>
    %div3A_528 = arith.constant 1.000000e+00 : f32
    %div3A_529 = vector.broadcast %div3A_528 : f32 to vector<896x1xf32>
    %div3A_530 = arith.divf %div3A_529, %slice3A_527 : vector<896x1xf32>
    %mul3A_531 = vector.broadcast %div3A_530 : vector<896x1xf32> to vector<896x64xf32>
    %mul3A_532 = arith.mulf %slice3A_526, %mul3A_531 : vector<896x64xf32>
    %slice3A_533 = vector.extract_strided_slice %dot_general3A_506 {offsets = [0, 64], sizes = [896, 64], strides = [1, 1]} : vector<896x256xf32> to vector<896x64xf32>
    %convert_element_type3A_534 = arith.truncf %slice3A_533 : vector<896x64xf32> to vector<896x64xbf16>
    %slice3A_535 = vector.extract_strided_slice %dot_general3A_508 {offsets = [0, 64], sizes = [896, 64], strides = [1, 1]} : vector<896x256xf32> to vector<896x64xf32>
    %convert_element_type3A_536 = arith.truncf %slice3A_535 : vector<896x64xf32> to vector<896x64xbf16>
    %dot_general3A_537 = arith.constant dense<0.000000e+00> : vector<896x896xf32>
    %dot_general3A_538 = tpu.matmul %convert_element_type3A_534, %convert_element_type3A_536, %dot_general3A_537 {dimension_numbers = #tpu.dot_dimension_numbers<[1], [1], [0], [0], [0, 0, 1, 0], [], []>, transpose_lhs_hint = false} : vector<896x64xbf16>, vector<896x64xbf16>, vector<896x896xf32> -> vector<896x896xf32>
    %convert_element_type3A_539 = arith.truncf %dot_general3A_538 : vector<896x896xf32> to vector<896x896xbf16>
    %exp3A_540 = math.exp %convert_element_type3A_539 : vector<896x896xbf16>
    %slice3A_541 = vector.extract_strided_slice %convert_element_type3A_511 {offsets = [0, 64], sizes = [896, 64], strides = [1, 1]} : vector<896x256xbf16> to vector<896x64xbf16>
    %concatenate3A_542 = tpu.concatenate %slice3A_541, %broadcast_in_dim3A_513 in 1 : vector<896x64xbf16>, vector<896x64xbf16> -> vector<896x128xbf16>
    %dot_general3A_543 = arith.constant dense<0.000000e+00> : vector<896x128xf32>
    %dot_general3A_544 = tpu.matmul %exp3A_540, %concatenate3A_542, %dot_general3A_543 {dimension_numbers = #tpu.dot_dimension_numbers<[1], [0], [0], [1], [0, 0, 1, 1], [], []>, transpose_lhs_hint = false} : vector<896x896xbf16>, vector<896x128xbf16>, vector<896x128xf32> -> vector<896x128xf32>
    %slice3A_545 = vector.extract_strided_slice %dot_general3A_544 {offsets = [0, 0], sizes = [896, 64], strides = [1, 1]} : vector<896x128xf32> to vector<896x64xf32>
    %slice3A_546 = vector.extract_strided_slice %dot_general3A_544 {offsets = [0, 64], sizes = [896, 1], strides = [1, 1]} : vector<896x128xf32> to vector<896x1xf32>
    %div3A_547 = arith.constant 1.000000e+00 : f32
    %div3A_548 = vector.broadcast %div3A_547 : f32 to vector<896x1xf32>
    %div3A_549 = arith.divf %div3A_548, %slice3A_546 : vector<896x1xf32>
    %mul3A_550 = vector.broadcast %div3A_549 : vector<896x1xf32> to vector<896x64xf32>
    %mul3A_551 = arith.mulf %slice3A_545, %mul3A_550 : vector<896x64xf32>
    %slice3A_552 = vector.extract_strided_slice %dot_general3A_506 {offsets = [0, 128], sizes = [896, 64], strides = [1, 1]} : vector<896x256xf32> to vector<896x64xf32>
    %convert_element_type3A_553 = arith.truncf %slice3A_552 : vector<896x64xf32> to vector<896x64xbf16>
    %slice3A_554 = vector.extract_strided_slice %dot_general3A_508 {offsets = [0, 128], sizes = [896, 64], strides = [1, 1]} : vector<896x256xf32> to vector<896x64xf32>
    %convert_element_type3A_555 = arith.truncf %slice3A_554 : vector<896x64xf32> to vector<896x64xbf16>
    %dot_general3A_556 = arith.constant dense<0.000000e+00> : vector<896x896xf32>
    %dot_general3A_557 = tpu.matmul %convert_element_type3A_553, %convert_element_type3A_555, %dot_general3A_556 {dimension_numbers = #tpu.dot_dimension_numbers<[1], [1], [0], [0], [0, 0, 1, 0], [], []>, transpose_lhs_hint = false} : vector<896x64xbf16>, vector<896x64xbf16>, vector<896x896xf32> -> vector<896x896xf32>
    %convert_element_type3A_558 = arith.truncf %dot_general3A_557 : vector<896x896xf32> to vector<896x896xbf16>
    %exp3A_559 = math.exp %convert_element_type3A_558 : vector<896x896xbf16>
    %slice3A_560 = vector.extract_strided_slice %convert_element_type3A_511 {offsets = [0, 128], sizes = [896, 64], strides = [1, 1]} : vector<896x256xbf16> to vector<896x64xbf16>
    %concatenate3A_561 = tpu.concatenate %slice3A_560, %broadcast_in_dim3A_513 in 1 : vector<896x64xbf16>, vector<896x64xbf16> -> vector<896x128xbf16>
    %dot_general3A_562 = arith.constant dense<0.000000e+00> : vector<896x128xf32>
    %dot_general3A_563 = tpu.matmul %exp3A_559, %concatenate3A_561, %dot_general3A_562 {dimension_numbers = #tpu.dot_dimension_numbers<[1], [0], [0], [1], [0, 0, 1, 1], [], []>, transpose_lhs_hint = false} : vector<896x896xbf16>, vector<896x128xbf16>, vector<896x128xf32> -> vector<896x128xf32>
    %slice3A_564 = vector.extract_strided_slice %dot_general3A_563 {offsets = [0, 0], sizes = [896, 64], strides = [1, 1]} : vector<896x128xf32> to vector<896x64xf32>
    %slice3A_565 = vector.extract_strided_slice %dot_general3A_563 {offsets = [0, 64], sizes = [896, 1], strides = [1, 1]} : vector<896x128xf32> to vector<896x1xf32>
    %div3A_566 = arith.constant 1.000000e+00 : f32
    %div3A_567 = vector.broadcast %div3A_566 : f32 to vector<896x1xf32>
    %div3A_568 = arith.divf %div3A_567, %slice3A_565 : vector<896x1xf32>
    %mul3A_569 = vector.broadcast %div3A_568 : vector<896x1xf32> to vector<896x64xf32>
    %mul3A_570 = arith.mulf %slice3A_564, %mul3A_569 : vector<896x64xf32>
    %slice3A_571 = vector.extract_strided_slice %dot_general3A_506 {offsets = [0, 192], sizes = [896, 64], strides = [1, 1]} : vector<896x256xf32> to vector<896x64xf32>
    %convert_element_type3A_572 = arith.truncf %slice3A_571 : vector<896x64xf32> to vector<896x64xbf16>
    %slice3A_573 = vector.extract_strided_slice %dot_general3A_508 {offsets = [0, 192], sizes = [896, 64], strides = [1, 1]} : vector<896x256xf32> to vector<896x64xf32>
    %convert_element_type3A_574 = arith.truncf %slice3A_573 : vector<896x64xf32> to vector<896x64xbf16>
    %dot_general3A_575 = arith.constant dense<0.000000e+00> : vector<896x896xf32>
    %dot_general3A_576 = tpu.matmul %convert_element_type3A_572, %convert_element_type3A_574, %dot_general3A_575 {dimension_numbers = #tpu.dot_dimension_numbers<[1], [1], [0], [0], [0, 0, 1, 0], [], []>, transpose_lhs_hint = false} : vector<896x64xbf16>, vector<896x64xbf16>, vector<896x896xf32> -> vector<896x896xf32>
    %convert_element_type3A_577 = arith.truncf %dot_general3A_576 : vector<896x896xf32> to vector<896x896xbf16>
    %exp3A_578 = math.exp %convert_element_type3A_577 : vector<896x896xbf16>
    %slice3A_579 = vector.extract_strided_slice %convert_element_type3A_511 {offsets = [0, 192], sizes = [896, 64], strides = [1, 1]} : vector<896x256xbf16> to vector<896x64xbf16>
    %concatenate3A_580 = tpu.concatenate %slice3A_579, %broadcast_in_dim3A_513 in 1 : vector<896x64xbf16>, vector<896x64xbf16> -> vector<896x128xbf16>
    %dot_general3A_581 = arith.constant dense<0.000000e+00> : vector<896x128xf32>
    %dot_general3A_582 = tpu.matmul %exp3A_578, %concatenate3A_580, %dot_general3A_581 {dimension_numbers = #tpu.dot_dimension_numbers<[1], [0], [0], [1], [0, 0, 1, 1], [], []>, transpose_lhs_hint = false} : vector<896x896xbf16>, vector<896x128xbf16>, vector<896x128xf32> -> vector<896x128xf32>
    %slice3A_583 = vector.extract_strided_slice %dot_general3A_582 {offsets = [0, 0], sizes = [896, 64], strides = [1, 1]} : vector<896x128xf32> to vector<896x64xf32>
    %slice3A_584 = vector.extract_strided_slice %dot_general3A_582 {offsets = [0, 64], sizes = [896, 1], strides = [1, 1]} : vector<896x128xf32> to vector<896x1xf32>
    %div3A_585 = arith.constant 1.000000e+00 : f32
    %div3A_586 = vector.broadcast %div3A_585 : f32 to vector<896x1xf32>
    %div3A_587 = arith.divf %div3A_586, %slice3A_584 : vector<896x1xf32>
    %mul3A_588 = vector.broadcast %div3A_587 : vector<896x1xf32> to vector<896x64xf32>
    %mul3A_589 = arith.mulf %slice3A_583, %mul3A_588 : vector<896x64xf32>
    %concatenate3A_590 = tpu.concatenate %mul3A_532, %mul3A_551, %mul3A_570, %mul3A_589 in 1 : vector<896x64xf32>, vector<896x64xf32>, vector<896x64xf32>, vector<896x64xf32> -> vector<896x256xf32>
    %convert_element_type3A_591 = arith.truncf %concatenate3A_590 : vector<896x256xf32> to vector<896x256xbf16>
    %dot_general3A_592 = arith.constant dense<0.000000e+00> : vector<896x256xf32>
    %dot_general3A_593 = tpu.matmul %convert_element_type3A_591, %convert_element_type3A_13, %dot_general3A_592 {dimension_numbers = #tpu.dot_dimension_numbers<[1], [0], [0], [1], [0, 0, 1, 1], [], []>, transpose_lhs_hint = false} : vector<896x256xbf16>, vector<256x256xbf16>, vector<896x256xf32> -> vector<896x256xf32>
    %add3A_594 = arith.addf %add3A_456, %dot_general3A_593 : vector<896x256xf32>
    %reduce_sum3A_595 = arith.constant dense<0.000000e+00> : vector<896xf32>
    %reduce_sum3A_596 = vector.multi_reduction <add>, %add3A_594, %reduce_sum3A_595 [1] : vector<896x256xf32> to vector<896xf32>
    %broadcast_in_dim3A_597 = vector.shape_cast %reduce_sum3A_596 : vector<896xf32> to vector<896x1xf32>
    %div3A_598 = arith.constant 2.560000e+02 : f32
    %div3A_599 = vector.broadcast %div3A_598 : f32 to vector<896x1xf32>
    %div3A_600 = arith.divf %broadcast_in_dim3A_597, %div3A_599 : vector<896x1xf32>
    %jit3A_601 = arith.constant 0 : i32
    %reduce_sum3A_602 = arith.constant dense<0.000000e+00> : vector<896xf32>
    %reduce_sum3A_603 = vector.multi_reduction <add>, %add3A_594, %reduce_sum3A_602 [1] : vector<896x256xf32> to vector<896xf32>
    %broadcast_in_dim3A_604 = vector.shape_cast %reduce_sum3A_603 : vector<896xf32> to vector<896x1xf32>
    %div3A_605 = arith.constant 2.560000e+02 : f32
    %div3A_606 = vector.broadcast %div3A_605 : f32 to vector<896x1xf32>
    %div3A_607 = arith.divf %broadcast_in_dim3A_604, %div3A_606 : vector<896x1xf32>
    %sub3A_608 = vector.broadcast %div3A_607 : vector<896x1xf32> to vector<896x256xf32>
    %sub3A_609 = arith.subf %add3A_594, %sub3A_608 : vector<896x256xf32>
    %square3A_610 = arith.mulf %sub3A_609, %sub3A_609 : vector<896x256xf32>
    %convert_element_type3A_611 = arith.sitofp %jit3A_601 : i32 to f32
    %sub3A_612 = arith.constant 2.560000e+02 : f32
    %sub3A_613 = arith.subf %sub3A_612, %convert_element_type3A_611 : f32
    %reduce_sum3A_614 = arith.constant dense<0.000000e+00> : vector<896xf32>
    %reduce_sum3A_615 = vector.multi_reduction <add>, %square3A_610, %reduce_sum3A_614 [1] : vector<896x256xf32> to vector<896xf32>
    %broadcast_in_dim3A_616 = vector.shape_cast %reduce_sum3A_615 : vector<896xf32> to vector<896x1xf32>
    %div3A_617 = vector.broadcast %sub3A_613 : f32 to vector<896x1xf32>
    %div3A_618 = arith.divf %broadcast_in_dim3A_616, %div3A_617 : vector<896x1xf32>
    %gt3A_619 = arith.constant 0.000000e+00 : f32
    %gt3A_620 = arith.cmpf ogt, %sub3A_613, %gt3A_619 : f32
    %jit3A_621 = arith.constant 0x7FC00000 : f32
    %broadcast_in_dim3A_622 = vector.broadcast %jit3A_621 : f32 to vector<896x1xf32>
    %select_n3A_623 = arith.select %gt3A_620, %div3A_618, %broadcast_in_dim3A_622 : vector<896x1xf32>
    %sub3A_624 = vector.broadcast %div3A_600 : vector<896x1xf32> to vector<896x256xf32>
    %sub3A_625 = arith.subf %add3A_594, %sub3A_624 : vector<896x256xf32>
    %add3A_626 = arith.constant 9.99999997E-7 : f32
    %add3A_627 = vector.broadcast %add3A_626 : f32 to vector<896x1xf32>
    %add3A_628 = arith.addf %select_n3A_623, %add3A_627 : vector<896x1xf32>
    %sqrt3A_629 = math.sqrt %add3A_628 : vector<896x1xf32>
    %div3A_630 = vector.broadcast %sqrt3A_629 : vector<896x1xf32> to vector<896x256xf32>
    %div3A_631 = arith.divf %sub3A_625, %div3A_630 : vector<896x256xf32>
    %convert_element_type3A_632 = arith.truncf %div3A_631 : vector<896x256xf32> to vector<896x256xbf16>
    %dot_general3A_633 = arith.constant dense<0.000000e+00> : vector<896x1024xf32>
    %dot_general3A_634 = tpu.matmul %convert_element_type3A_632, %convert_element_type3A_17, %dot_general3A_633 {dimension_numbers = #tpu.dot_dimension_numbers<[1], [0], [0], [1], [0, 0, 1, 1], [], []>, transpose_lhs_hint = false} : vector<896x256xbf16>, vector<256x1024xbf16>, vector<896x1024xf32> -> vector<896x1024xf32>
    %convert_element_type3A_635 = arith.truncf %dot_general3A_634 : vector<896x1024xf32> to vector<896x1024xbf16>
    %add3A_636 = vector.broadcast %convert_element_type3A_25 : vector<1x1024xbf16> to vector<896x1024xbf16>
    %add3A_637 = arith.addf %convert_element_type3A_635, %add3A_636 : vector<896x1024xbf16>
    %max3A_638 = arith.constant 0.000000e+00 : bf16
    %max3A_639 = vector.broadcast %max3A_638 : bf16 to vector<896x1024xbf16>
    %max3A_640 = arith.maximumf %add3A_637, %max3A_639 : vector<896x1024xbf16>
    %dot_general3A_641 = arith.constant dense<0.000000e+00> : vector<896x256xf32>
    %dot_general3A_642 = tpu.matmul %max3A_640, %convert_element_type3A_21, %dot_general3A_641 {dimension_numbers = #tpu.dot_dimension_numbers<[1], [0], [0], [1], [0, 0, 1, 1], [], []>, transpose_lhs_hint = false} : vector<896x1024xbf16>, vector<1024x256xbf16>, vector<896x256xf32> -> vector<896x256xf32>
    %add3A_643 = arith.addf %add3A_594, %dot_general3A_642 : vector<896x256xf32>
    %add3A_644 = vector.broadcast %get3A_28 : vector<1x256xf32> to vector<896x256xf32>
    %add3A_645 = arith.addf %add3A_643, %add3A_644 : vector<896x256xf32>
    %iota3A_646 = tpu.iota {dimensions = array<i32: 0>} : vector<896x1xi32>
    %ge3A_647 = vector.broadcast %iota3A_646 : vector<896x1xi32> to vector<896x80xi32>
    %ge3A_648 = vector.broadcast %get3A_461 : vector<1x80xi32> to vector<896x80xi32>
    %ge3A_649 = arith.cmpi sge, %ge3A_647, %ge3A_648 : vector<896x80xi32>
    %le3A_650 = vector.broadcast %iota3A_646 : vector<896x1xi32> to vector<896x80xi32>
    %le3A_651 = vector.broadcast %get3A_466 : vector<1x80xi32> to vector<896x80xi32>
    %le3A_652 = arith.cmpi sle, %le3A_650, %le3A_651 : vector<896x80xi32>
    %and3A_653 = arith.andi %ge3A_649, %le3A_652 : vector<896x80xi1>
    %convert_element_type3A_654 = arith.extui %and3A_653 : vector<896x80xi1> to vector<896x80xi32>
    %convert_element_type3A_655 = arith.sitofp %convert_element_type3A_654 : vector<896x80xi32> to vector<896x80xf32>
    %broadcast_in_dim3A_656 = arith.constant 1.000000e+00 : f32
    %broadcast_in_dim3A_657 = vector.broadcast %broadcast_in_dim3A_656 : f32 to vector<896x128xf32>
    %concatenate3A_658 = tpu.concatenate %add3A_645, %broadcast_in_dim3A_657 in 1 : vector<896x256xf32>, vector<896x128xf32> -> vector<896x384xf32>
    %dot_general3A_659 = arith.constant dense<0.000000e+00> : vector<80x384xf32>
    %dot_general3A_660 = tpu.matmul %convert_element_type3A_655, %concatenate3A_658, %dot_general3A_659 {dimension_numbers = #tpu.dot_dimension_numbers<[0], [0], [1], [1], [0, 1, 1, 1], [], []>, transpose_lhs_hint = false} : vector<896x80xf32>, vector<896x384xf32>, vector<80x384xf32> -> vector<80x384xf32>
    %slice3A_661 = vector.extract_strided_slice %dot_general3A_660 {offsets = [0, 256], sizes = [80, 1], strides = [1, 1]} : vector<80x384xf32> to vector<80x1xf32>
    %slice3A_662 = vector.extract_strided_slice %dot_general3A_660 {offsets = [0, 0], sizes = [80, 256], strides = [1, 1]} : vector<80x384xf32> to vector<80x256xf32>
    %add3A_663 = arith.constant 9.99999997E-7 : f32
    %add3A_664 = vector.broadcast %add3A_663 : f32 to vector<80x1xf32>
    %add3A_665 = arith.addf %slice3A_661, %add3A_664 : vector<80x1xf32>
    %div3A_666 = vector.broadcast %add3A_665 : vector<80x1xf32> to vector<80x256xf32>
    %div3A_667 = arith.divf %slice3A_662, %div3A_666 : vector<80x256xf32>
    %swap3A_668 = arith.constant 160 : index
    %swap3A_669 = arith.constant 0 : index
    %swap3A_670 = vector.load %arg13[%swap3A_668, %swap3A_669] : memref<320x256xf32, #tpu.memory_space<vmem>>, vector<80x256xf32>
    tpu.vector_store %arg13[%swap3A_668, %swap3A_669], %div3A_667 {strides = array<i32>} : memref<320x256xf32, #tpu.memory_space<vmem>>, vector<80x256xf32>,
    %get3A_671 = arith.constant 2688 : index
    %get3A_672 = arith.constant 0 : index
    %get3A_673 = vector.load %arg1[%get3A_671, %get3A_672] : memref<3584x256xf32, #tpu.memory_space<vmem>>, vector<896x256xf32>
    %get3A_674 = arith.constant 0 : index
    %get3A_675 = arith.constant 0 : index
    %get3A_676 = vector.load %arg2[%get3A_674, %get3A_675] : memref<896x256xf32, #tpu.memory_space<vmem>>, vector<896x256xf32>
    %add3A_677 = arith.addf %get3A_673, %get3A_676 : vector<896x256xf32>
    %get3A_678 = arith.constant 3 : index
    %get3A_679 = arith.constant 0 : index
    %get3A_680 = arith.constant 0 : index
    %get3A_681 = vector.load %arg3[%get3A_678, %get3A_679, %get3A_680] : memref<4x1x80xi32, #tpu.memory_space<vmem>>, vector<1x1x80xi32>
    %get3A_682 = vector.shape_cast %get3A_681 : vector<1x1x80xi32> to vector<1x80xi32>
    %get3A_683 = arith.constant 3 : index
    %get3A_684 = arith.constant 0 : index
    %get3A_685 = arith.constant 0 : index
    %get3A_686 = vector.load %arg4[%get3A_683, %get3A_684, %get3A_685] : memref<4x1x80xi32, #tpu.memory_space<vmem>>, vector<1x1x80xi32>
    %get3A_687 = vector.shape_cast %get3A_686 : vector<1x1x80xi32> to vector<1x80xi32>
    %reduce_sum3A_688 = arith.constant dense<0.000000e+00> : vector<896xf32>
    %reduce_sum3A_689 = vector.multi_reduction <add>, %add3A_677, %reduce_sum3A_688 [1] : vector<896x256xf32> to vector<896xf32>
    %broadcast_in_dim3A_690 = vector.shape_cast %reduce_sum3A_689 : vector<896xf32> to vector<896x1xf32>
    %div3A_691 = arith.constant 2.560000e+02 : f32
    %div3A_692 = vector.broadcast %div3A_691 : f32 to vector<896x1xf32>
    %div3A_693 = arith.divf %broadcast_in_dim3A_690, %div3A_692 : vector<896x1xf32>
    %jit3A_694 = arith.constant 0 : i32
    %reduce_sum3A_695 = arith.constant dense<0.000000e+00> : vector<896xf32>
    %reduce_sum3A_696 = vector.multi_reduction <add>, %add3A_677, %reduce_sum3A_695 [1] : vector<896x256xf32> to vector<896xf32>
    %broadcast_in_dim3A_697 = vector.shape_cast %reduce_sum3A_696 : vector<896xf32> to vector<896x1xf32>
    %div3A_698 = arith.constant 2.560000e+02 : f32
    %div3A_699 = vector.broadcast %div3A_698 : f32 to vector<896x1xf32>
    %div3A_700 = arith.divf %broadcast_in_dim3A_697, %div3A_699 : vector<896x1xf32>
    %sub3A_701 = vector.broadcast %div3A_700 : vector<896x1xf32> to vector<896x256xf32>
    %sub3A_702 = arith.subf %add3A_677, %sub3A_701 : vector<896x256xf32>
    %square3A_703 = arith.mulf %sub3A_702, %sub3A_702 : vector<896x256xf32>
    %convert_element_type3A_704 = arith.sitofp %jit3A_694 : i32 to f32
    %sub3A_705 = arith.constant 2.560000e+02 : f32
    %sub3A_706 = arith.subf %sub3A_705, %convert_element_type3A_704 : f32
    %reduce_sum3A_707 = arith.constant dense<0.000000e+00> : vector<896xf32>
    %reduce_sum3A_708 = vector.multi_reduction <add>, %square3A_703, %reduce_sum3A_707 [1] : vector<896x256xf32> to vector<896xf32>
    %broadcast_in_dim3A_709 = vector.shape_cast %reduce_sum3A_708 : vector<896xf32> to vector<896x1xf32>
    %div3A_710 = vector.broadcast %sub3A_706 : f32 to vector<896x1xf32>
    %div3A_711 = arith.divf %broadcast_in_dim3A_709, %div3A_710 : vector<896x1xf32>
    %gt3A_712 = arith.constant 0.000000e+00 : f32
    %gt3A_713 = arith.cmpf ogt, %sub3A_706, %gt3A_712 : f32
    %jit3A_714 = arith.constant 0x7FC00000 : f32
    %broadcast_in_dim3A_715 = vector.broadcast %jit3A_714 : f32 to vector<896x1xf32>
    %select_n3A_716 = arith.select %gt3A_713, %div3A_711, %broadcast_in_dim3A_715 : vector<896x1xf32>
    %sub3A_717 = vector.broadcast %div3A_693 : vector<896x1xf32> to vector<896x256xf32>
    %sub3A_718 = arith.subf %add3A_677, %sub3A_717 : vector<896x256xf32>
    %add3A_719 = arith.constant 9.99999997E-7 : f32
    %add3A_720 = vector.broadcast %add3A_719 : f32 to vector<896x1xf32>
    %add3A_721 = arith.addf %select_n3A_716, %add3A_720 : vector<896x1xf32>
    %sqrt3A_722 = math.sqrt %add3A_721 : vector<896x1xf32>
    %div3A_723 = vector.broadcast %sqrt3A_722 : vector<896x1xf32> to vector<896x256xf32>
    %div3A_724 = arith.divf %sub3A_718, %div3A_723 : vector<896x256xf32>
    %convert_element_type3A_725 = arith.truncf %div3A_724 : vector<896x256xf32> to vector<896x256xbf16>
    %dot_general3A_726 = arith.constant dense<0.000000e+00> : vector<896x256xf32>
    %dot_general3A_727 = tpu.matmul %convert_element_type3A_725, %convert_element_type3A, %dot_general3A_726 {dimension_numbers = #tpu.dot_dimension_numbers<[1], [0], [0], [1], [0, 0, 1, 1], [], []>, transpose_lhs_hint = false} : vector<896x256xbf16>, vector<256x256xbf16>, vector<896x256xf32> -> vector<896x256xf32>
    %dot_general3A_728 = arith.constant dense<0.000000e+00> : vector<896x256xf32>
    %dot_general3A_729 = tpu.matmul %convert_element_type3A_725, %convert_element_type3A_5, %dot_general3A_728 {dimension_numbers = #tpu.dot_dimension_numbers<[1], [0], [0], [1], [0, 0, 1, 1], [], []>, transpose_lhs_hint = false} : vector<896x256xbf16>, vector<256x256xbf16>, vector<896x256xf32> -> vector<896x256xf32>
    %dot_general3A_730 = arith.constant dense<0.000000e+00> : vector<896x256xf32>
    %dot_general3A_731 = tpu.matmul %convert_element_type3A_725, %convert_element_type3A_9, %dot_general3A_730 {dimension_numbers = #tpu.dot_dimension_numbers<[1], [0], [0], [1], [0, 0, 1, 1], [], []>, transpose_lhs_hint = false} : vector<896x256xbf16>, vector<256x256xbf16>, vector<896x256xf32> -> vector<896x256xf32>
    %convert_element_type3A_732 = arith.truncf %dot_general3A_731 : vector<896x256xf32> to vector<896x256xbf16>
    %broadcast_in_dim3A_733 = arith.constant 1.000000e+00 : bf16
    %broadcast_in_dim3A_734 = vector.broadcast %broadcast_in_dim3A_733 : bf16 to vector<896x64xbf16>
    %slice3A_735 = vector.extract_strided_slice %dot_general3A_727 {offsets = [0, 0], sizes = [896, 64], strides = [1, 1]} : vector<896x256xf32> to vector<896x64xf32>
    %convert_element_type3A_736 = arith.truncf %slice3A_735 : vector<896x64xf32> to vector<896x64xbf16>
    %slice3A_737 = vector.extract_strided_slice %dot_general3A_729 {offsets = [0, 0], sizes = [896, 64], strides = [1, 1]} : vector<896x256xf32> to vector<896x64xf32>
    %convert_element_type3A_738 = arith.truncf %slice3A_737 : vector<896x64xf32> to vector<896x64xbf16>
    %dot_general3A_739 = arith.constant dense<0.000000e+00> : vector<896x896xf32>
    %dot_general3A_740 = tpu.matmul %convert_element_type3A_736, %convert_element_type3A_738, %dot_general3A_739 {dimension_numbers = #tpu.dot_dimension_numbers<[1], [1], [0], [0], [0, 0, 1, 0], [], []>, transpose_lhs_hint = false} : vector<896x64xbf16>, vector<896x64xbf16>, vector<896x896xf32> -> vector<896x896xf32>
    %convert_element_type3A_741 = arith.truncf %dot_general3A_740 : vector<896x896xf32> to vector<896x896xbf16>
    %exp3A_742 = math.exp %convert_element_type3A_741 : vector<896x896xbf16>
    %slice3A_743 = vector.extract_strided_slice %convert_element_type3A_732 {offsets = [0, 0], sizes = [896, 64], strides = [1, 1]} : vector<896x256xbf16> to vector<896x64xbf16>
    %concatenate3A_744 = tpu.concatenate %slice3A_743, %broadcast_in_dim3A_734 in 1 : vector<896x64xbf16>, vector<896x64xbf16> -> vector<896x128xbf16>
    %dot_general3A_745 = arith.constant dense<0.000000e+00> : vector<896x128xf32>
    %dot_general3A_746 = tpu.matmul %exp3A_742, %concatenate3A_744, %dot_general3A_745 {dimension_numbers = #tpu.dot_dimension_numbers<[1], [0], [0], [1], [0, 0, 1, 1], [], []>, transpose_lhs_hint = false} : vector<896x896xbf16>, vector<896x128xbf16>, vector<896x128xf32> -> vector<896x128xf32>
    %slice3A_747 = vector.extract_strided_slice %dot_general3A_746 {offsets = [0, 0], sizes = [896, 64], strides = [1, 1]} : vector<896x128xf32> to vector<896x64xf32>
    %slice3A_748 = vector.extract_strided_slice %dot_general3A_746 {offsets = [0, 64], sizes = [896, 1], strides = [1, 1]} : vector<896x128xf32> to vector<896x1xf32>
    %div3A_749 = arith.constant 1.000000e+00 : f32
    %div3A_750 = vector.broadcast %div3A_749 : f32 to vector<896x1xf32>
    %div3A_751 = arith.divf %div3A_750, %slice3A_748 : vector<896x1xf32>
    %mul3A_752 = vector.broadcast %div3A_751 : vector<896x1xf32> to vector<896x64xf32>
    %mul3A_753 = arith.mulf %slice3A_747, %mul3A_752 : vector<896x64xf32>
    %slice3A_754 = vector.extract_strided_slice %dot_general3A_727 {offsets = [0, 64], sizes = [896, 64], strides = [1, 1]} : vector<896x256xf32> to vector<896x64xf32>
    %convert_element_type3A_755 = arith.truncf %slice3A_754 : vector<896x64xf32> to vector<896x64xbf16>
    %slice3A_756 = vector.extract_strided_slice %dot_general3A_729 {offsets = [0, 64], sizes = [896, 64], strides = [1, 1]} : vector<896x256xf32> to vector<896x64xf32>
    %convert_element_type3A_757 = arith.truncf %slice3A_756 : vector<896x64xf32> to vector<896x64xbf16>
    %dot_general3A_758 = arith.constant dense<0.000000e+00> : vector<896x896xf32>
    %dot_general3A_759 = tpu.matmul %convert_element_type3A_755, %convert_element_type3A_757, %dot_general3A_758 {dimension_numbers = #tpu.dot_dimension_numbers<[1], [1], [0], [0], [0, 0, 1, 0], [], []>, transpose_lhs_hint = false} : vector<896x64xbf16>, vector<896x64xbf16>, vector<896x896xf32> -> vector<896x896xf32>
    %convert_element_type3A_760 = arith.truncf %dot_general3A_759 : vector<896x896xf32> to vector<896x896xbf16>
    %exp3A_761 = math.exp %convert_element_type3A_760 : vector<896x896xbf16>
    %slice3A_762 = vector.extract_strided_slice %convert_element_type3A_732 {offsets = [0, 64], sizes = [896, 64], strides = [1, 1]} : vector<896x256xbf16> to vector<896x64xbf16>
    %concatenate3A_763 = tpu.concatenate %slice3A_762, %broadcast_in_dim3A_734 in 1 : vector<896x64xbf16>, vector<896x64xbf16> -> vector<896x128xbf16>
    %dot_general3A_764 = arith.constant dense<0.000000e+00> : vector<896x128xf32>
    %dot_general3A_765 = tpu.matmul %exp3A_761, %concatenate3A_763, %dot_general3A_764 {dimension_numbers = #tpu.dot_dimension_numbers<[1], [0], [0], [1], [0, 0, 1, 1], [], []>, transpose_lhs_hint = false} : vector<896x896xbf16>, vector<896x128xbf16>, vector<896x128xf32> -> vector<896x128xf32>
    %slice3A_766 = vector.extract_strided_slice %dot_general3A_765 {offsets = [0, 0], sizes = [896, 64], strides = [1, 1]} : vector<896x128xf32> to vector<896x64xf32>
    %slice3A_767 = vector.extract_strided_slice %dot_general3A_765 {offsets = [0, 64], sizes = [896, 1], strides = [1, 1]} : vector<896x128xf32> to vector<896x1xf32>
    %div3A_768 = arith.constant 1.000000e+00 : f32
    %div3A_769 = vector.broadcast %div3A_768 : f32 to vector<896x1xf32>
    %div3A_770 = arith.divf %div3A_769, %slice3A_767 : vector<896x1xf32>
    %mul3A_771 = vector.broadcast %div3A_770 : vector<896x1xf32> to vector<896x64xf32>
    %mul3A_772 = arith.mulf %slice3A_766, %mul3A_771 : vector<896x64xf32>
    %slice3A_773 = vector.extract_strided_slice %dot_general3A_727 {offsets = [0, 128], sizes = [896, 64], strides = [1, 1]} : vector<896x256xf32> to vector<896x64xf32>
    %convert_element_type3A_774 = arith.truncf %slice3A_773 : vector<896x64xf32> to vector<896x64xbf16>
    %slice3A_775 = vector.extract_strided_slice %dot_general3A_729 {offsets = [0, 128], sizes = [896, 64], strides = [1, 1]} : vector<896x256xf32> to vector<896x64xf32>
    %convert_element_type3A_776 = arith.truncf %slice3A_775 : vector<896x64xf32> to vector<896x64xbf16>
    %dot_general3A_777 = arith.constant dense<0.000000e+00> : vector<896x896xf32>
    %dot_general3A_778 = tpu.matmul %convert_element_type3A_774, %convert_element_type3A_776, %dot_general3A_777 {dimension_numbers = #tpu.dot_dimension_numbers<[1], [1], [0], [0], [0, 0, 1, 0], [], []>, transpose_lhs_hint = false} : vector<896x64xbf16>, vector<896x64xbf16>, vector<896x896xf32> -> vector<896x896xf32>
    %convert_element_type3A_779 = arith.truncf %dot_general3A_778 : vector<896x896xf32> to vector<896x896xbf16>
    %exp3A_780 = math.exp %convert_element_type3A_779 : vector<896x896xbf16>
    %slice3A_781 = vector.extract_strided_slice %convert_element_type3A_732 {offsets = [0, 128], sizes = [896, 64], strides = [1, 1]} : vector<896x256xbf16> to vector<896x64xbf16>
    %concatenate3A_782 = tpu.concatenate %slice3A_781, %broadcast_in_dim3A_734 in 1 : vector<896x64xbf16>, vector<896x64xbf16> -> vector<896x128xbf16>
    %dot_general3A_783 = arith.constant dense<0.000000e+00> : vector<896x128xf32>
    %dot_general3A_784 = tpu.matmul %exp3A_780, %concatenate3A_782, %dot_general3A_783 {dimension_numbers = #tpu.dot_dimension_numbers<[1], [0], [0], [1], [0, 0, 1, 1], [], []>, transpose_lhs_hint = false} : vector<896x896xbf16>, vector<896x128xbf16>, vector<896x128xf32> -> vector<896x128xf32>
    %slice3A_785 = vector.extract_strided_slice %dot_general3A_784 {offsets = [0, 0], sizes = [896, 64], strides = [1, 1]} : vector<896x128xf32> to vector<896x64xf32>
    %slice3A_786 = vector.extract_strided_slice %dot_general3A_784 {offsets = [0, 64], sizes = [896, 1], strides = [1, 1]} : vector<896x128xf32> to vector<896x1xf32>
    %div3A_787 = arith.constant 1.000000e+00 : f32
    %div3A_788 = vector.broadcast %div3A_787 : f32 to vector<896x1xf32>
    %div3A_789 = arith.divf %div3A_788, %slice3A_786 : vector<896x1xf32>
    %mul3A_790 = vector.broadcast %div3A_789 : vector<896x1xf32> to vector<896x64xf32>
    %mul3A_791 = arith.mulf %slice3A_785, %mul3A_790 : vector<896x64xf32>
    %slice3A_792 = vector.extract_strided_slice %dot_general3A_727 {offsets = [0, 192], sizes = [896, 64], strides = [1, 1]} : vector<896x256xf32> to vector<896x64xf32>
    %convert_element_type3A_793 = arith.truncf %slice3A_792 : vector<896x64xf32> to vector<896x64xbf16>
    %slice3A_794 = vector.extract_strided_slice %dot_general3A_729 {offsets = [0, 192], sizes = [896, 64], strides = [1, 1]} : vector<896x256xf32> to vector<896x64xf32>
    %convert_element_type3A_795 = arith.truncf %slice3A_794 : vector<896x64xf32> to vector<896x64xbf16>
    %dot_general3A_796 = arith.constant dense<0.000000e+00> : vector<896x896xf32>
    %dot_general3A_797 = tpu.matmul %convert_element_type3A_793, %convert_element_type3A_795, %dot_general3A_796 {dimension_numbers = #tpu.dot_dimension_numbers<[1], [1], [0], [0], [0, 0, 1, 0], [], []>, transpose_lhs_hint = false} : vector<896x64xbf16>, vector<896x64xbf16>, vector<896x896xf32> -> vector<896x896xf32>
    %convert_element_type3A_798 = arith.truncf %dot_general3A_797 : vector<896x896xf32> to vector<896x896xbf16>
    %exp3A_799 = math.exp %convert_element_type3A_798 : vector<896x896xbf16>
    %slice3A_800 = vector.extract_strided_slice %convert_element_type3A_732 {offsets = [0, 192], sizes = [896, 64], strides = [1, 1]} : vector<896x256xbf16> to vector<896x64xbf16>
    %concatenate3A_801 = tpu.concatenate %slice3A_800, %broadcast_in_dim3A_734 in 1 : vector<896x64xbf16>, vector<896x64xbf16> -> vector<896x128xbf16>
    %dot_general3A_802 = arith.constant dense<0.000000e+00> : vector<896x128xf32>
    %dot_general3A_803 = tpu.matmul %exp3A_799, %concatenate3A_801, %dot_general3A_802 {dimension_numbers = #tpu.dot_dimension_numbers<[1], [0], [0], [1], [0, 0, 1, 1], [], []>, transpose_lhs_hint = false} : vector<896x896xbf16>, vector<896x128xbf16>, vector<896x128xf32> -> vector<896x128xf32>
    %slice3A_804 = vector.extract_strided_slice %dot_general3A_803 {offsets = [0, 0], sizes = [896, 64], strides = [1, 1]} : vector<896x128xf32> to vector<896x64xf32>
    %slice3A_805 = vector.extract_strided_slice %dot_general3A_803 {offsets = [0, 64], sizes = [896, 1], strides = [1, 1]} : vector<896x128xf32> to vector<896x1xf32>
    %div3A_806 = arith.constant 1.000000e+00 : f32
    %div3A_807 = vector.broadcast %div3A_806 : f32 to vector<896x1xf32>
    %div3A_808 = arith.divf %div3A_807, %slice3A_805 : vector<896x1xf32>
    %mul3A_809 = vector.broadcast %div3A_808 : vector<896x1xf32> to vector<896x64xf32>
    %mul3A_810 = arith.mulf %slice3A_804, %mul3A_809 : vector<896x64xf32>
    %concatenate3A_811 = tpu.concatenate %mul3A_753, %mul3A_772, %mul3A_791, %mul3A_810 in 1 : vector<896x64xf32>, vector<896x64xf32>, vector<896x64xf32>, vector<896x64xf32> -> vector<896x256xf32>
    %convert_element_type3A_812 = arith.truncf %concatenate3A_811 : vector<896x256xf32> to vector<896x256xbf16>
    %dot_general3A_813 = arith.constant dense<0.000000e+00> : vector<896x256xf32>
    %dot_general3A_814 = tpu.matmul %convert_element_type3A_812, %convert_element_type3A_13, %dot_general3A_813 {dimension_numbers = #tpu.dot_dimension_numbers<[1], [0], [0], [1], [0, 0, 1, 1], [], []>, transpose_lhs_hint = false} : vector<896x256xbf16>, vector<256x256xbf16>, vector<896x256xf32> -> vector<896x256xf32>
    %add3A_815 = arith.addf %add3A_677, %dot_general3A_814 : vector<896x256xf32>
    %reduce_sum3A_816 = arith.constant dense<0.000000e+00> : vector<896xf32>
    %reduce_sum3A_817 = vector.multi_reduction <add>, %add3A_815, %reduce_sum3A_816 [1] : vector<896x256xf32> to vector<896xf32>
    %broadcast_in_dim3A_818 = vector.shape_cast %reduce_sum3A_817 : vector<896xf32> to vector<896x1xf32>
    %div3A_819 = arith.constant 2.560000e+02 : f32
    %div3A_820 = vector.broadcast %div3A_819 : f32 to vector<896x1xf32>
    %div3A_821 = arith.divf %broadcast_in_dim3A_818, %div3A_820 : vector<896x1xf32>
    %jit3A_822 = arith.constant 0 : i32
    %reduce_sum3A_823 = arith.constant dense<0.000000e+00> : vector<896xf32>
    %reduce_sum3A_824 = vector.multi_reduction <add>, %add3A_815, %reduce_sum3A_823 [1] : vector<896x256xf32> to vector<896xf32>
    %broadcast_in_dim3A_825 = vector.shape_cast %reduce_sum3A_824 : vector<896xf32> to vector<896x1xf32>
    %div3A_826 = arith.constant 2.560000e+02 : f32
    %div3A_827 = vector.broadcast %div3A_826 : f32 to vector<896x1xf32>
    %div3A_828 = arith.divf %broadcast_in_dim3A_825, %div3A_827 : vector<896x1xf32>
    %sub3A_829 = vector.broadcast %div3A_828 : vector<896x1xf32> to vector<896x256xf32>
    %sub3A_830 = arith.subf %add3A_815, %sub3A_829 : vector<896x256xf32>
    %square3A_831 = arith.mulf %sub3A_830, %sub3A_830 : vector<896x256xf32>
    %convert_element_type3A_832 = arith.sitofp %jit3A_822 : i32 to f32
    %sub3A_833 = arith.constant 2.560000e+02 : f32
    %sub3A_834 = arith.subf %sub3A_833, %convert_element_type3A_832 : f32
    %reduce_sum3A_835 = arith.constant dense<0.000000e+00> : vector<896xf32>
    %reduce_sum3A_836 = vector.multi_reduction <add>, %square3A_831, %reduce_sum3A_835 [1] : vector<896x256xf32> to vector<896xf32>
    %broadcast_in_dim3A_837 = vector.shape_cast %reduce_sum3A_836 : vector<896xf32> to vector<896x1xf32>
    %div3A_838 = vector.broadcast %sub3A_834 : f32 to vector<896x1xf32>
    %div3A_839 = arith.divf %broadcast_in_dim3A_837, %div3A_838 : vector<896x1xf32>
    %gt3A_840 = arith.constant 0.000000e+00 : f32
    %gt3A_841 = arith.cmpf ogt, %sub3A_834, %gt3A_840 : f32
    %jit3A_842 = arith.constant 0x7FC00000 : f32
    %broadcast_in_dim3A_843 = vector.broadcast %jit3A_842 : f32 to vector<896x1xf32>
    %select_n3A_844 = arith.select %gt3A_841, %div3A_839, %broadcast_in_dim3A_843 : vector<896x1xf32>
    %sub3A_845 = vector.broadcast %div3A_821 : vector<896x1xf32> to vector<896x256xf32>
    %sub3A_846 = arith.subf %add3A_815, %sub3A_845 : vector<896x256xf32>
    %add3A_847 = arith.constant 9.99999997E-7 : f32
    %add3A_848 = vector.broadcast %add3A_847 : f32 to vector<896x1xf32>
    %add3A_849 = arith.addf %select_n3A_844, %add3A_848 : vector<896x1xf32>
    %sqrt3A_850 = math.sqrt %add3A_849 : vector<896x1xf32>
    %div3A_851 = vector.broadcast %sqrt3A_850 : vector<896x1xf32> to vector<896x256xf32>
    %div3A_852 = arith.divf %sub3A_846, %div3A_851 : vector<896x256xf32>
    %convert_element_type3A_853 = arith.truncf %div3A_852 : vector<896x256xf32> to vector<896x256xbf16>
    %dot_general3A_854 = arith.constant dense<0.000000e+00> : vector<896x1024xf32>
    %dot_general3A_855 = tpu.matmul %convert_element_type3A_853, %convert_element_type3A_17, %dot_general3A_854 {dimension_numbers = #tpu.dot_dimension_numbers<[1], [0], [0], [1], [0, 0, 1, 1], [], []>, transpose_lhs_hint = false} : vector<896x256xbf16>, vector<256x1024xbf16>, vector<896x1024xf32> -> vector<896x1024xf32>
    %convert_element_type3A_856 = arith.truncf %dot_general3A_855 : vector<896x1024xf32> to vector<896x1024xbf16>
    %add3A_857 = vector.broadcast %convert_element_type3A_25 : vector<1x1024xbf16> to vector<896x1024xbf16>
    %add3A_858 = arith.addf %convert_element_type3A_856, %add3A_857 : vector<896x1024xbf16>
    %max3A_859 = arith.constant 0.000000e+00 : bf16
    %max3A_860 = vector.broadcast %max3A_859 : bf16 to vector<896x1024xbf16>
    %max3A_861 = arith.maximumf %add3A_858, %max3A_860 : vector<896x1024xbf16>
    %dot_general3A_862 = arith.constant dense<0.000000e+00> : vector<896x256xf32>
    %dot_general3A_863 = tpu.matmul %max3A_861, %convert_element_type3A_21, %dot_general3A_862 {dimension_numbers = #tpu.dot_dimension_numbers<[1], [0], [0], [1], [0, 0, 1, 1], [], []>, transpose_lhs_hint = false} : vector<896x1024xbf16>, vector<1024x256xbf16>, vector<896x256xf32> -> vector<896x256xf32>
    %add3A_864 = arith.addf %add3A_815, %dot_general3A_863 : vector<896x256xf32>
    %add3A_865 = vector.broadcast %get3A_28 : vector<1x256xf32> to vector<896x256xf32>
    %add3A_866 = arith.addf %add3A_864, %add3A_865 : vector<896x256xf32>
    %iota3A_867 = tpu.iota {dimensions = array<i32: 0>} : vector<896x1xi32>
    %ge3A_868 = vector.broadcast %iota3A_867 : vector<896x1xi32> to vector<896x80xi32>
    %ge3A_869 = vector.broadcast %get3A_682 : vector<1x80xi32> to vector<896x80xi32>
    %ge3A_870 = arith.cmpi sge, %ge3A_868, %ge3A_869 : vector<896x80xi32>
    %le3A_871 = vector.broadcast %iota3A_867 : vector<896x1xi32> to vector<896x80xi32>
    %le3A_872 = vector.broadcast %get3A_687 : vector<1x80xi32> to vector<896x80xi32>
    %le3A_873 = arith.cmpi sle, %le3A_871, %le3A_872 : vector<896x80xi32>
    %and3A_874 = arith.andi %ge3A_870, %le3A_873 : vector<896x80xi1>
    %convert_element_type3A_875 = arith.extui %and3A_874 : vector<896x80xi1> to vector<896x80xi32>
    %convert_element_type3A_876 = arith.sitofp %convert_element_type3A_875 : vector<896x80xi32> to vector<896x80xf32>
    %broadcast_in_dim3A_877 = arith.constant 1.000000e+00 : f32
    %broadcast_in_dim3A_878 = vector.broadcast %broadcast_in_dim3A_877 : f32 to vector<896x128xf32>
    %concatenate3A_879 = tpu.concatenate %add3A_866, %broadcast_in_dim3A_878 in 1 : vector<896x256xf32>, vector<896x128xf32> -> vector<896x384xf32>
    %dot_general3A_880 = arith.constant dense<0.000000e+00> : vector<80x384xf32>
    %dot_general3A_881 = tpu.matmul %convert_element_type3A_876, %concatenate3A_879, %dot_general3A_880 {dimension_numbers = #tpu.dot_dimension_numbers<[0], [0], [1], [1], [0, 1, 1, 1], [], []>, transpose_lhs_hint = false} : vector<896x80xf32>, vector<896x384xf32>, vector<80x384xf32> -> vector<80x384xf32>
    %slice3A_882 = vector.extract_strided_slice %dot_general3A_881 {offsets = [0, 256], sizes = [80, 1], strides = [1, 1]} : vector<80x384xf32> to vector<80x1xf32>
    %slice3A_883 = vector.extract_strided_slice %dot_general3A_881 {offsets = [0, 0], sizes = [80, 256], strides = [1, 1]} : vector<80x384xf32> to vector<80x256xf32>
    %add3A_884 = arith.constant 9.99999997E-7 : f32
    %add3A_885 = vector.broadcast %add3A_884 : f32 to vector<80x1xf32>
    %add3A_886 = arith.addf %slice3A_882, %add3A_885 : vector<80x1xf32>
    %div3A_887 = vector.broadcast %add3A_886 : vector<80x1xf32> to vector<80x256xf32>
    %div3A_888 = arith.divf %slice3A_883, %div3A_887 : vector<80x256xf32>
    %swap3A_889 = arith.constant 240 : index
    %swap3A_890 = arith.constant 0 : index
    %swap3A_891 = vector.load %arg13[%swap3A_889, %swap3A_890] : memref<320x256xf32, #tpu.memory_space<vmem>>, vector<80x256xf32>
    tpu.vector_store %arg13[%swap3A_889, %swap3A_890], %div3A_888 {strides = array<i32>} : memref<320x256xf32, #tpu.memory_space<vmem>>, vector<80x256xf32>,
    return
  }
  func.func @transform_0(%arg0: i32) -> (i32, i32) {
    %c0_i32 = arith.constant 0 : i32
    %c0_i32_0 = arith.constant 0 : i32
    return %arg0, %c0_i32 : i32, i32
  }
  func.func @transform_1(%arg0: i32) -> (i32, i32) {
    %c0_i32 = arith.constant 0 : i32
    %c0_i32_0 = arith.constant 0 : i32
    %c0_i32_1 = arith.constant 0 : i32
    return %c0_i32, %c0_i32_0 : i32, i32
  }
  func.func @transform_2(%arg0: i32) -> (i32, i32, i32) {
    %c0_i32 = arith.constant 0 : i32
    %c0_i32_0 = arith.constant 0 : i32
    %c0_i32_1 = arith.constant 0 : i32
    return %arg0, %c0_i32, %c0_i32_0 : i32, i32, i32
  }
  func.func @transform_3(%arg0: i32) -> (i32, i32, i32) {
    %c0_i32 = arith.constant 0 : i32
    %c0_i32_0 = arith.constant 0 : i32
    %c0_i32_1 = arith.constant 0 : i32
    return %arg0, %c0_i32, %c0_i32_0 : i32, i32, i32
  }
  func.func @transform_4(%arg0: i32) -> (i32, i32) {
    %c0_i32 = arith.constant 0 : i32
    %c0_i32_0 = arith.constant 0 : i32
    %c0_i32_1 = arith.constant 0 : i32
    return %c0_i32, %c0_i32_0 : i32, i32
  }
  func.func @transform_5(%arg0: i32) -> (i32, i32) {
    %c0_i32 = arith.constant 0 : i32
    %c0_i32_0 = arith.constant 0 : i32
    %c0_i32_1 = arith.constant 0 : i32
    return %c0_i32, %c0_i32_0 : i32, i32
  }
  func.func @transform_6(%arg0: i32) -> (i32, i32) {
    %c0_i32 = arith.constant 0 : i32
    %c0_i32_0 = arith.constant 0 : i32
    %c0_i32_1 = arith.constant 0 : i32
    return %c0_i32, %c0_i32_0 : i32, i32
  }
  func.func @transform_7(%arg0: i32) -> (i32, i32) {
    %c0_i32 = arith.constant 0 : i32
    %c0_i32_0 = arith.constant 0 : i32
    %c0_i32_1 = arith.constant 0 : i32
    return %c0_i32, %c0_i32_0 : i32, i32
  }
  func.func @transform_8(%arg0: i32) -> (i32, i32) {
    %c0_i32 = arith.constant 0 : i32
    %c0_i32_0 = arith.constant 0 : i32
    %c0_i32_1 = arith.constant 0 : i32
    return %c0_i32, %c0_i32_0 : i32, i32
  }
  func.func @transform_9(%arg0: i32) -> (i32, i32) {
    %c0_i32 = arith.constant 0 : i32
    %c0_i32_0 = arith.constant 0 : i32
    %c0_i32_1 = arith.constant 0 : i32
    return %c0_i32, %c0_i32_0 : i32, i32
  }
  func.func @transform_10(%arg0: i32) -> (i32, i32) {
    %c0_i32 = arith.constant 0 : i32
    %c0_i32_0 = arith.constant 0 : i32
    %c0_i32_1 = arith.constant 0 : i32
    return %c0_i32, %c0_i32_0 : i32, i32
  }
  func.func @transform_11(%arg0: i32) -> (i32, i32) {
    %c0_i32 = arith.constant 0 : i32
    %c0_i32_0 = arith.constant 0 : i32
    %c0_i32_1 = arith.constant 0 : i32
    return %c0_i32, %c0_i32_0 : i32, i32
  }
  func.func @transform_12(%arg0: i32) -> (i32, i32) {
    %c0_i32 = arith.constant 0 : i32
    %c0_i32_0 = arith.constant 0 : i32
    return %arg0, %c0_i32 : i32, i32
  }
}

</mosaic_0001>

<sc_bundles>
// kernel: kernel.5.cloned.1.call-start
scs
__scs_entry_jumppad:
0x0: {  	(pc) =	sbr.rel $0x88, $3  }
0x1: {  	(tag) =	ssettag $0x0;
	lr =	simm.s32 $0x1  }
0x2: {  	[smem:$0x3F89] =	sst lr;
	_ =	strace $0xD0000000  }
0x3: {  	_ = 	snop  }
0x4: {  	_ = 	snop  }
0x5: {  	_ = 	snop  }
0x6: {  	_ = 	snop  }
0x7: {  	_ = 	snop  }
__scs_overlays_trampoline_lowered:
0x8: {  	[smem:$0x3F98] =	sst s0  }
0x9: {  	[smem:$0x3F99] =	sst s1  }
0xa: {  	[smem:$0x3F9A] =	sst s2  }
0xb: {  	[smem:$0x3F9B] =	sst s3  }
0xc: {  	[smem:$0x3F9C] =	sst s4  }
0xd: {  	[smem:$0x3F9D] =	sst s5  }
0xe: {  	[smem:$0x3F9E] =	sst s6  }
0xf: {  	[smem:$0x3F9F] =	sst s7  }
0x10: {  	[smem:$0x3FA0] =	sst s8  }
0x11: {  	[smem:$0x3FA1] =	sst s9;
	s0 =	simm.s32 @!p0 $0x0  }
0x12: {  	s1 =	sld [smem:$0x3F87];
	s0 =	simm.s32 @p0 $0x1  }
0x13: {  	[smem:$0x3FA2] =	sst s0;
	s0 =	simm.s32 @!p1 $0x0  }
0x14: {  	s2 =	sld [smem:$0x3F86];
	s0 =	simm.s32 @p1 $0x1  }
0x15: {  	[smem:$0x3FA3] =	sst s0;
	s0 =	simm.s32 @!p2 $0x0  }
0x16: {  	s3 =	sld [smem:$0x3FDB];
	s0 =	simm.s32 @p2 $0x1  }
0x17: {  	s4 =	simm.s32 $0x1BF5;
	[smem:$0x3FA5] =	sst s0  }
0x18: {  	s0 =	sld [smem:$0x3F88];
	_ =	swait.ge [sflag:s4], $0x0  }
0x19: {  	s7 =	sld [smem:$0x3F89]  }
0x1a: {  	s8 =	sadd.s32 $0xFFFFE003, lr  }
0x1b: {  	s9 =	sadd.s32 $0xFFFFFEF7, lr;
	s5 =	simm.s32 $0xFFFFFFFF;
	p2 =	slt.u32 s8, $0xFFFFF086  }
0x1c: {  	p1 =	slt.u32 s9, $0xF7A;
	s5 =	simm.s32 @!p2 $0x0  }
0x1d: {  	s5 =	simm.s32 @p1 $0x1;
	p0 =	seq.s32 s7, s2  }
0x1e: {  	s7 =	smul.u32 @!p0 $0xF7A, s2;
	p2 =	seq.s32 @!p0 s5, $0x0  }
0x1f: {  	s9 =	smul.u32 $0xF7A, s1;
	s8 =	simm.s32 @!p0 $0x1BF5;
	p2 =	por !p2, p0  }
0x20: {  	[sflag:s8] =	ssyncset.s32 @!p0 $0xFFFFF086;
	s6 =	sadd.s32 @!p0 s3, s7;
	s7 =	simm.s32 @!p0 $0x108  }
0x21: {  	s3 =	sadd.s32 s3, s9;
	s6 =	sadd.s32 @!p0 $0x88, s6;
	s7 =	simm.s32 @p2 $0x1082  }
0x22: {  	[simem:s7], [sflag:s8] =	dma.local @!p0 [hbm:s6], $0xF7A  }
0x23: {  	s9 =	sor.u32 $0xD0000000, s2;
	s6 =	simm.s32 $0x108;
	_ =	swait.ge @!p0 [sflag:s8], $0x0  }
0x24: {  	s3 =	sadd.s32 $0x88, s3;
	s6 =	simm.s32 @!p1 $0x1082;
	[sflag:s4] =	ssyncset.s32 $0xFFFFF086  }
0x25: {  	[simem:s6], [sflag:s4] =	dma.local [hbm:s3], $0xF7A  }
0x26: {  	[smem:$0x3F89] =	sst s1;
	(tag) =	ssettag s2;
	_ =	strace s9  }
0x27: {  	s1 =	sld [smem:$0x3F99]  }
0x28: {  	s2 =	sld [smem:$0x3F9A]  }
0x29: {  	s4 =	sld [smem:$0x3F9C]  }
0x2a: {  	p0 =	seq.s32 s5, $0x0;
	s5 =	sld [smem:$0x3F9D]  }
0x2b: {  	s6 =	sld [smem:$0x3F9E]  }
0x2c: {  	s7 =	sld [smem:$0x3F9F]  }
0x2d: {  	s3 =	simm.s32 $0x108;
	s8 =	sld [smem:$0x3FA0]  }
0x2e: {  	s3 =	simm.s32 @!p0 $0x1082;
	s9 =	sld [smem:$0x3FA1]  }
0x2f: {  	lr =	sadd.s32 s0, s3;
	s0 =	sld [smem:$0x3F98]  }
0x30: {  	s3 =	sld [smem:$0x3F9B]  }
0x31: {  	[smem:$0x3FA4] =	sst s10  }
0x32: {  	s10 =	sld [smem:$0x3FA2];
	_ =	sdelay $0x3  }
0x33: {  	p0 =	seq.s32 s10, $0x1;
	s10 =	sld [smem:$0x3FA4];
	_ =	sdelay $0x3  }
0x34: {  	[smem:$0x3FA4] =	sst s10  }
0x35: {  	s10 =	sld [smem:$0x3FA3];
	_ =	sdelay $0x3  }
0x36: {  	p1 =	seq.s32 s10, $0x1;
	s10 =	sld [smem:$0x3FA4];
	_ =	sdelay $0x3  }
0x37: {  	[smem:$0x3FA4] =	sst s10  }
0x38: {  	s10 =	sld [smem:$0x3FA5]  }
0x39: {  	_ = 	snop;
	(pc) =	sbr.ind lr, $3  }
0x3a: {  	_ = 	snop  }
0x3b: {  	_ = 	snop  }
0x3c: {  	p2 =	seq.s32 s10, $0x1;
	s10 =	sld [smem:$0x3FA4]  }
0x3d: {  	_ =	shalt  }
0x3e: {  	_ =	shalt  }
0x3f: {  	_ =	shalt  }
0x40: {  	_ =	shalt  }
0x41: {  	_ =	shalt  }
0x42: {  	_ =	shalt  }
0x43: {  	_ =	shalt  }
0x44: {  	_ =	shalt  }
0x45: {  	_ =	shalt  }
0x46: {  	_ =	shalt  }
0x47: {  	_ =	shalt  }
0x48: {  	_ =	shalt  }
0x49: {  	_ =	shalt  }
0x4a: {  	_ =	shalt  }
0x4b: {  	_ =	shalt  }
0x4c: {  	_ =	shalt  }
0x4d: {  	_ =	shalt  }
0x4e: {  	_ =	shalt  }
0x4f: {  	_ =	shalt  }
0x50: {  	_ =	shalt  }
0x51: {  	_ =	shalt  }
0x52: {  	_ =	shalt  }
0x53: {  	_ =	shalt  }
0x54: {  	_ =	shalt  }
0x55: {  	_ =	shalt  }
0x56: {  	_ =	shalt  }
0x57: {  	_ =	shalt  }
0x58: {  	_ =	shalt  }
0x59: {  	_ =	shalt  }
0x5a: {  	_ =	shalt  }
0x5b: {  	_ =	shalt  }
0x5c: {  	_ =	shalt  }
0x5d: {  	_ =	shalt  }
0x5e: {  	_ =	shalt  }
0x5f: {  	_ =	shalt  }
0x60: {  	_ =	shalt  }
0x61: {  	_ =	shalt  }
0x62: {  	_ =	shalt  }
0x63: {  	_ =	shalt  }
0x64: {  	_ =	shalt  }
0x65: {  	_ =	shalt  }
0x66: {  	_ =	shalt  }
0x67: {  	_ =	shalt  }
0x68: {  	_ =	shalt  }
0x69: {  	_ =	shalt  }
0x6a: {  	_ =	shalt  }
0x6b: {  	_ =	shalt  }
0x6c: {  	_ =	shalt  }
0x6d: {  	_ =	shalt  }
0x6e: {  	_ =	shalt  }
0x6f: {  	_ =	shalt  }
0x70: {  	_ =	shalt  }
0x71: {  	_ =	shalt  }
0x72: {  	_ =	shalt  }
0x73: {  	_ =	shalt  }
0x74: {  	_ =	shalt  }
0x75: {  	_ =	shalt  }
0x76: {  	_ =	shalt  }
0x77: {  	_ =	shalt  }
0x78: {  	_ =	shalt  }
0x79: {  	_ =	shalt  }
0x7a: {  	_ =	shalt  }
0x7b: {  	_ =	shalt  }
0x7c: {  	_ =	shalt  }
0x7d: {  	_ =	shalt  }
0x7e: {  	_ =	shalt  }
0x7f: {  	_ =	shalt  }
0x80: {  	_ =	shalt  }
0x81: {  	_ =	shalt  }
0x82: {  	_ =	shalt  }
0x83: {  	_ =	shalt  }
0x84: {  	_ =	shalt  }
0x85: {  	_ =	shalt  }
0x86: {  	_ =	shalt  }
0x87: {  	_ =	shalt  }
.Lfunc_end0:
.L_simem_size_0:
called_computation_lowered:
.L_overlay_start_0:
0x88: {  	s2 =	sld [smem:$0x3FD9]  }
0x89: {  	s3 =	sld [smem:$0x3FFE];
	_ =	sdelay $0x1  }
0x8a: {  	s1 =	srdreg.scid  }
0x8b: {  	s0 =	sand.u32 $0x1, s1  }
0x8c: {  	s17 =	sshll.u32 s0, $0xA;
	s2 =	sadd.s32 s3, s2  }
0x8d: {  	s2 =	sadd.s32 s2, s17  }
0x8e: {  	[smem:$0x3FB0] =	sst s2  }
0x8f: {  	_ = 	snop  }
0x90: {  	s2 =	sld [smem:$0x3FC2];
	(tm) =	ssettm $0x1  }
0x91: {  	s18 =	sld [smem:$0x3FFB];
	_ =	sdelay $0x3  }
0x92: {  	_ =	strace s18  }
0x93: {  	s3 =	sld [smem:$0x3FFC];
	_ =	sdelay $0x3  }
0x94: {  	_ =	strace s3  }
0x95: {  	s3 =	sld [smem:$0x3FFD];
	_ =	sdelay $0x3  }
0x96: {  	_ =	strace s3  }
0x97: {  	_ =	strace $0x8FFFFFFF  }
0x98: {  	s19 =	sld [smem:$0x3FDB];
	_ =	sdelay $0x1  }
0x99: {  	s4 =	simm.s32 $_scs_section_size  }
0x9a: {  	s5 =	simm.s32 $_size__tile_overlayer_lowered;
	s6 =	simm.s32 $_tile_overlayer_lowered  }
0x9b: {  	s22 =	simm.s32 $0x1BFF;
	s21 =	sshll.u32 s6, $0x1;
	s3 =	sadd.s32 s4, s19  }
0x9c: {  	s7 =	simm.s32 $0x0;
	s20 =	sshll.u32 s5, $0x1;
	s5 =	sadd.s32 s21, s3  }
0x9d: {  	[timem:s7], [sflag:s22] =	dma.local [hbm:s5], s20  }
0x9e: {  	_ =	swait.ge [sflag:s22], s20  }
0x9f: {  	s4 =	ssub.s32 $0x0, s20;
	[sflag:s22] =	ssyncset.done $0x0  }
0xa0: {  	[sflag:s22] =	ssyncadd.s32 s4;
	_ =	sdelay $0x1  }
0xa1: {  	s23 =	simm.s32 $0x1B8B  }
0xa2: {  	_ =	swait.ge [sflag:s23], $0x1  }
0xa3: {  	[sflag:s23] =	ssyncset.done $0x0  }
0xa4: {  	s25 =	simm.s32 $0x1B8E;
	s24 =	sld [smem:$0x3FFE];
	[sflag:s23] =	ssyncadd.s32 $0xFFFFFFFF  }
0xa5: {  	s26 =	simm.s32 $execute0_lowered;
	[smem:$0x3FD2] =	sst s25  }
0xa6: {  	s5 =	sshll.u32 s26, $0x1;
	_ =	strace $0x80000046;
	[dreg:$0x1] =	wrdreg $0xFFFFFFFF  }
0xa7: {  	s28 =	simm.s32 $_size_execute0_lowered;
	s3 =	sadd.s32 s3, s5;
	[dreg:$0x0] =	wrdreg $0x0  }
0xa8: {  	s5 =	sshll.u32 s28, $0x1;
	[dreg:$0x2] =	wrdreg s3  }
0xa9: {  	[dreg:$0x3] =	wrdreg s5  }
0xaa: {  	[dreg:$0x4] =	wrdreg $0xC0  }
0xab: {  	_ =	task [dreg:s7], $0x5FFFF  }
0xac: {  	[dreg:$0x1] =	wrdreg $0xFFFFFFFF  }
0xad: {  	[dreg:$0x0] =	wrdreg $0x60  }
0xae: {  	[dreg:$0x2] =	wrdreg s2  }
0xaf: {  	[dreg:$0x3] =	wrdreg s24  }
0xb0: {  	[dreg:$0x4] =	wrdreg $0x9  }
0xb1: {  	_ =	task.clear_ibuf [dreg:s7], $0x5FFFF;
	_ =	strace $0x90000046  }
0xb2: {  	s29 =	simm.s32 $0x9;
	_ =	strace $0x80000048  }
0xb3: {  	_ =	swait.ge [sflag:s29], $0x1  }
0xb4: {  	[sflag:s29] =	ssyncadd.s32 $0xFFFFFFFF  }
0xb5: {  	_ =	strace $0x90000048  }
0xb6: {  	_ =	sfence  }
0xb7: {  	s30 =	sld [smem:$0x0];
	_ =	sdelay $0x2  }
0xb8: {  	s31 =	sshll.u32 s1, $0xD;
	s1 =	sshrl.u32 s1, $0x2  }
0xb9: {  	s3 =	sand.u32 $0x4000, s31;
	s1 =	sadd.s32 s1, s30  }
0xba: {  	s0 =	sor.u32 s3, s0;
	s1 =	sshll.u32 s1, $0x11  }
0xbb: {  	s0 =	sor.u32 s1, s0  }
0xbc: {  	s0 =	sadd.s32 $0x8F2B, s0  }
0xbd: {  	[sflag:s0] =	ssyncadd.remote.s32 $0x1  }
0xbe: {  	_ =	sfence.sel $0xFFFF  }
0xbf: {  	[dreg:$0x0] =	wrdreg $0xFFFFFFFF;
	(pc) =	sbr.abs _section_cstart, $3  }
0xc0: {  	[dreg:$0x1] =	wrdreg $0xFFFFFFFF  }
0xc1: {  	_ =	task.clear_ibuf [dreg:s7], $0x2FFFF;
	_ =	strace $0x9FFFFFFF  }
0xc2: {  	(tm) =	ssettm $0x7FFFFFFF  }
0xc3: {  	_ =	shalt  }
tec
execute0_lowered:
.L_overlay_start_1:
0x0: {  	(tag) =	ssettag $0x1  }
0x1: {  	s1 =	rddreg [dreg:$0x0]  }
0x2: {  	s4 =	rddreg [dreg:$0x1]  }
0x3: {  	s0 =	rddreg [dreg:$0x2];
	s3 =	simm.s32 $0x0;
	s5 =	srdreg.scid  }
0x4: {  	s2 =	stileid.u32;
	s15 =	simm.s32 $0x880;
	s16 =	simm.s32 $0x1080  }
0x5: {  	s17 =	simm.s32 $0x1880;
	s18 =	simm.s32 $0x2080;
	s19 =	simm.s32 $0x2880  }
0x6: {  	s20 =	simm.s32 $0x3080;
	s21 =	simm.s32 $0x3880;
	s22 =	simm.s32 $0x4080  }
0x7: {  	s23 =	simm.s32 $0x4880;
	s28 =	simm.s32 $0x6880;
	s29 =	simm.s32 $0x1  }
0x8: {  	[smem:$0x7FF] =	sst s3;
	s5 =	sand.u32 $0x1, s5;
	s6 =	sshll.u32 s2, $0x1  }
0x9: {  	s10 =	sadd.s32 $0x3400, s4;
	s6 =	sor.u32 s5, s6;
	s5 =	ssub.s32 $0x2, s5  }
0xa: {  	s11 =	sadd.s32 $0x3C00, s4;
	s8 =	smul.u32 $0x1C0, s6;
	s24 =	sshrl.u32 s5, $0x1  }
0xb: {  	_ =	strace $0x80000047;
	s6 =	smul.u32 $0x3800, s6;
	s12 =	ssub.s32 s5, s24  }
0xc: {  	s24 =	simm.s32 $0x5080;
	s25 =	sshrl.u32 s8, $0x3;
	s7 =	sadd.s32 $0x70, s8  }
0xd: {  	s5 =	sadd.s32 s11, s6;
	s9 =	sadd.s32 $0xE0, s8;
	s14 =	sadd.s32 $0x150, s8  }
0xe: {  	s12 =	smax.u32 s12, $0x1;
	s4 =	sadd.s32 s10, s25;
	s26 =	sshrl.u32 s7, $0x3  }
0xf: {  	s7 =	sshll.u32 s7, $0x5;
	s13 =	sshrl.u32 s9, $0x3;
	s9 =	sshll.u32 s9, $0x5  }
0x10: {  	s30 =	sshrl.u32 s14, $0x3;
	s31 =	sshll.u32 s14, $0x5;
	s14 =	simm.s32 $0x80  }
0x11: {  	v2 =	vlaneseq.u32;
	s25 =	simm.s32 $0x5880;
	s6 =	sadd.s32 s10, s26;
	s7 =	sadd.s32 s11, s7  }
0x12: {  	vm0 =	vmmov $0xffff;
	v1 =	vshrl.u32 v2, $0x3;
	s8 =	sadd.s32 s10, s13;
	s9 =	sadd.s32 s11, s9;
	s10 =	sadd.s32 s10, s30  }
0x13: {  	v0 =	vand.u32 $0x7, v2;
	v2 =	vor.u32 $0x8, v2;
	v1 =	vmul.u32 $0x8, v1;
	s11 =	sadd.s32 s11, s31;
	s13 =	simm.s32 $0x2;
	s26 =	simm.s32 $0x6080  }
.LBB2_1:
0x14: {  	[tilespmem:s3], [sflag:$0x2] =	stream.linear.gather [hbm4b:s4+s3], $0x70, $0x38;
	[tilespmem:$0x7080] =	vst v63  }
0x15: {  	_ =	swait.ge [sflag:s13], $0x70  }
0x16: {  	[sflag:s13] =	ssyncset.done $0x0  }
0x17: {  	[sflag:s13] =	ssyncadd.s32 $0xFFFFFF90  }
0x18: {  	v3 =	vld [tilespmem:$0x0];
	_ =	sdelay $0x4  }
0x19: {  	v4 =	vshll.u32 v3, $0x1  }
0x1a: {  	v3 =	vand.u32 $0x7, v3;
	v4 =	vand.u32 $0xFFFFFFF0, v4  }
0x1b: {  	v3 =	vor.u32 v3, v4  }
0x1c: {  	v4 =	vperm.xlane v3, v0;
	_ =	sdelay $0x1  }
0x1d: {  	v3 =	vperm.xlane v3, v2;
	v4 =	vadd.s32 v1, v4;
	_ =	sdelay $0x1  }
0x1e: {  	v3 =	vadd.s32 v1, v3;
	_ =	sdelay $0x2  }
0x1f: {  	[tilespmem:s14], [sflag:$0x1] =	stream.indirect_vreg.gather [hbm4b:s1+s3], $0x80, v4, vm0, $0xb8;
	[tilespmem:$0x7080] =	vst v63  }
0x20: {  	_ = 	snop  }
0x21: {  	[tilespmem:s15], [sflag:$0x1] =	stream.indirect_vreg.gather [hbm4b:s1+s3], $0x80, v3, vm0, $0xb8;
	[tilespmem:$0x7080] =	vst v63  }
0x22: {  	v3 =	vld [tilespmem:$0x10];
	_ =	sdelay $0x4  }
0x23: {  	v37 =	vshll.u32 v3, $0x1  }
0x24: {  	v3 =	vand.u32 $0x7, v3;
	v4 =	vand.u32 $0xFFFFFFF0, v37  }
0x25: {  	v3 =	vor.u32 v3, v4  }
0x26: {  	v4 =	vperm.xlane v3, v0;
	_ =	sdelay $0x1  }
0x27: {  	v3 =	vperm.xlane v3, v2;
	v4 =	vadd.s32 v1, v4;
	_ =	sdelay $0x1  }
0x28: {  	v3 =	vadd.s32 v1, v3;
	_ =	sdelay $0x2  }
0x29: {  	[tilespmem:s16], [sflag:$0x1] =	stream.indirect_vreg.gather [hbm4b:s1+s3], $0x80, v4, vm0, $0xb8;
	[tilespmem:$0x7080] =	vst v63  }
0x2a: {  	_ = 	snop  }
0x2b: {  	[tilespmem:s17], [sflag:$0x1] =	stream.indirect_vreg.gather [hbm4b:s1+s3], $0x80, v3, vm0, $0xb8;
	[tilespmem:$0x7080] =	vst v63  }
0x2c: {  	v3 =	vld [tilespmem:$0x20];
	_ =	sdelay $0x4  }
0x2d: {  	v38 =	vshll.u32 v3, $0x1  }
0x2e: {  	v3 =	vand.u32 $0x7, v3;
	v4 =	vand.u32 $0xFFFFFFF0, v38  }
0x2f: {  	v3 =	vor.u32 v3, v4  }
0x30: {  	v4 =	vperm.xlane v3, v0;
	_ =	sdelay $0x1  }
0x31: {  	v3 =	vperm.xlane v3, v2;
	v4 =	vadd.s32 v1, v4;
	_ =	sdelay $0x1  }
0x32: {  	v3 =	vadd.s32 v1, v3;
	_ =	sdelay $0x2  }
0x33: {  	[tilespmem:s18], [sflag:$0x1] =	stream.indirect_vreg.gather [hbm4b:s1+s3], $0x80, v4, vm0, $0xb8;
	[tilespmem:$0x7080] =	vst v63  }
0x34: {  	_ = 	snop  }
0x35: {  	[tilespmem:s19], [sflag:$0x1] =	stream.indirect_vreg.gather [hbm4b:s1+s3], $0x80, v3, vm0, $0xb8;
	[tilespmem:$0x7080] =	vst v63  }
0x36: {  	v3 =	vld [tilespmem:$0x30];
	_ =	sdelay $0x4  }
0x37: {  	v39 =	vshll.u32 v3, $0x1  }
0x38: {  	v3 =	vand.u32 $0x7, v3;
	v4 =	vand.u32 $0xFFFFFFF0, v39  }
0x39: {  	v3 =	vor.u32 v3, v4  }
0x3a: {  	v4 =	vperm.xlane v3, v0;
	_ =	sdelay $0x1  }
0x3b: {  	v3 =	vperm.xlane v3, v2;
	v4 =	vadd.s32 v1, v4;
	_ =	sdelay $0x1  }
0x3c: {  	v3 =	vadd.s32 v1, v3;
	_ =	sdelay $0x2  }
0x3d: {  	[tilespmem:s20], [sflag:$0x1] =	stream.indirect_vreg.gather [hbm4b:s1+s3], $0x80, v4, vm0, $0xb8;
	[tilespmem:$0x7080] =	vst v63  }
0x3e: {  	_ = 	snop  }
0x3f: {  	[tilespmem:s21], [sflag:$0x1] =	stream.indirect_vreg.gather [hbm4b:s1+s3], $0x80, v3, vm0, $0xb8;
	[tilespmem:$0x7080] =	vst v63  }
0x40: {  	v3 =	vld [tilespmem:$0x40];
	_ =	sdelay $0x4  }
0x41: {  	v40 =	vshll.u32 v3, $0x1  }
0x42: {  	v3 =	vand.u32 $0x7, v3;
	v4 =	vand.u32 $0xFFFFFFF0, v40  }
0x43: {  	v3 =	vor.u32 v3, v4  }
0x44: {  	v4 =	vperm.xlane v3, v0;
	_ =	sdelay $0x1  }
0x45: {  	v3 =	vperm.xlane v3, v2;
	v4 =	vadd.s32 v1, v4;
	_ =	sdelay $0x1  }
0x46: {  	v3 =	vadd.s32 v1, v3;
	_ =	sdelay $0x2  }
0x47: {  	[tilespmem:s22], [sflag:$0x1] =	stream.indirect_vreg.gather [hbm4b:s1+s3], $0x80, v4, vm0, $0xb8;
	[tilespmem:$0x7080] =	vst v63  }
0x48: {  	_ = 	snop  }
0x49: {  	[tilespmem:s23], [sflag:$0x1] =	stream.indirect_vreg.gather [hbm4b:s1+s3], $0x80, v3, vm0, $0xb8;
	[tilespmem:$0x7080] =	vst v63  }
0x4a: {  	v3 =	vld [tilespmem:$0x50];
	_ =	sdelay $0x4  }
0x4b: {  	v41 =	vshll.u32 v3, $0x1  }
0x4c: {  	v3 =	vand.u32 $0x7, v3;
	v4 =	vand.u32 $0xFFFFFFF0, v41  }
0x4d: {  	v3 =	vor.u32 v3, v4  }
0x4e: {  	v4 =	vperm.xlane v3, v0;
	_ =	sdelay $0x1  }
0x4f: {  	v3 =	vperm.xlane v3, v2;
	v4 =	vadd.s32 v1, v4;
	_ =	sdelay $0x1  }
0x50: {  	v3 =	vadd.s32 v1, v3;
	_ =	sdelay $0x2  }
0x51: {  	[tilespmem:s24], [sflag:$0x1] =	stream.indirect_vreg.gather [hbm4b:s1+s3], $0x80, v4, vm0, $0xb8;
	[tilespmem:$0x7080] =	vst v63  }
0x52: {  	_ = 	snop  }
0x53: {  	[tilespmem:s25], [sflag:$0x1] =	stream.indirect_vreg.gather [hbm4b:s1+s3], $0x80, v3, vm0, $0xb8;
	[tilespmem:$0x7080] =	vst v63  }
0x54: {  	v3 =	vld [tilespmem:$0x60];
	_ =	sdelay $0x4  }
0x55: {  	v42 =	vshll.u32 v3, $0x1  }
0x56: {  	v3 =	vand.u32 $0x7, v3;
	v4 =	vand.u32 $0xFFFFFFF0, v42  }
0x57: {  	v3 =	vor.u32 v3, v4  }
0x58: {  	v4 =	vperm.xlane v3, v0;
	_ =	sdelay $0x1  }
0x59: {  	v3 =	vperm.xlane v3, v2;
	v4 =	vadd.s32 v1, v4;
	_ =	sdelay $0x1  }
0x5a: {  	v3 =	vadd.s32 v1, v3;
	_ =	sdelay $0x2  }
0x5b: {  	[tilespmem:s26], [sflag:$0x1] =	stream.indirect_vreg.gather [hbm4b:s1+s3], $0x80, v4, vm0, $0xb8;
	[tilespmem:$0x7080] =	vst v63  }
0x5c: {  	_ = 	snop  }
0x5d: {  	[tilespmem:s28], [sflag:$0x1] =	stream.indirect_vreg.gather [hbm4b:s1+s3], $0x80, v3, vm0, $0xb8;
	[tilespmem:$0x7080] =	vst v63  }
0x5e: {  	_ =	swait.ge [sflag:s29], $0x7000  }
0x5f: {  	[sflag:s29] =	ssyncset.done $0x0  }
0x60: {  	[sflag:s29] =	ssyncadd.s32 $0xFFFF9000  }
0x61: {  	[hbm4b:s5+s3] =	stream.linear.scatter [tilespmem:s14], [sflag:$0x2], $0x7000, $0x38;
	[tilespmem:$0x7080] =	vst v63  }
0x62: {  	_ =	swait.ge [sflag:s13], $0x7000  }
0x63: {  	[sflag:s13] =	ssyncset.done $0x0  }
0x64: {  	[sflag:s13] =	ssyncadd.s32 $0xFFFF9000  }
0x65: {  	[tilespmem:s3], [sflag:$0x2] =	stream.linear.gather [hbm4b:s6+s3], $0x70, $0x38;
	[tilespmem:$0x7080] =	vst v63  }
0x66: {  	_ =	swait.ge [sflag:s13], $0x70  }
0x67: {  	[sflag:s13] =	ssyncset.done $0x0  }
0x68: {  	[sflag:s13] =	ssyncadd.s32 $0xFFFFFF90  }
0x69: {  	v3 =	vld [tilespmem:$0x0];
	_ =	sdelay $0x4  }
0x6a: {  	v43 =	vshll.u32 v3, $0x1  }
0x6b: {  	v3 =	vand.u32 $0x7, v3;
	v4 =	vand.u32 $0xFFFFFFF0, v43  }
0x6c: {  	v3 =	vor.u32 v3, v4  }
0x6d: {  	v4 =	vperm.xlane v3, v0;
	_ =	sdelay $0x1  }
0x6e: {  	v3 =	vperm.xlane v3, v2;
	v4 =	vadd.s32 v1, v4;
	_ =	sdelay $0x1  }
0x6f: {  	v3 =	vadd.s32 v1, v3;
	_ =	sdelay $0x2  }
0x70: {  	[tilespmem:s14], [sflag:$0x1] =	stream.indirect_vreg.gather [hbm4b:s1+s3], $0x80, v4, vm0, $0xb8;
	[tilespmem:$0x7080] =	vst v63  }
0x71: {  	_ = 	snop  }
0x72: {  	[tilespmem:s15], [sflag:$0x1] =	stream.indirect_vreg.gather [hbm4b:s1+s3], $0x80, v3, vm0, $0xb8;
	[tilespmem:$0x7080] =	vst v63  }
0x73: {  	v3 =	vld [tilespmem:$0x10];
	_ =	sdelay $0x4  }
0x74: {  	v44 =	vshll.u32 v3, $0x1  }
0x75: {  	v3 =	vand.u32 $0x7, v3;
	v4 =	vand.u32 $0xFFFFFFF0, v44  }
0x76: {  	v3 =	vor.u32 v3, v4  }
0x77: {  	v4 =	vperm.xlane v3, v0;
	_ =	sdelay $0x1  }
0x78: {  	v3 =	vperm.xlane v3, v2;
	v4 =	vadd.s32 v1, v4;
	_ =	sdelay $0x1  }
0x79: {  	v3 =	vadd.s32 v1, v3;
	_ =	sdelay $0x2  }
0x7a: {  	[tilespmem:s16], [sflag:$0x1] =	stream.indirect_vreg.gather [hbm4b:s1+s3], $0x80, v4, vm0, $0xb8;
	[tilespmem:$0x7080] =	vst v63  }
0x7b: {  	_ = 	snop  }
0x7c: {  	[tilespmem:s17], [sflag:$0x1] =	stream.indirect_vreg.gather [hbm4b:s1+s3], $0x80, v3, vm0, $0xb8;
	[tilespmem:$0x7080] =	vst v63  }
0x7d: {  	v3 =	vld [tilespmem:$0x20];
	_ =	sdelay $0x4  }
0x7e: {  	v45 =	vshll.u32 v3, $0x1  }
0x7f: {  	v3 =	vand.u32 $0x7, v3;
	v4 =	vand.u32 $0xFFFFFFF0, v45  }
0x80: {  	v3 =	vor.u32 v3, v4  }
0x81: {  	v4 =	vperm.xlane v3, v0;
	_ =	sdelay $0x1  }
0x82: {  	v3 =	vperm.xlane v3, v2;
	v4 =	vadd.s32 v1, v4;
	_ =	sdelay $0x1  }
0x83: {  	v3 =	vadd.s32 v1, v3;
	_ =	sdelay $0x2  }
0x84: {  	[tilespmem:s18], [sflag:$0x1] =	stream.indirect_vreg.gather [hbm4b:s1+s3], $0x80, v4, vm0, $0xb8;
	[tilespmem:$0x7080] =	vst v63  }
0x85: {  	_ = 	snop  }
0x86: {  	[tilespmem:s19], [sflag:$0x1] =	stream.indirect_vreg.gather [hbm4b:s1+s3], $0x80, v3, vm0, $0xb8;
	[tilespmem:$0x7080] =	vst v63  }
0x87: {  	v3 =	vld [tilespmem:$0x30];
	_ =	sdelay $0x4  }
0x88: {  	v46 =	vshll.u32 v3, $0x1  }
0x89: {  	v3 =	vand.u32 $0x7, v3;
	v4 =	vand.u32 $0xFFFFFFF0, v46  }
0x8a: {  	v3 =	vor.u32 v3, v4  }
0x8b: {  	v4 =	vperm.xlane v3, v0;
	_ =	sdelay $0x1  }
0x8c: {  	v3 =	vperm.xlane v3, v2;
	v4 =	vadd.s32 v1, v4;
	_ =	sdelay $0x1  }
0x8d: {  	v3 =	vadd.s32 v1, v3;
	_ =	sdelay $0x2  }
0x8e: {  	[tilespmem:s20], [sflag:$0x1] =	stream.indirect_vreg.gather [hbm4b:s1+s3], $0x80, v4, vm0, $0xb8;
	[tilespmem:$0x7080] =	vst v63  }
0x8f: {  	_ = 	snop  }
0x90: {  	[tilespmem:s21], [sflag:$0x1] =	stream.indirect_vreg.gather [hbm4b:s1+s3], $0x80, v3, vm0, $0xb8;
	[tilespmem:$0x7080] =	vst v63  }
0x91: {  	v3 =	vld [tilespmem:$0x40];
	_ =	sdelay $0x4  }
0x92: {  	v47 =	vshll.u32 v3, $0x1  }
0x93: {  	v3 =	vand.u32 $0x7, v3;
	v4 =	vand.u32 $0xFFFFFFF0, v47  }
0x94: {  	v3 =	vor.u32 v3, v4  }
0x95: {  	v4 =	vperm.xlane v3, v0;
	_ =	sdelay $0x1  }
0x96: {  	v3 =	vperm.xlane v3, v2;
	v4 =	vadd.s32 v1, v4;
	_ =	sdelay $0x1  }
0x97: {  	v3 =	vadd.s32 v1, v3;
	_ =	sdelay $0x2  }
0x98: {  	[tilespmem:s22], [sflag:$0x1] =	stream.indirect_vreg.gather [hbm4b:s1+s3], $0x80, v4, vm0, $0xb8;
	[tilespmem:$0x7080] =	vst v63  }
0x99: {  	_ = 	snop  }
0x9a: {  	[tilespmem:s23], [sflag:$0x1] =	stream.indirect_vreg.gather [hbm4b:s1+s3], $0x80, v3, vm0, $0xb8;
	[tilespmem:$0x7080] =	vst v63  }
0x9b: {  	v3 =	vld [tilespmem:$0x50];
	_ =	sdelay $0x4  }
0x9c: {  	v48 =	vshll.u32 v3, $0x1  }
0x9d: {  	v3 =	vand.u32 $0x7, v3;
	v4 =	vand.u32 $0xFFFFFFF0, v48  }
0x9e: {  	v3 =	vor.u32 v3, v4  }
0x9f: {  	v4 =	vperm.xlane v3, v0;
	_ =	sdelay $0x1  }
0xa0: {  	v3 =	vperm.xlane v3, v2;
	v4 =	vadd.s32 v1, v4;
	_ =	sdelay $0x1  }
0xa1: {  	v3 =	vadd.s32 v1, v3;
	_ =	sdelay $0x2  }
0xa2: {  	[tilespmem:s24], [sflag:$0x1] =	stream.indirect_vreg.gather [hbm4b:s1+s3], $0x80, v4, vm0, $0xb8;
	[tilespmem:$0x7080] =	vst v63  }
0xa3: {  	_ = 	snop  }
0xa4: {  	[tilespmem:s25], [sflag:$0x1] =	stream.indirect_vreg.gather [hbm4b:s1+s3], $0x80, v3, vm0, $0xb8;
	[tilespmem:$0x7080] =	vst v63  }
0xa5: {  	v3 =	vld [tilespmem:$0x60];
	_ =	sdelay $0x4  }
0xa6: {  	v49 =	vshll.u32 v3, $0x1  }
0xa7: {  	v3 =	vand.u32 $0x7, v3;
	v4 =	vand.u32 $0xFFFFFFF0, v49  }
0xa8: {  	v3 =	vor.u32 v3, v4  }
0xa9: {  	v4 =	vperm.xlane v3, v0;
	_ =	sdelay $0x1  }
0xaa: {  	v3 =	vperm.xlane v3, v2;
	v4 =	vadd.s32 v1, v4;
	_ =	sdelay $0x1  }
0xab: {  	v3 =	vadd.s32 v1, v3;
	_ =	sdelay $0x2  }
0xac: {  	[tilespmem:s26], [sflag:$0x1] =	stream.indirect_vreg.gather [hbm4b:s1+s3], $0x80, v4, vm0, $0xb8;
	[tilespmem:$0x7080] =	vst v63  }
0xad: {  	_ = 	snop  }
0xae: {  	[tilespmem:s28], [sflag:$0x1] =	stream.indirect_vreg.gather [hbm4b:s1+s3], $0x80, v3, vm0, $0xb8;
	[tilespmem:$0x7080] =	vst v63  }
0xaf: {  	_ =	swait.ge [sflag:s29], $0x7000  }
0xb0: {  	[sflag:s29] =	ssyncset.done $0x0  }
0xb1: {  	[sflag:s29] =	ssyncadd.s32 $0xFFFF9000  }
0xb2: {  	[hbm4b:s7+s3] =	stream.linear.scatter [tilespmem:s14], [sflag:$0x2], $0x7000, $0x38;
	[tilespmem:$0x7080] =	vst v63  }
0xb3: {  	_ =	swait.ge [sflag:s13], $0x7000  }
0xb4: {  	[sflag:s13] =	ssyncset.done $0x0  }
0xb5: {  	[sflag:s13] =	ssyncadd.s32 $0xFFFF9000  }
0xb6: {  	[tilespmem:s3], [sflag:$0x2] =	stream.linear.gather [hbm4b:s8+s3], $0x70, $0x38;
	[tilespmem:$0x7080] =	vst v63  }
0xb7: {  	_ =	swait.ge [sflag:s13], $0x70  }
0xb8: {  	[sflag:s13] =	ssyncset.done $0x0  }
0xb9: {  	[sflag:s13] =	ssyncadd.s32 $0xFFFFFF90  }
0xba: {  	v3 =	vld [tilespmem:$0x0];
	_ =	sdelay $0x4  }
0xbb: {  	v50 =	vshll.u32 v3, $0x1  }
0xbc: {  	v3 =	vand.u32 $0x7, v3;
	v4 =	vand.u32 $0xFFFFFFF0, v50  }
0xbd: {  	v3 =	vor.u32 v3, v4  }
0xbe: {  	v4 =	vperm.xlane v3, v0;
	_ =	sdelay $0x1  }
0xbf: {  	v3 =	vperm.xlane v3, v2;
	v4 =	vadd.s32 v1, v4;
	_ =	sdelay $0x1  }
0xc0: {  	v3 =	vadd.s32 v1, v3;
	_ =	sdelay $0x2  }
0xc1: {  	[tilespmem:s14], [sflag:$0x1] =	stream.indirect_vreg.gather [hbm4b:s1+s3], $0x80, v4, vm0, $0xb8;
	[tilespmem:$0x7080] =	vst v63  }
0xc2: {  	_ = 	snop  }
0xc3: {  	[tilespmem:s15], [sflag:$0x1] =	stream.indirect_vreg.gather [hbm4b:s1+s3], $0x80, v3, vm0, $0xb8;
	[tilespmem:$0x7080] =	vst v63  }
0xc4: {  	v3 =	vld [tilespmem:$0x10];
	_ =	sdelay $0x4  }
0xc5: {  	v51 =	vshll.u32 v3, $0x1  }
0xc6: {  	v3 =	vand.u32 $0x7, v3;
	v4 =	vand.u32 $0xFFFFFFF0, v51  }
0xc7: {  	v3 =	vor.u32 v3, v4  }
0xc8: {  	v4 =	vperm.xlane v3, v0;
	_ =	sdelay $0x1  }
0xc9: {  	v3 =	vperm.xlane v3, v2;
	v4 =	vadd.s32 v1, v4;
	_ =	sdelay $0x1  }
0xca: {  	v3 =	vadd.s32 v1, v3;
	_ =	sdelay $0x2  }
0xcb: {  	[tilespmem:s16], [sflag:$0x1] =	stream.indirect_vreg.gather [hbm4b:s1+s3], $0x80, v4, vm0, $0xb8;
	[tilespmem:$0x7080] =	vst v63  }
0xcc: {  	_ = 	snop  }
0xcd: {  	[tilespmem:s17], [sflag:$0x1] =	stream.indirect_vreg.gather [hbm4b:s1+s3], $0x80, v3, vm0, $0xb8;
	[tilespmem:$0x7080] =	vst v63  }
0xce: {  	v3 =	vld [tilespmem:$0x20];
	_ =	sdelay $0x4  }
0xcf: {  	v52 =	vshll.u32 v3, $0x1  }
0xd0: {  	v3 =	vand.u32 $0x7, v3;
	v4 =	vand.u32 $0xFFFFFFF0, v52  }
0xd1: {  	v3 =	vor.u32 v3, v4  }
0xd2: {  	v4 =	vperm.xlane v3, v0;
	_ =	sdelay $0x1  }
0xd3: {  	v3 =	vperm.xlane v3, v2;
	v4 =	vadd.s32 v1, v4;
	_ =	sdelay $0x1  }
0xd4: {  	v3 =	vadd.s32 v1, v3;
	_ =	sdelay $0x2  }
0xd5: {  	[tilespmem:s18], [sflag:$0x1] =	stream.indirect_vreg.gather [hbm4b:s1+s3], $0x80, v4, vm0, $0xb8;
	[tilespmem:$0x7080] =	vst v63  }
0xd6: {  	_ = 	snop  }
0xd7: {  	[tilespmem:s19], [sflag:$0x1] =	stream.indirect_vreg.gather [hbm4b:s1+s3], $0x80, v3, vm0, $0xb8;
	[tilespmem:$0x7080] =	vst v63  }
0xd8: {  	v3 =	vld [tilespmem:$0x30];
	_ =	sdelay $0x4  }
0xd9: {  	v53 =	vshll.u32 v3, $0x1  }
0xda: {  	v3 =	vand.u32 $0x7, v3;
	v4 =	vand.u32 $0xFFFFFFF0, v53  }
0xdb: {  	v3 =	vor.u32 v3, v4  }
0xdc: {  	v4 =	vperm.xlane v3, v0;
	_ =	sdelay $0x1  }
0xdd: {  	v3 =	vperm.xlane v3, v2;
	v4 =	vadd.s32 v1, v4;
	_ =	sdelay $0x1  }
0xde: {  	v3 =	vadd.s32 v1, v3;
	_ =	sdelay $0x2  }
0xdf: {  	[tilespmem:s20], [sflag:$0x1] =	stream.indirect_vreg.gather [hbm4b:s1+s3], $0x80, v4, vm0, $0xb8;
	[tilespmem:$0x7080] =	vst v63  }
0xe0: {  	_ = 	snop  }
0xe1: {  	[tilespmem:s21], [sflag:$0x1] =	stream.indirect_vreg.gather [hbm4b:s1+s3], $0x80, v3, vm0, $0xb8;
	[tilespmem:$0x7080] =	vst v63  }
0xe2: {  	v3 =	vld [tilespmem:$0x40];
	_ =	sdelay $0x4  }
0xe3: {  	v54 =	vshll.u32 v3, $0x1  }
0xe4: {  	v3 =	vand.u32 $0x7, v3;
	v4 =	vand.u32 $0xFFFFFFF0, v54  }
0xe5: {  	v3 =	vor.u32 v3, v4  }
0xe6: {  	v4 =	vperm.xlane v3, v0;
	_ =	sdelay $0x1  }
0xe7: {  	v3 =	vperm.xlane v3, v2;
	v4 =	vadd.s32 v1, v4;
	_ =	sdelay $0x1  }
0xe8: {  	v3 =	vadd.s32 v1, v3;
	_ =	sdelay $0x2  }
0xe9: {  	[tilespmem:s22], [sflag:$0x1] =	stream.indirect_vreg.gather [hbm4b:s1+s3], $0x80, v4, vm0, $0xb8;
	[tilespmem:$0x7080] =	vst v63  }
0xea: {  	_ = 	snop  }
0xeb: {  	[tilespmem:s23], [sflag:$0x1] =	stream.indirect_vreg.gather [hbm4b:s1+s3], $0x80, v3, vm0, $0xb8;
	[tilespmem:$0x7080] =	vst v63  }
0xec: {  	v3 =	vld [tilespmem:$0x50];
	_ =	sdelay $0x4  }
0xed: {  	v55 =	vshll.u32 v3, $0x1  }
0xee: {  	v3 =	vand.u32 $0x7, v3;
	v4 =	vand.u32 $0xFFFFFFF0, v55  }
0xef: {  	v3 =	vor.u32 v3, v4  }
0xf0: {  	v4 =	vperm.xlane v3, v0;
	_ =	sdelay $0x1  }
0xf1: {  	v3 =	vperm.xlane v3, v2;
	v4 =	vadd.s32 v1, v4;
	_ =	sdelay $0x1  }
0xf2: {  	v3 =	vadd.s32 v1, v3;
	_ =	sdelay $0x2  }
0xf3: {  	[tilespmem:s24], [sflag:$0x1] =	stream.indirect_vreg.gather [hbm4b:s1+s3], $0x80, v4, vm0, $0xb8;
	[tilespmem:$0x7080] =	vst v63  }
0xf4: {  	_ = 	snop  }
0xf5: {  	[tilespmem:s25], [sflag:$0x1] =	stream.indirect_vreg.gather [hbm4b:s1+s3], $0x80, v3, vm0, $0xb8;
	[tilespmem:$0x7080] =	vst v63  }
0xf6: {  	v3 =	vld [tilespmem:$0x60];
	_ =	sdelay $0x4  }
0xf7: {  	v56 =	vshll.u32 v3, $0x1  }
0xf8: {  	v3 =	vand.u32 $0x7, v3;
	v4 =	vand.u32 $0xFFFFFFF0, v56  }
0xf9: {  	v3 =	vor.u32 v3, v4  }
0xfa: {  	v4 =	vperm.xlane v3, v0;
	_ =	sdelay $0x1  }
0xfb: {  	v3 =	vperm.xlane v3, v2;
	v4 =	vadd.s32 v1, v4;
	_ =	sdelay $0x1  }
0xfc: {  	v3 =	vadd.s32 v1, v3;
	_ =	sdelay $0x2  }
0xfd: {  	[tilespmem:s26], [sflag:$0x1] =	stream.indirect_vreg.gather [hbm4b:s1+s3], $0x80, v4, vm0, $0xb8;
	[tilespmem:$0x7080] =	vst v63  }
0xfe: {  	_ = 	snop  }
0xff: {  	[tilespmem:s28], [sflag:$0x1] =	stream.indirect_vreg.gather [hbm4b:s1+s3], $0x80, v3, vm0, $0xb8;
	[tilespmem:$0x7080] =	vst v63  }
0x100: {  	_ =	swait.ge [sflag:s29], $0x7000  }
0x101: {  	[sflag:s29] =	ssyncset.done $0x0  }
0x102: {  	[sflag:s29] =	ssyncadd.s32 $0xFFFF9000  }
0x103: {  	[hbm4b:s9+s3] =	stream.linear.scatter [tilespmem:s14], [sflag:$0x2], $0x7000, $0x38;
	[tilespmem:$0x7080] =	vst v63  }
0x104: {  	_ =	swait.ge [sflag:s13], $0x7000  }
0x105: {  	[sflag:s13] =	ssyncset.done $0x0  }
0x106: {  	[sflag:s13] =	ssyncadd.s32 $0xFFFF9000  }
0x107: {  	[tilespmem:s3], [sflag:$0x2] =	stream.linear.gather [hbm4b:s10+s3], $0x70, $0x38;
	[tilespmem:$0x7080] =	vst v63  }
0x108: {  	_ =	swait.ge [sflag:s13], $0x70  }
0x109: {  	[sflag:s13] =	ssyncset.done $0x0  }
0x10a: {  	[sflag:s13] =	ssyncadd.s32 $0xFFFFFF90  }
0x10b: {  	v3 =	vld [tilespmem:$0x0];
	_ =	sdelay $0x4  }
0x10c: {  	v57 =	vshll.u32 v3, $0x1  }
0x10d: {  	v3 =	vand.u32 $0x7, v3;
	v4 =	vand.u32 $0xFFFFFFF0, v57  }
0x10e: {  	v3 =	vor.u32 v3, v4  }
0x10f: {  	v4 =	vperm.xlane v3, v0;
	_ =	sdelay $0x1  }
0x110: {  	v3 =	vperm.xlane v3, v2;
	v4 =	vadd.s32 v1, v4;
	_ =	sdelay $0x1  }
0x111: {  	v3 =	vadd.s32 v1, v3;
	_ =	sdelay $0x2  }
0x112: {  	[tilespmem:s14], [sflag:$0x1] =	stream.indirect_vreg.gather [hbm4b:s1+s3], $0x80, v4, vm0, $0xb8;
	[tilespmem:$0x7080] =	vst v63  }
0x113: {  	_ = 	snop  }
0x114: {  	[tilespmem:s15], [sflag:$0x1] =	stream.indirect_vreg.gather [hbm4b:s1+s3], $0x80, v3, vm0, $0xb8;
	[tilespmem:$0x7080] =	vst v63  }
0x115: {  	v3 =	vld [tilespmem:$0x10];
	_ =	sdelay $0x4  }
0x116: {  	v58 =	vshll.u32 v3, $0x1  }
0x117: {  	v3 =	vand.u32 $0x7, v3;
	v4 =	vand.u32 $0xFFFFFFF0, v58  }
0x118: {  	v3 =	vor.u32 v3, v4  }
0x119: {  	v4 =	vperm.xlane v3, v0;
	_ =	sdelay $0x1  }
0x11a: {  	v3 =	vperm.xlane v3, v2;
	v4 =	vadd.s32 v1, v4;
	_ =	sdelay $0x1  }
0x11b: {  	v3 =	vadd.s32 v1, v3;
	_ =	sdelay $0x2  }
0x11c: {  	[tilespmem:s16], [sflag:$0x1] =	stream.indirect_vreg.gather [hbm4b:s1+s3], $0x80, v4, vm0, $0xb8;
	[tilespmem:$0x7080] =	vst v63  }
0x11d: {  	_ = 	snop  }
0x11e: {  	[tilespmem:s17], [sflag:$0x1] =	stream.indirect_vreg.gather [hbm4b:s1+s3], $0x80, v3, vm0, $0xb8;
	[tilespmem:$0x7080] =	vst v63  }
0x11f: {  	v3 =	vld [tilespmem:$0x20];
	_ =	sdelay $0x4  }
0x120: {  	v59 =	vshll.u32 v3, $0x1  }
0x121: {  	v3 =	vand.u32 $0x7, v3;
	v4 =	vand.u32 $0xFFFFFFF0, v59  }
0x122: {  	v3 =	vor.u32 v3, v4  }
0x123: {  	v4 =	vperm.xlane v3, v0;
	_ =	sdelay $0x1  }
0x124: {  	v3 =	vperm.xlane v3, v2;
	v4 =	vadd.s32 v1, v4;
	_ =	sdelay $0x1  }
0x125: {  	v3 =	vadd.s32 v1, v3;
	_ =	sdelay $0x2  }
0x126: {  	[tilespmem:s18], [sflag:$0x1] =	stream.indirect_vreg.gather [hbm4b:s1+s3], $0x80, v4, vm0, $0xb8;
	[tilespmem:$0x7080] =	vst v63  }
0x127: {  	_ = 	snop  }
0x128: {  	[tilespmem:s19], [sflag:$0x1] =	stream.indirect_vreg.gather [hbm4b:s1+s3], $0x80, v3, vm0, $0xb8;
	[tilespmem:$0x7080] =	vst v63  }
0x129: {  	v3 =	vld [tilespmem:$0x30];
	_ =	sdelay $0x4  }
0x12a: {  	v60 =	vshll.u32 v3, $0x1  }
0x12b: {  	v3 =	vand.u32 $0x7, v3;
	v4 =	vand.u32 $0xFFFFFFF0, v60  }
0x12c: {  	v3 =	vor.u32 v3, v4  }
0x12d: {  	v4 =	vperm.xlane v3, v0;
	_ =	sdelay $0x1  }
0x12e: {  	v3 =	vperm.xlane v3, v2;
	v4 =	vadd.s32 v1, v4;
	_ =	sdelay $0x1  }
0x12f: {  	v3 =	vadd.s32 v1, v3;
	_ =	sdelay $0x2  }
0x130: {  	[tilespmem:s20], [sflag:$0x1] =	stream.indirect_vreg.gather [hbm4b:s1+s3], $0x80, v4, vm0, $0xb8;
	[tilespmem:$0x7080] =	vst v63  }
0x131: {  	_ = 	snop  }
0x132: {  	[tilespmem:s21], [sflag:$0x1] =	stream.indirect_vreg.gather [hbm4b:s1+s3], $0x80, v3, vm0, $0xb8;
	[tilespmem:$0x7080] =	vst v63  }
0x133: {  	v3 =	vld [tilespmem:$0x40];
	_ =	sdelay $0x4  }
0x134: {  	v61 =	vshll.u32 v3, $0x1  }
0x135: {  	v3 =	vand.u32 $0x7, v3;
	v4 =	vand.u32 $0xFFFFFFF0, v61  }
0x136: {  	v3 =	vor.u32 v3, v4  }
0x137: {  	v4 =	vperm.xlane v3, v0;
	_ =	sdelay $0x1  }
0x138: {  	v3 =	vperm.xlane v3, v2;
	v4 =	vadd.s32 v1, v4;
	_ =	sdelay $0x1  }
0x139: {  	v3 =	vadd.s32 v1, v3;
	_ =	sdelay $0x2  }
0x13a: {  	[tilespmem:s22], [sflag:$0x1] =	stream.indirect_vreg.gather [hbm4b:s1+s3], $0x80, v4, vm0, $0xb8;
	[tilespmem:$0x7080] =	vst v63  }
0x13b: {  	_ = 	snop  }
0x13c: {  	[tilespmem:s23], [sflag:$0x1] =	stream.indirect_vreg.gather [hbm4b:s1+s3], $0x80, v3, vm0, $0xb8;
	[tilespmem:$0x7080] =	vst v63  }
0x13d: {  	v3 =	vld [tilespmem:$0x50];
	_ =	sdelay $0x4  }
0x13e: {  	v62 =	vshll.u32 v3, $0x1  }
0x13f: {  	v3 =	vand.u32 $0x7, v3;
	v4 =	vand.u32 $0xFFFFFFF0, v62  }
0x140: {  	v3 =	vor.u32 v3, v4  }
0x141: {  	v4 =	vperm.xlane v3, v0;
	_ =	sdelay $0x1  }
0x142: {  	v3 =	vperm.xlane v3, v2;
	v4 =	vadd.s32 v1, v4;
	_ =	sdelay $0x1  }
0x143: {  	v3 =	vadd.s32 v1, v3;
	_ =	sdelay $0x2  }
0x144: {  	[tilespmem:s24], [sflag:$0x1] =	stream.indirect_vreg.gather [hbm4b:s1+s3], $0x80, v4, vm0, $0xb8;
	[tilespmem:$0x7080] =	vst v63  }
0x145: {  	_ = 	snop  }
0x146: {  	[tilespmem:s25], [sflag:$0x1] =	stream.indirect_vreg.gather [hbm4b:s1+s3], $0x80, v3, vm0, $0xb8;
	[tilespmem:$0x7080] =	vst v63  }
0x147: {  	v3 =	vld [tilespmem:$0x60];
	_ =	sdelay $0x4  }
0x148: {  	v63 =	vshll.u32 v3, $0x1  }
0x149: {  	v3 =	vand.u32 $0x7, v3;
	v4 =	vand.u32 $0xFFFFFFF0, v63  }
0x14a: {  	v3 =	vor.u32 v3, v4  }
0x14b: {  	v4 =	vperm.xlane v3, v0;
	_ =	sdelay $0x1  }
0x14c: {  	v3 =	vperm.xlane v3, v2;
	v4 =	vadd.s32 v1, v4;
	_ =	sdelay $0x1  }
0x14d: {  	v3 =	vadd.s32 v1, v3;
	_ =	sdelay $0x2  }
0x14e: {  	[tilespmem:s26], [sflag:$0x1] =	stream.indirect_vreg.gather [hbm4b:s1+s3], $0x80, v4, vm0, $0xb8;
	[tilespmem:$0x7080] =	vst v63  }
0x14f: {  	_ = 	snop  }
0x150: {  	[tilespmem:s28], [sflag:$0x1] =	stream.indirect_vreg.gather [hbm4b:s1+s3], $0x80, v3, vm0, $0xb8;
	[tilespmem:$0x7080] =	vst v63  }
0x151: {  	_ =	swait.ge [sflag:s29], $0x7000  }
0x152: {  	p0 =	sne.s32 s12, $0x1;
	[sflag:s29] =	ssyncset.done $0x0  }
.Ltmp0:
0x153: {  	[sflag:s29] =	ssyncadd.s32 $0xFFFF9000;
	(pc) =	sbr.rel @p0 .LBB2_1-.Ltmp0, $4  }
0x154: {  	[hbm4b:s11+s3] =	stream.linear.scatter [tilespmem:s14], [sflag:$0x2], $0x7000, $0x38;
	[tilespmem:$0x7080] =	vst v63  }
0x155: {  	_ =	swait.ge [sflag:s13], $0x7000  }
0x156: {  	[sflag:s13] =	ssyncset.done $0x0  }
0x157: {  	s12 =	sadd.s32 $0xFFFFFFFF, s12;
	[sflag:s13] =	ssyncadd.s32 $0xFFFF9000  }
0x158: {  	_ =	sfence.sel $0x180000  }
0x159: {  	[bflag:$0x0] =	sbarrier.arrive $0xFFFF  }
0x15a: {  	p0 =	sne.s32 s2, $0x0;
	_ =	strace $0x90000047  }
0x15b: {  	s0 =	sadd.s32 @!p0 $0x100000, s0;
	[bflag:$0x2] =	sbarrier.arrive $0xFFFF  }
0x15c: {  	[sflag:s0] =	ssyncadd.tile.s32 @!p0 $0x1;
	_ =	shalt  }
.Lfunc_end2:
_tile_overlayer_lowered:
.L_overlay_start_2:
0x15d: {  	(tag) =	ssettag $0x2  }
0x15e: {  	s0 =	rddreg [dreg:$0x0];
	s2 =	stileid.u32  }
0x15f: {  	s1 =	rddreg [dreg:$0x1];
	p0 =	sne.s32 s2, $0x0  }
0x160: {  	s3 =	rddreg [dreg:$0x2];
	[bflag:$0x3] =	sbarrier.arrive $0xFFFF;
	s2 =	simm.s32 @!p0 $0x1C02  }
0x161: {  	[timem:s3], [sflag:s2] =	dma.local @!p0 [hbm:s0], s1  }
0x162: {  	s0 =	simm.s32 @!p0 $0x2  }
0x163: {  	_ =	swait.ge @!p0 [sflag:s0], s1  }
0x164: {  	s1 =	ssub.s32 @!p0 $0x0, s1;
	[sflag:s0] =	ssyncset.done @!p0 $0x0  }
0x165: {  	[sflag:s0] =	ssyncadd.s32 @!p0 s1  }
0x166: {  	[bflag:$0x3] =	sbarrier.arrive $0xFFFF  }
0x167: {  	_ =	shalt  }

</sc_bundles>
